<compile_context>
chip_gen: v7x
topology: tpu7x:2x2x1
jax: 0.10.2.dev20260603
libtpu: 0.0.44.dev20260713+nightly
codegen_flags: <defaults>
</compile_context>

<pallas_src>
import functools

import jax
import jax.numpy as jnp
from jax import lax
from jax.experimental import pallas as pl
from jax.experimental.pallas import tpu as pltpu
from jax.experimental.pallas import tpu_sc as plsc

_NC = 2
_NS = 16
_L = 16
_NW = _NC * _NS

_LUT_SIZE = 257
_LUT_PAD = 264

_RPC = 8


def _interp_chunk(cols, tab_c, tab_b, xbuf, ybuf):
    t_hi = 255.9999847412109375

    @plsc.parallel_loop(0, _RPC * cols // _L, unroll=4)
    def _(i):
        xv = xbuf[pl.ds(i * _L, _L)]
        t = jnp.minimum(jnp.maximum(xv * 16.0 + 128.0, 0.0), t_hi)
        fi = t.astype(jnp.int32)
        c = plsc.load_gather(tab_c, [fi])
        d = plsc.load_gather(tab_b, [fi])
        ybuf[pl.ds(i * _L, _L)] = c + d * t


def _sc_body(rows_per_w, n_chunks, cols, x_hbm, lut_hbm, out_hbm,
             lut_v, tab_c, tab_b, xb0, xb1, yb0, yb1,
             sem_i0, sem_i1, sem_o0, sem_o1):
    wid = lax.axis_index("s") * _NC + lax.axis_index("c")
    base = wid * rows_per_w

    pltpu.sync_copy(lut_hbm, lut_v)

    lanes = lax.iota(jnp.int32, _L)
    for j in range(256 // _L):
        idxv = lanes + (j * _L)
        a = plsc.load_gather(lut_v, [idxv])
        hi = plsc.load_gather(lut_v, [idxv + 1])
        b = hi - a
        tab_c[pl.ds(j * _L, _L)] = a - b * idxv.astype(jnp.float32)
        tab_b[pl.ds(j * _L, _L)] = b

    def start_in(c, xb, sem):
        for r in range(_RPC):
            pltpu.async_copy(x_hbm.at[base + c * _RPC + r, :],
                             xb.at[pl.ds(r * cols, cols)], sem)

    def wait_in(xb, sem):
        for r in range(_RPC):
            pltpu.make_async_copy(x_hbm.at[base, :],
                                  xb.at[pl.ds(r * cols, cols)], sem).wait()

    def start_out(c, yb, sem):
        for r in range(_RPC):
            pltpu.async_copy(yb.at[pl.ds(r * cols, cols)],
                             out_hbm.at[base + c * _RPC + r, :], sem)

    def wait_out(yb, sem):
        for r in range(_RPC):
            pltpu.make_async_copy(yb.at[pl.ds(r * cols, cols)],
                                  out_hbm.at[base, :], sem).wait()

    n_outer = n_chunks // 2
    start_in(0, xb0, sem_i0)

    def outer(i, carry):
        c0 = i * 2
        start_in(c0 + 1, xb1, sem_i1)
        wait_in(xb0, sem_i0)

        @pl.when(i >= 1)
        def _():
            wait_out(yb0, sem_o0)

        _interp_chunk(cols, tab_c, tab_b, xb0, yb0)
        start_out(c0, yb0, sem_o0)

        @pl.when(i < n_outer - 1)
        def _():
            start_in(c0 + 2, xb0, sem_i0)

        wait_in(xb1, sem_i1)

        @pl.when(i >= 1)
        def _():
            wait_out(yb1, sem_o1)

        _interp_chunk(cols, tab_c, tab_b, xb1, yb1)
        start_out(c0 + 1, yb1, sem_o1)
        return carry

    lax.fori_loop(0, n_outer, outer, 0)
    wait_out(yb0, sem_o0)
    wait_out(yb1, sem_o1)


def kernel(x, lut):
    cols = x.shape[-1]
    rows = x.size // cols
    assert rows % (_NW * _RPC * 2) == 0 and cols % _L == 0
    rows_per_w = rows // _NW
    n_chunks = rows_per_w // _RPC

    lut_p = jnp.pad(lut, (0, _LUT_PAD - _LUT_SIZE))
    x2 = x.reshape(rows, cols)

    mesh = plsc.VectorSubcoreMesh(
        core_axis_name="c", subcore_axis_name="s",
        num_cores=_NC, num_subcores=_NS)

    body = functools.partial(_sc_body, rows_per_w, n_chunks, cols)
    run = pl.kernel(
        body,
        out_type=jax.ShapeDtypeStruct((rows, cols), jnp.float32),
        mesh=mesh,
        compiler_params=pltpu.CompilerParams(needs_layout_passes=False),
        scratch_types=[
            pltpu.VMEM((_LUT_PAD,), jnp.float32),
            pltpu.VMEM((_LUT_PAD,), jnp.float32),
            pltpu.VMEM((_LUT_PAD,), jnp.float32),
            pltpu.VMEM((_RPC * cols,), jnp.float32),
            pltpu.VMEM((_RPC * cols,), jnp.float32),
            pltpu.VMEM((_RPC * cols,), jnp.float32),
            pltpu.VMEM((_RPC * cols,), jnp.float32),
            pltpu.SemaphoreType.DMA,
            pltpu.SemaphoreType.DMA,
            pltpu.SemaphoreType.DMA,
            pltpu.SemaphoreType.DMA,
        ],
    )
    y = run(x2, lut_p)
    return y.reshape(x.shape)

# --- scband reference (transcript-rebuilt; emitter-appended) ---
"""Pipeline reference for scband-sigmoid-lut-24610162606359 (READ-ONLY COPY).

The authoritative reference and input builder live on the scoring server;
editing this copy changes nothing except your own understanding.
"""

import jax, jax.numpy as jnp
import numpy as np

SIGMOID_LUT_MAX = 8.0
SIGMOID_LUT_MIN = -8.0
SIGMOID_LUT_SIZE = 257
SIGMOID_LUT_STEP = 1.0 / 16.0


def _build_sigmoid_lut(dtype=jnp.float32):
    xs = jnp.arange(SIGMOID_LUT_SIZE, dtype=dtype) * SIGMOID_LUT_STEP + SIGMOID_LUT_MIN
    return jax.nn.sigmoid(xs)


def setup_inputs(seed: int = 0) -> dict:
    key = jax.random.key(seed)
    x = jax.random.normal(key, (2, 8192, 2048), dtype=jnp.float32) * 4.0
    lut = _build_sigmoid_lut()
    return {"x": x, "lut": lut}


def reference(x, lut):
    x_clamped = jnp.clip(x, SIGMOID_LUT_MIN, SIGMOID_LUT_MAX)
    idx_f = (x_clamped - SIGMOID_LUT_MIN) / SIGMOID_LUT_STEP
    idx_lo = jnp.minimum(jnp.floor(idx_f).astype(jnp.int32), SIGMOID_LUT_SIZE - 2)
    frac = idx_f - idx_lo.astype(idx_f.dtype)
    lo = jnp.take(lut, idx_lo)
    hi = jnp.take(lut, idx_lo + 1)
    y = lo + (hi - lo) * frac
    return y

if __name__ == "__main__":
    import jax
    _d = setup_inputs()
    print(jax.jit(kernel)(*tuple(_d.values())))

</pallas_src>

<mosaic_0001>
#map = affine_map<(d0, d1) -> (0, 0)>
#map1 = affine_map<(d0, d1) -> (0)>
module attributes {stable_mosaic.version = 14 : i64} {
  func.func @_sc_body(%arg0: i32, %arg1: i32, %arg2: memref<16384x2048xf32, #tpu.memory_space<hbm>>, %arg3: memref<264xf32, #tpu.memory_space<hbm>>, %arg4: memref<16384x2048xf32, #tpu.memory_space<hbm>>, %arg5: memref<264xf32, #tpu.memory_space<vmem>>, %arg6: memref<264xf32, #tpu.memory_space<vmem>>, %arg7: memref<264xf32, #tpu.memory_space<vmem>>, %arg8: memref<16384xf32, #tpu.memory_space<vmem>>, %arg9: memref<16384xf32, #tpu.memory_space<vmem>>, %arg10: memref<16384xf32, #tpu.memory_space<vmem>>, %arg11: memref<16384xf32, #tpu.memory_space<vmem>>, %arg12: memref<!tpu.dma_semaphore, #tpu.memory_space<semaphore_mem>>, %arg13: memref<!tpu.dma_semaphore, #tpu.memory_space<semaphore_mem>>, %arg14: memref<!tpu.dma_semaphore, #tpu.memory_space<semaphore_mem>>, %arg15: memref<!tpu.dma_semaphore, #tpu.memory_space<semaphore_mem>>) attributes {dimension_semantics = [#tpu.dimension_semantics<core_parallel>, #tpu.dimension_semantics<subcore_parallel>], iteration_bounds = array<i64: 2, 16>, scalar_prefetch = 0 : i64, scratch_operands = 11 : i64, tpu.core_type = #tpu.core_type<sc_vector_subcore>, window_params = [{transform_indices = #map}, {transform_indices = #map1}, {transform_indices = #map}]} {
    %mul3A = arith.constant 2 : i32
    %mul3A_0 = arith.muli %arg1, %mul3A : i32
    %add3A = arith.addi %mul3A_0, %arg0 : i32
    %mul3A_1 = arith.constant 512 : i32
    %mul3A_2 = arith.muli %add3A, %mul3A_1 : i32
    "tpu.region"() ({
      %run_scoped3A = tpu.sem_alloc : memref<!tpu.dma_semaphore, #tpu.memory_space<semaphore_mem>>
      tpu.enqueue_dma source(%arg3 : memref<264xf32, #tpu.memory_space<hbm>>) target(%arg5 : memref<264xf32, #tpu.memory_space<vmem>>) target_semaphore(%run_scoped3A : memref<!tpu.dma_semaphore, #tpu.memory_space<semaphore_mem>>)
      tpu.wait_dma2 semaphore(%run_scoped3A : memref<!tpu.dma_semaphore, #tpu.memory_space<semaphore_mem>>) src(%arg3 : memref<264xf32, #tpu.memory_space<hbm>>) dst(%arg5 : memref<264xf32, #tpu.memory_space<vmem>>)
      tpu.yield
    }) : () -> ()
    %iota3A = tpu.iota {dimensions = array<i32: 0>} : vector<16xi32>
    %add3A_3 = arith.constant 0 : i32
    %add3A_4 = vector.broadcast %add3A_3 : i32 to vector<16xi32>
    %add3A_5 = arith.addi %iota3A, %add3A_4 : vector<16xi32>
    %gather3A = tpu.vector_load_idx %arg5[%add3A_5] : memref<264xf32, #tpu.memory_space<vmem>>[vector<16xi32>], vector<16xf32>,
    %add3A_6 = arith.constant 1 : i32
    %add3A_7 = vector.broadcast %add3A_6 : i32 to vector<16xi32>
    %add3A_8 = arith.addi %add3A_5, %add3A_7 : vector<16xi32>
    %gather3A_9 = tpu.vector_load_idx %arg5[%add3A_8] : memref<264xf32, #tpu.memory_space<vmem>>[vector<16xi32>], vector<16xf32>,
    %sub3A = arith.subf %gather3A_9, %gather3A : vector<16xf32>
    %convert_element_type3A = arith.sitofp %add3A_5 : vector<16xi32> to vector<16xf32>
    %mul3A_10 = arith.mulf %sub3A, %convert_element_type3A : vector<16xf32>
    %sub3A_11 = arith.subf %gather3A, %mul3A_10 : vector<16xf32>
    %swap3A = arith.constant 0 : index
    %swap3A_12 = tpu.vector_load %arg6[%swap3A] {strides = array<i32>} : memref<264xf32, #tpu.memory_space<vmem>>, vector<16xf32>,
    tpu.vector_store %arg6[%swap3A], %sub3A_11 {strides = array<i32>} : memref<264xf32, #tpu.memory_space<vmem>>, vector<16xf32>,
    %swap3A_13 = arith.constant 0 : index
    %swap3A_14 = tpu.vector_load %arg7[%swap3A_13] {strides = array<i32>} : memref<264xf32, #tpu.memory_space<vmem>>, vector<16xf32>,
    tpu.vector_store %arg7[%swap3A_13], %sub3A {strides = array<i32>} : memref<264xf32, #tpu.memory_space<vmem>>, vector<16xf32>,
    %add3A_15 = arith.constant 16 : i32
    %add3A_16 = vector.broadcast %add3A_15 : i32 to vector<16xi32>
    %add3A_17 = arith.addi %iota3A, %add3A_16 : vector<16xi32>
    %gather3A_18 = tpu.vector_load_idx %arg5[%add3A_17] : memref<264xf32, #tpu.memory_space<vmem>>[vector<16xi32>], vector<16xf32>,
    %add3A_19 = arith.constant 1 : i32
    %add3A_20 = vector.broadcast %add3A_19 : i32 to vector<16xi32>
    %add3A_21 = arith.addi %add3A_17, %add3A_20 : vector<16xi32>
    %gather3A_22 = tpu.vector_load_idx %arg5[%add3A_21] : memref<264xf32, #tpu.memory_space<vmem>>[vector<16xi32>], vector<16xf32>,
    %sub3A_23 = arith.subf %gather3A_22, %gather3A_18 : vector<16xf32>
    %convert_element_type3A_24 = arith.sitofp %add3A_17 : vector<16xi32> to vector<16xf32>
    %mul3A_25 = arith.mulf %sub3A_23, %convert_element_type3A_24 : vector<16xf32>
    %sub3A_26 = arith.subf %gather3A_18, %mul3A_25 : vector<16xf32>
    %swap3A_27 = arith.constant 16 : index
    %swap3A_28 = tpu.vector_load %arg6[%swap3A_27] {strides = array<i32>} : memref<264xf32, #tpu.memory_space<vmem>>, vector<16xf32>,
    tpu.vector_store %arg6[%swap3A_27], %sub3A_26 {strides = array<i32>} : memref<264xf32, #tpu.memory_space<vmem>>, vector<16xf32>,
    %swap3A_29 = arith.constant 16 : index
    %swap3A_30 = tpu.vector_load %arg7[%swap3A_29] {strides = array<i32>} : memref<264xf32, #tpu.memory_space<vmem>>, vector<16xf32>,
    tpu.vector_store %arg7[%swap3A_29], %sub3A_23 {strides = array<i32>} : memref<264xf32, #tpu.memory_space<vmem>>, vector<16xf32>,
    %add3A_31 = arith.constant 32 : i32
    %add3A_32 = vector.broadcast %add3A_31 : i32 to vector<16xi32>
    %add3A_33 = arith.addi %iota3A, %add3A_32 : vector<16xi32>
    %gather3A_34 = tpu.vector_load_idx %arg5[%add3A_33] : memref<264xf32, #tpu.memory_space<vmem>>[vector<16xi32>], vector<16xf32>,
    %add3A_35 = arith.constant 1 : i32
    %add3A_36 = vector.broadcast %add3A_35 : i32 to vector<16xi32>
    %add3A_37 = arith.addi %add3A_33, %add3A_36 : vector<16xi32>
    %gather3A_38 = tpu.vector_load_idx %arg5[%add3A_37] : memref<264xf32, #tpu.memory_space<vmem>>[vector<16xi32>], vector<16xf32>,
    %sub3A_39 = arith.subf %gather3A_38, %gather3A_34 : vector<16xf32>
    %convert_element_type3A_40 = arith.sitofp %add3A_33 : vector<16xi32> to vector<16xf32>
    %mul3A_41 = arith.mulf %sub3A_39, %convert_element_type3A_40 : vector<16xf32>
    %sub3A_42 = arith.subf %gather3A_34, %mul3A_41 : vector<16xf32>
    %swap3A_43 = arith.constant 32 : index
    %swap3A_44 = tpu.vector_load %arg6[%swap3A_43] {strides = array<i32>} : memref<264xf32, #tpu.memory_space<vmem>>, vector<16xf32>,
    tpu.vector_store %arg6[%swap3A_43], %sub3A_42 {strides = array<i32>} : memref<264xf32, #tpu.memory_space<vmem>>, vector<16xf32>,
    %swap3A_45 = arith.constant 32 : index
    %swap3A_46 = tpu.vector_load %arg7[%swap3A_45] {strides = array<i32>} : memref<264xf32, #tpu.memory_space<vmem>>, vector<16xf32>,
    tpu.vector_store %arg7[%swap3A_45], %sub3A_39 {strides = array<i32>} : memref<264xf32, #tpu.memory_space<vmem>>, vector<16xf32>,
    %add3A_47 = arith.constant 48 : i32
    %add3A_48 = vector.broadcast %add3A_47 : i32 to vector<16xi32>
    %add3A_49 = arith.addi %iota3A, %add3A_48 : vector<16xi32>
    %gather3A_50 = tpu.vector_load_idx %arg5[%add3A_49] : memref<264xf32, #tpu.memory_space<vmem>>[vector<16xi32>], vector<16xf32>,
    %add3A_51 = arith.constant 1 : i32
    %add3A_52 = vector.broadcast %add3A_51 : i32 to vector<16xi32>
    %add3A_53 = arith.addi %add3A_49, %add3A_52 : vector<16xi32>
    %gather3A_54 = tpu.vector_load_idx %arg5[%add3A_53] : memref<264xf32, #tpu.memory_space<vmem>>[vector<16xi32>], vector<16xf32>,
    %sub3A_55 = arith.subf %gather3A_54, %gather3A_50 : vector<16xf32>
    %convert_element_type3A_56 = arith.sitofp %add3A_49 : vector<16xi32> to vector<16xf32>
    %mul3A_57 = arith.mulf %sub3A_55, %convert_element_type3A_56 : vector<16xf32>
    %sub3A_58 = arith.subf %gather3A_50, %mul3A_57 : vector<16xf32>
    %swap3A_59 = arith.constant 48 : index
    %swap3A_60 = tpu.vector_load %arg6[%swap3A_59] {strides = array<i32>} : memref<264xf32, #tpu.memory_space<vmem>>, vector<16xf32>,
    tpu.vector_store %arg6[%swap3A_59], %sub3A_58 {strides = array<i32>} : memref<264xf32, #tpu.memory_space<vmem>>, vector<16xf32>,
    %swap3A_61 = arith.constant 48 : index
    %swap3A_62 = tpu.vector_load %arg7[%swap3A_61] {strides = array<i32>} : memref<264xf32, #tpu.memory_space<vmem>>, vector<16xf32>,
    tpu.vector_store %arg7[%swap3A_61], %sub3A_55 {strides = array<i32>} : memref<264xf32, #tpu.memory_space<vmem>>, vector<16xf32>,
    %add3A_63 = arith.constant 64 : i32
    %add3A_64 = vector.broadcast %add3A_63 : i32 to vector<16xi32>
    %add3A_65 = arith.addi %iota3A, %add3A_64 : vector<16xi32>
    %gather3A_66 = tpu.vector_load_idx %arg5[%add3A_65] : memref<264xf32, #tpu.memory_space<vmem>>[vector<16xi32>], vector<16xf32>,
    %add3A_67 = arith.constant 1 : i32
    %add3A_68 = vector.broadcast %add3A_67 : i32 to vector<16xi32>
    %add3A_69 = arith.addi %add3A_65, %add3A_68 : vector<16xi32>
    %gather3A_70 = tpu.vector_load_idx %arg5[%add3A_69] : memref<264xf32, #tpu.memory_space<vmem>>[vector<16xi32>], vector<16xf32>,
    %sub3A_71 = arith.subf %gather3A_70, %gather3A_66 : vector<16xf32>
    %convert_element_type3A_72 = arith.sitofp %add3A_65 : vector<16xi32> to vector<16xf32>
    %mul3A_73 = arith.mulf %sub3A_71, %convert_element_type3A_72 : vector<16xf32>
    %sub3A_74 = arith.subf %gather3A_66, %mul3A_73 : vector<16xf32>
    %swap3A_75 = arith.constant 64 : index
    %swap3A_76 = tpu.vector_load %arg6[%swap3A_75] {strides = array<i32>} : memref<264xf32, #tpu.memory_space<vmem>>, vector<16xf32>,
    tpu.vector_store %arg6[%swap3A_75], %sub3A_74 {strides = array<i32>} : memref<264xf32, #tpu.memory_space<vmem>>, vector<16xf32>,
    %swap3A_77 = arith.constant 64 : index
    %swap3A_78 = tpu.vector_load %arg7[%swap3A_77] {strides = array<i32>} : memref<264xf32, #tpu.memory_space<vmem>>, vector<16xf32>,
    tpu.vector_store %arg7[%swap3A_77], %sub3A_71 {strides = array<i32>} : memref<264xf32, #tpu.memory_space<vmem>>, vector<16xf32>,
    %add3A_79 = arith.constant 80 : i32
    %add3A_80 = vector.broadcast %add3A_79 : i32 to vector<16xi32>
    %add3A_81 = arith.addi %iota3A, %add3A_80 : vector<16xi32>
    %gather3A_82 = tpu.vector_load_idx %arg5[%add3A_81] : memref<264xf32, #tpu.memory_space<vmem>>[vector<16xi32>], vector<16xf32>,
    %add3A_83 = arith.constant 1 : i32
    %add3A_84 = vector.broadcast %add3A_83 : i32 to vector<16xi32>
    %add3A_85 = arith.addi %add3A_81, %add3A_84 : vector<16xi32>
    %gather3A_86 = tpu.vector_load_idx %arg5[%add3A_85] : memref<264xf32, #tpu.memory_space<vmem>>[vector<16xi32>], vector<16xf32>,
    %sub3A_87 = arith.subf %gather3A_86, %gather3A_82 : vector<16xf32>
    %convert_element_type3A_88 = arith.sitofp %add3A_81 : vector<16xi32> to vector<16xf32>
    %mul3A_89 = arith.mulf %sub3A_87, %convert_element_type3A_88 : vector<16xf32>
    %sub3A_90 = arith.subf %gather3A_82, %mul3A_89 : vector<16xf32>
    %swap3A_91 = arith.constant 80 : index
    %swap3A_92 = tpu.vector_load %arg6[%swap3A_91] {strides = array<i32>} : memref<264xf32, #tpu.memory_space<vmem>>, vector<16xf32>,
    tpu.vector_store %arg6[%swap3A_91], %sub3A_90 {strides = array<i32>} : memref<264xf32, #tpu.memory_space<vmem>>, vector<16xf32>,
    %swap3A_93 = arith.constant 80 : index
    %swap3A_94 = tpu.vector_load %arg7[%swap3A_93] {strides = array<i32>} : memref<264xf32, #tpu.memory_space<vmem>>, vector<16xf32>,
    tpu.vector_store %arg7[%swap3A_93], %sub3A_87 {strides = array<i32>} : memref<264xf32, #tpu.memory_space<vmem>>, vector<16xf32>,
    %add3A_95 = arith.constant 96 : i32
    %add3A_96 = vector.broadcast %add3A_95 : i32 to vector<16xi32>
    %add3A_97 = arith.addi %iota3A, %add3A_96 : vector<16xi32>
    %gather3A_98 = tpu.vector_load_idx %arg5[%add3A_97] : memref<264xf32, #tpu.memory_space<vmem>>[vector<16xi32>], vector<16xf32>,
    %add3A_99 = arith.constant 1 : i32
    %add3A_100 = vector.broadcast %add3A_99 : i32 to vector<16xi32>
    %add3A_101 = arith.addi %add3A_97, %add3A_100 : vector<16xi32>
    %gather3A_102 = tpu.vector_load_idx %arg5[%add3A_101] : memref<264xf32, #tpu.memory_space<vmem>>[vector<16xi32>], vector<16xf32>,
    %sub3A_103 = arith.subf %gather3A_102, %gather3A_98 : vector<16xf32>
    %convert_element_type3A_104 = arith.sitofp %add3A_97 : vector<16xi32> to vector<16xf32>
    %mul3A_105 = arith.mulf %sub3A_103, %convert_element_type3A_104 : vector<16xf32>
    %sub3A_106 = arith.subf %gather3A_98, %mul3A_105 : vector<16xf32>
    %swap3A_107 = arith.constant 96 : index
    %swap3A_108 = tpu.vector_load %arg6[%swap3A_107] {strides = array<i32>} : memref<264xf32, #tpu.memory_space<vmem>>, vector<16xf32>,
    tpu.vector_store %arg6[%swap3A_107], %sub3A_106 {strides = array<i32>} : memref<264xf32, #tpu.memory_space<vmem>>, vector<16xf32>,
    %swap3A_109 = arith.constant 96 : index
    %swap3A_110 = tpu.vector_load %arg7[%swap3A_109] {strides = array<i32>} : memref<264xf32, #tpu.memory_space<vmem>>, vector<16xf32>,
    tpu.vector_store %arg7[%swap3A_109], %sub3A_103 {strides = array<i32>} : memref<264xf32, #tpu.memory_space<vmem>>, vector<16xf32>,
    %add3A_111 = arith.constant 112 : i32
    %add3A_112 = vector.broadcast %add3A_111 : i32 to vector<16xi32>
    %add3A_113 = arith.addi %iota3A, %add3A_112 : vector<16xi32>
    %gather3A_114 = tpu.vector_load_idx %arg5[%add3A_113] : memref<264xf32, #tpu.memory_space<vmem>>[vector<16xi32>], vector<16xf32>,
    %add3A_115 = arith.constant 1 : i32
    %add3A_116 = vector.broadcast %add3A_115 : i32 to vector<16xi32>
    %add3A_117 = arith.addi %add3A_113, %add3A_116 : vector<16xi32>
    %gather3A_118 = tpu.vector_load_idx %arg5[%add3A_117] : memref<264xf32, #tpu.memory_space<vmem>>[vector<16xi32>], vector<16xf32>,
    %sub3A_119 = arith.subf %gather3A_118, %gather3A_114 : vector<16xf32>
    %convert_element_type3A_120 = arith.sitofp %add3A_113 : vector<16xi32> to vector<16xf32>
    %mul3A_121 = arith.mulf %sub3A_119, %convert_element_type3A_120 : vector<16xf32>
    %sub3A_122 = arith.subf %gather3A_114, %mul3A_121 : vector<16xf32>
    %swap3A_123 = arith.constant 112 : index
    %swap3A_124 = tpu.vector_load %arg6[%swap3A_123] {strides = array<i32>} : memref<264xf32, #tpu.memory_space<vmem>>, vector<16xf32>,
    tpu.vector_store %arg6[%swap3A_123], %sub3A_122 {strides = array<i32>} : memref<264xf32, #tpu.memory_space<vmem>>, vector<16xf32>,
    %swap3A_125 = arith.constant 112 : index
    %swap3A_126 = tpu.vector_load %arg7[%swap3A_125] {strides = array<i32>} : memref<264xf32, #tpu.memory_space<vmem>>, vector<16xf32>,
    tpu.vector_store %arg7[%swap3A_125], %sub3A_119 {strides = array<i32>} : memref<264xf32, #tpu.memory_space<vmem>>, vector<16xf32>,
    %add3A_127 = arith.constant 128 : i32
    %add3A_128 = vector.broadcast %add3A_127 : i32 to vector<16xi32>
    %add3A_129 = arith.addi %iota3A, %add3A_128 : vector<16xi32>
    %gather3A_130 = tpu.vector_load_idx %arg5[%add3A_129] : memref<264xf32, #tpu.memory_space<vmem>>[vector<16xi32>], vector<16xf32>,
    %add3A_131 = arith.constant 1 : i32
    %add3A_132 = vector.broadcast %add3A_131 : i32 to vector<16xi32>
    %add3A_133 = arith.addi %add3A_129, %add3A_132 : vector<16xi32>
    %gather3A_134 = tpu.vector_load_idx %arg5[%add3A_133] : memref<264xf32, #tpu.memory_space<vmem>>[vector<16xi32>], vector<16xf32>,
    %sub3A_135 = arith.subf %gather3A_134, %gather3A_130 : vector<16xf32>
    %convert_element_type3A_136 = arith.sitofp %add3A_129 : vector<16xi32> to vector<16xf32>
    %mul3A_137 = arith.mulf %sub3A_135, %convert_element_type3A_136 : vector<16xf32>
    %sub3A_138 = arith.subf %gather3A_130, %mul3A_137 : vector<16xf32>
    %swap3A_139 = arith.constant 128 : index
    %swap3A_140 = tpu.vector_load %arg6[%swap3A_139] {strides = array<i32>} : memref<264xf32, #tpu.memory_space<vmem>>, vector<16xf32>,
    tpu.vector_store %arg6[%swap3A_139], %sub3A_138 {strides = array<i32>} : memref<264xf32, #tpu.memory_space<vmem>>, vector<16xf32>,
    %swap3A_141 = arith.constant 128 : index
    %swap3A_142 = tpu.vector_load %arg7[%swap3A_141] {strides = array<i32>} : memref<264xf32, #tpu.memory_space<vmem>>, vector<16xf32>,
    tpu.vector_store %arg7[%swap3A_141], %sub3A_135 {strides = array<i32>} : memref<264xf32, #tpu.memory_space<vmem>>, vector<16xf32>,
    %add3A_143 = arith.constant 144 : i32
    %add3A_144 = vector.broadcast %add3A_143 : i32 to vector<16xi32>
    %add3A_145 = arith.addi %iota3A, %add3A_144 : vector<16xi32>
    %gather3A_146 = tpu.vector_load_idx %arg5[%add3A_145] : memref<264xf32, #tpu.memory_space<vmem>>[vector<16xi32>], vector<16xf32>,
    %add3A_147 = arith.constant 1 : i32
    %add3A_148 = vector.broadcast %add3A_147 : i32 to vector<16xi32>
    %add3A_149 = arith.addi %add3A_145, %add3A_148 : vector<16xi32>
    %gather3A_150 = tpu.vector_load_idx %arg5[%add3A_149] : memref<264xf32, #tpu.memory_space<vmem>>[vector<16xi32>], vector<16xf32>,
    %sub3A_151 = arith.subf %gather3A_150, %gather3A_146 : vector<16xf32>
    %convert_element_type3A_152 = arith.sitofp %add3A_145 : vector<16xi32> to vector<16xf32>
    %mul3A_153 = arith.mulf %sub3A_151, %convert_element_type3A_152 : vector<16xf32>
    %sub3A_154 = arith.subf %gather3A_146, %mul3A_153 : vector<16xf32>
    %swap3A_155 = arith.constant 144 : index
    %swap3A_156 = tpu.vector_load %arg6[%swap3A_155] {strides = array<i32>} : memref<264xf32, #tpu.memory_space<vmem>>, vector<16xf32>,
    tpu.vector_store %arg6[%swap3A_155], %sub3A_154 {strides = array<i32>} : memref<264xf32, #tpu.memory_space<vmem>>, vector<16xf32>,
    %swap3A_157 = arith.constant 144 : index
    %swap3A_158 = tpu.vector_load %arg7[%swap3A_157] {strides = array<i32>} : memref<264xf32, #tpu.memory_space<vmem>>, vector<16xf32>,
    tpu.vector_store %arg7[%swap3A_157], %sub3A_151 {strides = array<i32>} : memref<264xf32, #tpu.memory_space<vmem>>, vector<16xf32>,
    %add3A_159 = arith.constant 160 : i32
    %add3A_160 = vector.broadcast %add3A_159 : i32 to vector<16xi32>
    %add3A_161 = arith.addi %iota3A, %add3A_160 : vector<16xi32>
    %gather3A_162 = tpu.vector_load_idx %arg5[%add3A_161] : memref<264xf32, #tpu.memory_space<vmem>>[vector<16xi32>], vector<16xf32>,
    %add3A_163 = arith.constant 1 : i32
    %add3A_164 = vector.broadcast %add3A_163 : i32 to vector<16xi32>
    %add3A_165 = arith.addi %add3A_161, %add3A_164 : vector<16xi32>
    %gather3A_166 = tpu.vector_load_idx %arg5[%add3A_165] : memref<264xf32, #tpu.memory_space<vmem>>[vector<16xi32>], vector<16xf32>,
    %sub3A_167 = arith.subf %gather3A_166, %gather3A_162 : vector<16xf32>
    %convert_element_type3A_168 = arith.sitofp %add3A_161 : vector<16xi32> to vector<16xf32>
    %mul3A_169 = arith.mulf %sub3A_167, %convert_element_type3A_168 : vector<16xf32>
    %sub3A_170 = arith.subf %gather3A_162, %mul3A_169 : vector<16xf32>
    %swap3A_171 = arith.constant 160 : index
    %swap3A_172 = tpu.vector_load %arg6[%swap3A_171] {strides = array<i32>} : memref<264xf32, #tpu.memory_space<vmem>>, vector<16xf32>,
    tpu.vector_store %arg6[%swap3A_171], %sub3A_170 {strides = array<i32>} : memref<264xf32, #tpu.memory_space<vmem>>, vector<16xf32>,
    %swap3A_173 = arith.constant 160 : index
    %swap3A_174 = tpu.vector_load %arg7[%swap3A_173] {strides = array<i32>} : memref<264xf32, #tpu.memory_space<vmem>>, vector<16xf32>,
    tpu.vector_store %arg7[%swap3A_173], %sub3A_167 {strides = array<i32>} : memref<264xf32, #tpu.memory_space<vmem>>, vector<16xf32>,
    %add3A_175 = arith.constant 176 : i32
    %add3A_176 = vector.broadcast %add3A_175 : i32 to vector<16xi32>
    %add3A_177 = arith.addi %iota3A, %add3A_176 : vector<16xi32>
    %gather3A_178 = tpu.vector_load_idx %arg5[%add3A_177] : memref<264xf32, #tpu.memory_space<vmem>>[vector<16xi32>], vector<16xf32>,
    %add3A_179 = arith.constant 1 : i32
    %add3A_180 = vector.broadcast %add3A_179 : i32 to vector<16xi32>
    %add3A_181 = arith.addi %add3A_177, %add3A_180 : vector<16xi32>
    %gather3A_182 = tpu.vector_load_idx %arg5[%add3A_181] : memref<264xf32, #tpu.memory_space<vmem>>[vector<16xi32>], vector<16xf32>,
    %sub3A_183 = arith.subf %gather3A_182, %gather3A_178 : vector<16xf32>
    %convert_element_type3A_184 = arith.sitofp %add3A_177 : vector<16xi32> to vector<16xf32>
    %mul3A_185 = arith.mulf %sub3A_183, %convert_element_type3A_184 : vector<16xf32>
    %sub3A_186 = arith.subf %gather3A_178, %mul3A_185 : vector<16xf32>
    %swap3A_187 = arith.constant 176 : index
    %swap3A_188 = tpu.vector_load %arg6[%swap3A_187] {strides = array<i32>} : memref<264xf32, #tpu.memory_space<vmem>>, vector<16xf32>,
    tpu.vector_store %arg6[%swap3A_187], %sub3A_186 {strides = array<i32>} : memref<264xf32, #tpu.memory_space<vmem>>, vector<16xf32>,
    %swap3A_189 = arith.constant 176 : index
    %swap3A_190 = tpu.vector_load %arg7[%swap3A_189] {strides = array<i32>} : memref<264xf32, #tpu.memory_space<vmem>>, vector<16xf32>,
    tpu.vector_store %arg7[%swap3A_189], %sub3A_183 {strides = array<i32>} : memref<264xf32, #tpu.memory_space<vmem>>, vector<16xf32>,
    %add3A_191 = arith.constant 192 : i32
    %add3A_192 = vector.broadcast %add3A_191 : i32 to vector<16xi32>
    %add3A_193 = arith.addi %iota3A, %add3A_192 : vector<16xi32>
    %gather3A_194 = tpu.vector_load_idx %arg5[%add3A_193] : memref<264xf32, #tpu.memory_space<vmem>>[vector<16xi32>], vector<16xf32>,
    %add3A_195 = arith.constant 1 : i32
    %add3A_196 = vector.broadcast %add3A_195 : i32 to vector<16xi32>
    %add3A_197 = arith.addi %add3A_193, %add3A_196 : vector<16xi32>
    %gather3A_198 = tpu.vector_load_idx %arg5[%add3A_197] : memref<264xf32, #tpu.memory_space<vmem>>[vector<16xi32>], vector<16xf32>,
    %sub3A_199 = arith.subf %gather3A_198, %gather3A_194 : vector<16xf32>
    %convert_element_type3A_200 = arith.sitofp %add3A_193 : vector<16xi32> to vector<16xf32>
    %mul3A_201 = arith.mulf %sub3A_199, %convert_element_type3A_200 : vector<16xf32>
    %sub3A_202 = arith.subf %gather3A_194, %mul3A_201 : vector<16xf32>
    %swap3A_203 = arith.constant 192 : index
    %swap3A_204 = tpu.vector_load %arg6[%swap3A_203] {strides = array<i32>} : memref<264xf32, #tpu.memory_space<vmem>>, vector<16xf32>,
    tpu.vector_store %arg6[%swap3A_203], %sub3A_202 {strides = array<i32>} : memref<264xf32, #tpu.memory_space<vmem>>, vector<16xf32>,
    %swap3A_205 = arith.constant 192 : index
    %swap3A_206 = tpu.vector_load %arg7[%swap3A_205] {strides = array<i32>} : memref<264xf32, #tpu.memory_space<vmem>>, vector<16xf32>,
    tpu.vector_store %arg7[%swap3A_205], %sub3A_199 {strides = array<i32>} : memref<264xf32, #tpu.memory_space<vmem>>, vector<16xf32>,
    %add3A_207 = arith.constant 208 : i32
    %add3A_208 = vector.broadcast %add3A_207 : i32 to vector<16xi32>
    %add3A_209 = arith.addi %iota3A, %add3A_208 : vector<16xi32>
    %gather3A_210 = tpu.vector_load_idx %arg5[%add3A_209] : memref<264xf32, #tpu.memory_space<vmem>>[vector<16xi32>], vector<16xf32>,
    %add3A_211 = arith.constant 1 : i32
    %add3A_212 = vector.broadcast %add3A_211 : i32 to vector<16xi32>
    %add3A_213 = arith.addi %add3A_209, %add3A_212 : vector<16xi32>
    %gather3A_214 = tpu.vector_load_idx %arg5[%add3A_213] : memref<264xf32, #tpu.memory_space<vmem>>[vector<16xi32>], vector<16xf32>,
    %sub3A_215 = arith.subf %gather3A_214, %gather3A_210 : vector<16xf32>
    %convert_element_type3A_216 = arith.sitofp %add3A_209 : vector<16xi32> to vector<16xf32>
    %mul3A_217 = arith.mulf %sub3A_215, %convert_element_type3A_216 : vector<16xf32>
    %sub3A_218 = arith.subf %gather3A_210, %mul3A_217 : vector<16xf32>
    %swap3A_219 = arith.constant 208 : index
    %swap3A_220 = tpu.vector_load %arg6[%swap3A_219] {strides = array<i32>} : memref<264xf32, #tpu.memory_space<vmem>>, vector<16xf32>,
    tpu.vector_store %arg6[%swap3A_219], %sub3A_218 {strides = array<i32>} : memref<264xf32, #tpu.memory_space<vmem>>, vector<16xf32>,
    %swap3A_221 = arith.constant 208 : index
    %swap3A_222 = tpu.vector_load %arg7[%swap3A_221] {strides = array<i32>} : memref<264xf32, #tpu.memory_space<vmem>>, vector<16xf32>,
    tpu.vector_store %arg7[%swap3A_221], %sub3A_215 {strides = array<i32>} : memref<264xf32, #tpu.memory_space<vmem>>, vector<16xf32>,
    %add3A_223 = arith.constant 224 : i32
    %add3A_224 = vector.broadcast %add3A_223 : i32 to vector<16xi32>
    %add3A_225 = arith.addi %iota3A, %add3A_224 : vector<16xi32>
    %gather3A_226 = tpu.vector_load_idx %arg5[%add3A_225] : memref<264xf32, #tpu.memory_space<vmem>>[vector<16xi32>], vector<16xf32>,
    %add3A_227 = arith.constant 1 : i32
    %add3A_228 = vector.broadcast %add3A_227 : i32 to vector<16xi32>
    %add3A_229 = arith.addi %add3A_225, %add3A_228 : vector<16xi32>
    %gather3A_230 = tpu.vector_load_idx %arg5[%add3A_229] : memref<264xf32, #tpu.memory_space<vmem>>[vector<16xi32>], vector<16xf32>,
    %sub3A_231 = arith.subf %gather3A_230, %gather3A_226 : vector<16xf32>
    %convert_element_type3A_232 = arith.sitofp %add3A_225 : vector<16xi32> to vector<16xf32>
    %mul3A_233 = arith.mulf %sub3A_231, %convert_element_type3A_232 : vector<16xf32>
    %sub3A_234 = arith.subf %gather3A_226, %mul3A_233 : vector<16xf32>
    %swap3A_235 = arith.constant 224 : index
    %swap3A_236 = tpu.vector_load %arg6[%swap3A_235] {strides = array<i32>} : memref<264xf32, #tpu.memory_space<vmem>>, vector<16xf32>,
    tpu.vector_store %arg6[%swap3A_235], %sub3A_234 {strides = array<i32>} : memref<264xf32, #tpu.memory_space<vmem>>, vector<16xf32>,
    %swap3A_237 = arith.constant 224 : index
    %swap3A_238 = tpu.vector_load %arg7[%swap3A_237] {strides = array<i32>} : memref<264xf32, #tpu.memory_space<vmem>>, vector<16xf32>,
    tpu.vector_store %arg7[%swap3A_237], %sub3A_231 {strides = array<i32>} : memref<264xf32, #tpu.memory_space<vmem>>, vector<16xf32>,
    %add3A_239 = arith.constant 240 : i32
    %add3A_240 = vector.broadcast %add3A_239 : i32 to vector<16xi32>
    %add3A_241 = arith.addi %iota3A, %add3A_240 : vector<16xi32>
    %gather3A_242 = tpu.vector_load_idx %arg5[%add3A_241] : memref<264xf32, #tpu.memory_space<vmem>>[vector<16xi32>], vector<16xf32>,
    %add3A_243 = arith.constant 1 : i32
    %add3A_244 = vector.broadcast %add3A_243 : i32 to vector<16xi32>
    %add3A_245 = arith.addi %add3A_241, %add3A_244 : vector<16xi32>
    %gather3A_246 = tpu.vector_load_idx %arg5[%add3A_245] : memref<264xf32, #tpu.memory_space<vmem>>[vector<16xi32>], vector<16xf32>,
    %sub3A_247 = arith.subf %gather3A_246, %gather3A_242 : vector<16xf32>
    %convert_element_type3A_248 = arith.sitofp %add3A_241 : vector<16xi32> to vector<16xf32>
    %mul3A_249 = arith.mulf %sub3A_247, %convert_element_type3A_248 : vector<16xf32>
    %sub3A_250 = arith.subf %gather3A_242, %mul3A_249 : vector<16xf32>
    %swap3A_251 = arith.constant 240 : index
    %swap3A_252 = tpu.vector_load %arg6[%swap3A_251] {strides = array<i32>} : memref<264xf32, #tpu.memory_space<vmem>>, vector<16xf32>,
    tpu.vector_store %arg6[%swap3A_251], %sub3A_250 {strides = array<i32>} : memref<264xf32, #tpu.memory_space<vmem>>, vector<16xf32>,
    %swap3A_253 = arith.constant 240 : index
    %swap3A_254 = tpu.vector_load %arg7[%swap3A_253] {strides = array<i32>} : memref<264xf32, #tpu.memory_space<vmem>>, vector<16xf32>,
    tpu.vector_store %arg7[%swap3A_253], %sub3A_247 {strides = array<i32>} : memref<264xf32, #tpu.memory_space<vmem>>, vector<16xf32>,
    %add3A_255 = arith.constant 0 : i32
    %add3A_256 = arith.addi %mul3A_2, %add3A_255 : i32
    %add3A_257 = arith.constant 0 : i32
    %add3A_258 = arith.addi %add3A_256, %add3A_257 : i32
    %dma_start3A = arith.constant 0 : i32
    %dma_start3A_259 = tpu.memref_slice %arg8[%dma_start3A] : memref<16384xf32, #tpu.memory_space<vmem>> -> memref<2048xf32, #tpu.memory_space<vmem>>
    %dma_start3A_260 = arith.constant 0 : i32
    %dma_start3A_261 = tpu.memref_slice %arg2[%add3A_258, %dma_start3A_260] : memref<16384x2048xf32, #tpu.memory_space<hbm>> -> memref<1x2048xf32, #tpu.memory_space<hbm>>
    %dma_start3A_262 = tpu.memref_squeeze %dma_start3A_261 : memref<1x2048xf32, #tpu.memory_space<hbm>> -> memref<2048xf32, #tpu.memory_space<hbm>>
    %dma_start3A_263 = arith.constant 0 : i32
    %dma_start3A_264 = tpu.memref_slice %arg8[%dma_start3A_263] : memref<16384xf32, #tpu.memory_space<vmem>> -> memref<2048xf32, #tpu.memory_space<vmem>>
    %dma_start3A_265 = arith.constant 0 : i32
    %dma_start3A_266 = tpu.memref_slice %arg2[%add3A_258, %dma_start3A_265] : memref<16384x2048xf32, #tpu.memory_space<hbm>> -> memref<1x2048xf32, #tpu.memory_space<hbm>>
    %dma_start3A_267 = tpu.memref_squeeze %dma_start3A_266 : memref<1x2048xf32, #tpu.memory_space<hbm>> -> memref<2048xf32, #tpu.memory_space<hbm>>
    tpu.enqueue_dma source(%dma_start3A_267 : memref<2048xf32, #tpu.memory_space<hbm>>) target(%dma_start3A_264 : memref<2048xf32, #tpu.memory_space<vmem>>) target_semaphore(%arg12 : memref<!tpu.dma_semaphore, #tpu.memory_space<semaphore_mem>>)
    %add3A_268 = arith.constant 0 : i32
    %add3A_269 = arith.addi %mul3A_2, %add3A_268 : i32
    %add3A_270 = arith.constant 1 : i32
    %add3A_271 = arith.addi %add3A_269, %add3A_270 : i32
    %dma_start3A_272 = arith.constant 2048 : i32
    %dma_start3A_273 = tpu.memref_slice %arg8[%dma_start3A_272] : memref<16384xf32, #tpu.memory_space<vmem>> -> memref<2048xf32, #tpu.memory_space<vmem>>
    %dma_start3A_274 = arith.constant 0 : i32
    %dma_start3A_275 = tpu.memref_slice %arg2[%add3A_271, %dma_start3A_274] : memref<16384x2048xf32, #tpu.memory_space<hbm>> -> memref<1x2048xf32, #tpu.memory_space<hbm>>
    %dma_start3A_276 = tpu.memref_squeeze %dma_start3A_275 : memref<1x2048xf32, #tpu.memory_space<hbm>> -> memref<2048xf32, #tpu.memory_space<hbm>>
    %dma_start3A_277 = arith.constant 2048 : i32
    %dma_start3A_278 = tpu.memref_slice %arg8[%dma_start3A_277] : memref<16384xf32, #tpu.memory_space<vmem>> -> memref<2048xf32, #tpu.memory_space<vmem>>
    %dma_start3A_279 = arith.constant 0 : i32
    %dma_start3A_280 = tpu.memref_slice %arg2[%add3A_271, %dma_start3A_279] : memref<16384x2048xf32, #tpu.memory_space<hbm>> -> memref<1x2048xf32, #tpu.memory_space<hbm>>
    %dma_start3A_281 = tpu.memref_squeeze %dma_start3A_280 : memref<1x2048xf32, #tpu.memory_space<hbm>> -> memref<2048xf32, #tpu.memory_space<hbm>>
    tpu.enqueue_dma source(%dma_start3A_281 : memref<2048xf32, #tpu.memory_space<hbm>>) target(%dma_start3A_278 : memref<2048xf32, #tpu.memory_space<vmem>>) target_semaphore(%arg12 : memref<!tpu.dma_semaphore, #tpu.memory_space<semaphore_mem>>)
    %add3A_282 = arith.constant 0 : i32
    %add3A_283 = arith.addi %mul3A_2, %add3A_282 : i32
    %add3A_284 = arith.constant 2 : i32
    %add3A_285 = arith.addi %add3A_283, %add3A_284 : i32
    %dma_start3A_286 = arith.constant 4096 : i32
    %dma_start3A_287 = tpu.memref_slice %arg8[%dma_start3A_286] : memref<16384xf32, #tpu.memory_space<vmem>> -> memref<2048xf32, #tpu.memory_space<vmem>>
    %dma_start3A_288 = arith.constant 0 : i32
    %dma_start3A_289 = tpu.memref_slice %arg2[%add3A_285, %dma_start3A_288] : memref<16384x2048xf32, #tpu.memory_space<hbm>> -> memref<1x2048xf32, #tpu.memory_space<hbm>>
    %dma_start3A_290 = tpu.memref_squeeze %dma_start3A_289 : memref<1x2048xf32, #tpu.memory_space<hbm>> -> memref<2048xf32, #tpu.memory_space<hbm>>
    %dma_start3A_291 = arith.constant 4096 : i32
    %dma_start3A_292 = tpu.memref_slice %arg8[%dma_start3A_291] : memref<16384xf32, #tpu.memory_space<vmem>> -> memref<2048xf32, #tpu.memory_space<vmem>>
    %dma_start3A_293 = arith.constant 0 : i32
    %dma_start3A_294 = tpu.memref_slice %arg2[%add3A_285, %dma_start3A_293] : memref<16384x2048xf32, #tpu.memory_space<hbm>> -> memref<1x2048xf32, #tpu.memory_space<hbm>>
    %dma_start3A_295 = tpu.memref_squeeze %dma_start3A_294 : memref<1x2048xf32, #tpu.memory_space<hbm>> -> memref<2048xf32, #tpu.memory_space<hbm>>
    tpu.enqueue_dma source(%dma_start3A_295 : memref<2048xf32, #tpu.memory_space<hbm>>) target(%dma_start3A_292 : memref<2048xf32, #tpu.memory_space<vmem>>) target_semaphore(%arg12 : memref<!tpu.dma_semaphore, #tpu.memory_space<semaphore_mem>>)
    %add3A_296 = arith.constant 0 : i32
    %add3A_297 = arith.addi %mul3A_2, %add3A_296 : i32
    %add3A_298 = arith.constant 3 : i32
    %add3A_299 = arith.addi %add3A_297, %add3A_298 : i32
    %dma_start3A_300 = arith.constant 6144 : i32
    %dma_start3A_301 = tpu.memref_slice %arg8[%dma_start3A_300] : memref<16384xf32, #tpu.memory_space<vmem>> -> memref<2048xf32, #tpu.memory_space<vmem>>
    %dma_start3A_302 = arith.constant 0 : i32
    %dma_start3A_303 = tpu.memref_slice %arg2[%add3A_299, %dma_start3A_302] : memref<16384x2048xf32, #tpu.memory_space<hbm>> -> memref<1x2048xf32, #tpu.memory_space<hbm>>
    %dma_start3A_304 = tpu.memref_squeeze %dma_start3A_303 : memref<1x2048xf32, #tpu.memory_space<hbm>> -> memref<2048xf32, #tpu.memory_space<hbm>>
    %dma_start3A_305 = arith.constant 6144 : i32
    %dma_start3A_306 = tpu.memref_slice %arg8[%dma_start3A_305] : memref<16384xf32, #tpu.memory_space<vmem>> -> memref<2048xf32, #tpu.memory_space<vmem>>
    %dma_start3A_307 = arith.constant 0 : i32
    %dma_start3A_308 = tpu.memref_slice %arg2[%add3A_299, %dma_start3A_307] : memref<16384x2048xf32, #tpu.memory_space<hbm>> -> memref<1x2048xf32, #tpu.memory_space<hbm>>
    %dma_start3A_309 = tpu.memref_squeeze %dma_start3A_308 : memref<1x2048xf32, #tpu.memory_space<hbm>> -> memref<2048xf32, #tpu.memory_space<hbm>>
    tpu.enqueue_dma source(%dma_start3A_309 : memref<2048xf32, #tpu.memory_space<hbm>>) target(%dma_start3A_306 : memref<2048xf32, #tpu.memory_space<vmem>>) target_semaphore(%arg12 : memref<!tpu.dma_semaphore, #tpu.memory_space<semaphore_mem>>)
    %add3A_310 = arith.constant 0 : i32
    %add3A_311 = arith.addi %mul3A_2, %add3A_310 : i32
    %add3A_312 = arith.constant 4 : i32
    %add3A_313 = arith.addi %add3A_311, %add3A_312 : i32
    %dma_start3A_314 = arith.constant 8192 : i32
    %dma_start3A_315 = tpu.memref_slice %arg8[%dma_start3A_314] : memref<16384xf32, #tpu.memory_space<vmem>> -> memref<2048xf32, #tpu.memory_space<vmem>>
    %dma_start3A_316 = arith.constant 0 : i32
    %dma_start3A_317 = tpu.memref_slice %arg2[%add3A_313, %dma_start3A_316] : memref<16384x2048xf32, #tpu.memory_space<hbm>> -> memref<1x2048xf32, #tpu.memory_space<hbm>>
    %dma_start3A_318 = tpu.memref_squeeze %dma_start3A_317 : memref<1x2048xf32, #tpu.memory_space<hbm>> -> memref<2048xf32, #tpu.memory_space<hbm>>
    %dma_start3A_319 = arith.constant 8192 : i32
    %dma_start3A_320 = tpu.memref_slice %arg8[%dma_start3A_319] : memref<16384xf32, #tpu.memory_space<vmem>> -> memref<2048xf32, #tpu.memory_space<vmem>>
    %dma_start3A_321 = arith.constant 0 : i32
    %dma_start3A_322 = tpu.memref_slice %arg2[%add3A_313, %dma_start3A_321] : memref<16384x2048xf32, #tpu.memory_space<hbm>> -> memref<1x2048xf32, #tpu.memory_space<hbm>>
    %dma_start3A_323 = tpu.memref_squeeze %dma_start3A_322 : memref<1x2048xf32, #tpu.memory_space<hbm>> -> memref<2048xf32, #tpu.memory_space<hbm>>
    tpu.enqueue_dma source(%dma_start3A_323 : memref<2048xf32, #tpu.memory_space<hbm>>) target(%dma_start3A_320 : memref<2048xf32, #tpu.memory_space<vmem>>) target_semaphore(%arg12 : memref<!tpu.dma_semaphore, #tpu.memory_space<semaphore_mem>>)
    %add3A_324 = arith.constant 0 : i32
    %add3A_325 = arith.addi %mul3A_2, %add3A_324 : i32
    %add3A_326 = arith.constant 5 : i32
    %add3A_327 = arith.addi %add3A_325, %add3A_326 : i32
    %dma_start3A_328 = arith.constant 10240 : i32
    %dma_start3A_329 = tpu.memref_slice %arg8[%dma_start3A_328] : memref<16384xf32, #tpu.memory_space<vmem>> -> memref<2048xf32, #tpu.memory_space<vmem>>
    %dma_start3A_330 = arith.constant 0 : i32
    %dma_start3A_331 = tpu.memref_slice %arg2[%add3A_327, %dma_start3A_330] : memref<16384x2048xf32, #tpu.memory_space<hbm>> -> memref<1x2048xf32, #tpu.memory_space<hbm>>
    %dma_start3A_332 = tpu.memref_squeeze %dma_start3A_331 : memref<1x2048xf32, #tpu.memory_space<hbm>> -> memref<2048xf32, #tpu.memory_space<hbm>>
    %dma_start3A_333 = arith.constant 10240 : i32
    %dma_start3A_334 = tpu.memref_slice %arg8[%dma_start3A_333] : memref<16384xf32, #tpu.memory_space<vmem>> -> memref<2048xf32, #tpu.memory_space<vmem>>
    %dma_start3A_335 = arith.constant 0 : i32
    %dma_start3A_336 = tpu.memref_slice %arg2[%add3A_327, %dma_start3A_335] : memref<16384x2048xf32, #tpu.memory_space<hbm>> -> memref<1x2048xf32, #tpu.memory_space<hbm>>
    %dma_start3A_337 = tpu.memref_squeeze %dma_start3A_336 : memref<1x2048xf32, #tpu.memory_space<hbm>> -> memref<2048xf32, #tpu.memory_space<hbm>>
    tpu.enqueue_dma source(%dma_start3A_337 : memref<2048xf32, #tpu.memory_space<hbm>>) target(%dma_start3A_334 : memref<2048xf32, #tpu.memory_space<vmem>>) target_semaphore(%arg12 : memref<!tpu.dma_semaphore, #tpu.memory_space<semaphore_mem>>)
    %add3A_338 = arith.constant 0 : i32
    %add3A_339 = arith.addi %mul3A_2, %add3A_338 : i32
    %add3A_340 = arith.constant 6 : i32
    %add3A_341 = arith.addi %add3A_339, %add3A_340 : i32
    %dma_start3A_342 = arith.constant 12288 : i32
    %dma_start3A_343 = tpu.memref_slice %arg8[%dma_start3A_342] : memref<16384xf32, #tpu.memory_space<vmem>> -> memref<2048xf32, #tpu.memory_space<vmem>>
    %dma_start3A_344 = arith.constant 0 : i32
    %dma_start3A_345 = tpu.memref_slice %arg2[%add3A_341, %dma_start3A_344] : memref<16384x2048xf32, #tpu.memory_space<hbm>> -> memref<1x2048xf32, #tpu.memory_space<hbm>>
    %dma_start3A_346 = tpu.memref_squeeze %dma_start3A_345 : memref<1x2048xf32, #tpu.memory_space<hbm>> -> memref<2048xf32, #tpu.memory_space<hbm>>
    %dma_start3A_347 = arith.constant 12288 : i32
    %dma_start3A_348 = tpu.memref_slice %arg8[%dma_start3A_347] : memref<16384xf32, #tpu.memory_space<vmem>> -> memref<2048xf32, #tpu.memory_space<vmem>>
    %dma_start3A_349 = arith.constant 0 : i32
    %dma_start3A_350 = tpu.memref_slice %arg2[%add3A_341, %dma_start3A_349] : memref<16384x2048xf32, #tpu.memory_space<hbm>> -> memref<1x2048xf32, #tpu.memory_space<hbm>>
    %dma_start3A_351 = tpu.memref_squeeze %dma_start3A_350 : memref<1x2048xf32, #tpu.memory_space<hbm>> -> memref<2048xf32, #tpu.memory_space<hbm>>
    tpu.enqueue_dma source(%dma_start3A_351 : memref<2048xf32, #tpu.memory_space<hbm>>) target(%dma_start3A_348 : memref<2048xf32, #tpu.memory_space<vmem>>) target_semaphore(%arg12 : memref<!tpu.dma_semaphore, #tpu.memory_space<semaphore_mem>>)
    %add3A_352 = arith.constant 0 : i32
    %add3A_353 = arith.addi %mul3A_2, %add3A_352 : i32
    %add3A_354 = arith.constant 7 : i32
    %add3A_355 = arith.addi %add3A_353, %add3A_354 : i32
    %dma_start3A_356 = arith.constant 14336 : i32
    %dma_start3A_357 = tpu.memref_slice %arg8[%dma_start3A_356] : memref<16384xf32, #tpu.memory_space<vmem>> -> memref<2048xf32, #tpu.memory_space<vmem>>
    %dma_start3A_358 = arith.constant 0 : i32
    %dma_start3A_359 = tpu.memref_slice %arg2[%add3A_355, %dma_start3A_358] : memref<16384x2048xf32, #tpu.memory_space<hbm>> -> memref<1x2048xf32, #tpu.memory_space<hbm>>
    %dma_start3A_360 = tpu.memref_squeeze %dma_start3A_359 : memref<1x2048xf32, #tpu.memory_space<hbm>> -> memref<2048xf32, #tpu.memory_space<hbm>>
    %dma_start3A_361 = arith.constant 14336 : i32
    %dma_start3A_362 = tpu.memref_slice %arg8[%dma_start3A_361] : memref<16384xf32, #tpu.memory_space<vmem>> -> memref<2048xf32, #tpu.memory_space<vmem>>
    %dma_start3A_363 = arith.constant 0 : i32
    %dma_start3A_364 = tpu.memref_slice %arg2[%add3A_355, %dma_start3A_363] : memref<16384x2048xf32, #tpu.memory_space<hbm>> -> memref<1x2048xf32, #tpu.memory_space<hbm>>
    %dma_start3A_365 = tpu.memref_squeeze %dma_start3A_364 : memref<1x2048xf32, #tpu.memory_space<hbm>> -> memref<2048xf32, #tpu.memory_space<hbm>>
    tpu.enqueue_dma source(%dma_start3A_365 : memref<2048xf32, #tpu.memory_space<hbm>>) target(%dma_start3A_362 : memref<2048xf32, #tpu.memory_space<vmem>>) target_semaphore(%arg12 : memref<!tpu.dma_semaphore, #tpu.memory_space<semaphore_mem>>)
    %scan3A = arith.constant 0 : i32
    %scan3A_366 = arith.constant 0 : i32
    %scan3A_367 = arith.constant 32 : i32
    %scan3A_368 = arith.addi %scan3A_366, %scan3A_367 : i32
    %scan3A_369 = arith.constant 1 : i32
    scf.for %scan3A_530 = %scan3A_366 to %scan3A_368 step %scan3A_369  : i32 {
      %mul3A_531 = arith.constant 2 : i32
      %mul3A_532 = arith.muli %scan3A_530, %mul3A_531 : i32
      %add3A_533 = arith.constant 1 : i32
      %add3A_534 = arith.addi %mul3A_532, %add3A_533 : i32
      %mul3A_535 = arith.constant 8 : i32
      %mul3A_536 = arith.muli %add3A_534, %mul3A_535 : i32
      %add3A_537 = arith.addi %mul3A_2, %mul3A_536 : i32
      %add3A_538 = arith.constant 0 : i32
      %add3A_539 = arith.addi %add3A_537, %add3A_538 : i32
      %dma_start3A_540 = arith.constant 0 : i32
      %dma_start3A_541 = tpu.memref_slice %arg9[%dma_start3A_540] : memref<16384xf32, #tpu.memory_space<vmem>> -> memref<2048xf32, #tpu.memory_space<vmem>>
      %dma_start3A_542 = arith.constant 0 : i32
      %dma_start3A_543 = tpu.memref_slice %arg2[%add3A_539, %dma_start3A_542] : memref<16384x2048xf32, #tpu.memory_space<hbm>> -> memref<1x2048xf32, #tpu.memory_space<hbm>>
      %dma_start3A_544 = tpu.memref_squeeze %dma_start3A_543 : memref<1x2048xf32, #tpu.memory_space<hbm>> -> memref<2048xf32, #tpu.memory_space<hbm>>
      %dma_start3A_545 = arith.constant 0 : i32
      %dma_start3A_546 = tpu.memref_slice %arg9[%dma_start3A_545] : memref<16384xf32, #tpu.memory_space<vmem>> -> memref<2048xf32, #tpu.memory_space<vmem>>
      %dma_start3A_547 = arith.constant 0 : i32
      %dma_start3A_548 = tpu.memref_slice %arg2[%add3A_539, %dma_start3A_547] : memref<16384x2048xf32, #tpu.memory_space<hbm>> -> memref<1x2048xf32, #tpu.memory_space<hbm>>
      %dma_start3A_549 = tpu.memref_squeeze %dma_start3A_548 : memref<1x2048xf32, #tpu.memory_space<hbm>> -> memref<2048xf32, #tpu.memory_space<hbm>>
      tpu.enqueue_dma source(%dma_start3A_549 : memref<2048xf32, #tpu.memory_space<hbm>>) target(%dma_start3A_546 : memref<2048xf32, #tpu.memory_space<vmem>>) target_semaphore(%arg13 : memref<!tpu.dma_semaphore, #tpu.memory_space<semaphore_mem>>)
      %mul3A_550 = arith.constant 8 : i32
      %mul3A_551 = arith.muli %add3A_534, %mul3A_550 : i32
      %add3A_552 = arith.addi %mul3A_2, %mul3A_551 : i32
      %add3A_553 = arith.constant 1 : i32
      %add3A_554 = arith.addi %add3A_552, %add3A_553 : i32
      %dma_start3A_555 = arith.constant 2048 : i32
      %dma_start3A_556 = tpu.memref_slice %arg9[%dma_start3A_555] : memref<16384xf32, #tpu.memory_space<vmem>> -> memref<2048xf32, #tpu.memory_space<vmem>>
      %dma_start3A_557 = arith.constant 0 : i32
      %dma_start3A_558 = tpu.memref_slice %arg2[%add3A_554, %dma_start3A_557] : memref<16384x2048xf32, #tpu.memory_space<hbm>> -> memref<1x2048xf32, #tpu.memory_space<hbm>>
      %dma_start3A_559 = tpu.memref_squeeze %dma_start3A_558 : memref<1x2048xf32, #tpu.memory_space<hbm>> -> memref<2048xf32, #tpu.memory_space<hbm>>
      %dma_start3A_560 = arith.constant 2048 : i32
      %dma_start3A_561 = tpu.memref_slice %arg9[%dma_start3A_560] : memref<16384xf32, #tpu.memory_space<vmem>> -> memref<2048xf32, #tpu.memory_space<vmem>>
      %dma_start3A_562 = arith.constant 0 : i32
      %dma_start3A_563 = tpu.memref_slice %arg2[%add3A_554, %dma_start3A_562] : memref<16384x2048xf32, #tpu.memory_space<hbm>> -> memref<1x2048xf32, #tpu.memory_space<hbm>>
      %dma_start3A_564 = tpu.memref_squeeze %dma_start3A_563 : memref<1x2048xf32, #tpu.memory_space<hbm>> -> memref<2048xf32, #tpu.memory_space<hbm>>
      tpu.enqueue_dma source(%dma_start3A_564 : memref<2048xf32, #tpu.memory_space<hbm>>) target(%dma_start3A_561 : memref<2048xf32, #tpu.memory_space<vmem>>) target_semaphore(%arg13 : memref<!tpu.dma_semaphore, #tpu.memory_space<semaphore_mem>>)
      %mul3A_565 = arith.constant 8 : i32
      %mul3A_566 = arith.muli %add3A_534, %mul3A_565 : i32
      %add3A_567 = arith.addi %mul3A_2, %mul3A_566 : i32
      %add3A_568 = arith.constant 2 : i32
      %add3A_569 = arith.addi %add3A_567, %add3A_568 : i32
      %dma_start3A_570 = arith.constant 4096 : i32
      %dma_start3A_571 = tpu.memref_slice %arg9[%dma_start3A_570] : memref<16384xf32, #tpu.memory_space<vmem>> -> memref<2048xf32, #tpu.memory_space<vmem>>
      %dma_start3A_572 = arith.constant 0 : i32
      %dma_start3A_573 = tpu.memref_slice %arg2[%add3A_569, %dma_start3A_572] : memref<16384x2048xf32, #tpu.memory_space<hbm>> -> memref<1x2048xf32, #tpu.memory_space<hbm>>
      %dma_start3A_574 = tpu.memref_squeeze %dma_start3A_573 : memref<1x2048xf32, #tpu.memory_space<hbm>> -> memref<2048xf32, #tpu.memory_space<hbm>>
      %dma_start3A_575 = arith.constant 4096 : i32
      %dma_start3A_576 = tpu.memref_slice %arg9[%dma_start3A_575] : memref<16384xf32, #tpu.memory_space<vmem>> -> memref<2048xf32, #tpu.memory_space<vmem>>
      %dma_start3A_577 = arith.constant 0 : i32
      %dma_start3A_578 = tpu.memref_slice %arg2[%add3A_569, %dma_start3A_577] : memref<16384x2048xf32, #tpu.memory_space<hbm>> -> memref<1x2048xf32, #tpu.memory_space<hbm>>
      %dma_start3A_579 = tpu.memref_squeeze %dma_start3A_578 : memref<1x2048xf32, #tpu.memory_space<hbm>> -> memref<2048xf32, #tpu.memory_space<hbm>>
      tpu.enqueue_dma source(%dma_start3A_579 : memref<2048xf32, #tpu.memory_space<hbm>>) target(%dma_start3A_576 : memref<2048xf32, #tpu.memory_space<vmem>>) target_semaphore(%arg13 : memref<!tpu.dma_semaphore, #tpu.memory_space<semaphore_mem>>)
      %mul3A_580 = arith.constant 8 : i32
      %mul3A_581 = arith.muli %add3A_534, %mul3A_580 : i32
      %add3A_582 = arith.addi %mul3A_2, %mul3A_581 : i32
      %add3A_583 = arith.constant 3 : i32
      %add3A_584 = arith.addi %add3A_582, %add3A_583 : i32
      %dma_start3A_585 = arith.constant 6144 : i32
      %dma_start3A_586 = tpu.memref_slice %arg9[%dma_start3A_585] : memref<16384xf32, #tpu.memory_space<vmem>> -> memref<2048xf32, #tpu.memory_space<vmem>>
      %dma_start3A_587 = arith.constant 0 : i32
      %dma_start3A_588 = tpu.memref_slice %arg2[%add3A_584, %dma_start3A_587] : memref<16384x2048xf32, #tpu.memory_space<hbm>> -> memref<1x2048xf32, #tpu.memory_space<hbm>>
      %dma_start3A_589 = tpu.memref_squeeze %dma_start3A_588 : memref<1x2048xf32, #tpu.memory_space<hbm>> -> memref<2048xf32, #tpu.memory_space<hbm>>
      %dma_start3A_590 = arith.constant 6144 : i32
      %dma_start3A_591 = tpu.memref_slice %arg9[%dma_start3A_590] : memref<16384xf32, #tpu.memory_space<vmem>> -> memref<2048xf32, #tpu.memory_space<vmem>>
      %dma_start3A_592 = arith.constant 0 : i32
      %dma_start3A_593 = tpu.memref_slice %arg2[%add3A_584, %dma_start3A_592] : memref<16384x2048xf32, #tpu.memory_space<hbm>> -> memref<1x2048xf32, #tpu.memory_space<hbm>>
      %dma_start3A_594 = tpu.memref_squeeze %dma_start3A_593 : memref<1x2048xf32, #tpu.memory_space<hbm>> -> memref<2048xf32, #tpu.memory_space<hbm>>
      tpu.enqueue_dma source(%dma_start3A_594 : memref<2048xf32, #tpu.memory_space<hbm>>) target(%dma_start3A_591 : memref<2048xf32, #tpu.memory_space<vmem>>) target_semaphore(%arg13 : memref<!tpu.dma_semaphore, #tpu.memory_space<semaphore_mem>>)
      %mul3A_595 = arith.constant 8 : i32
      %mul3A_596 = arith.muli %add3A_534, %mul3A_595 : i32
      %add3A_597 = arith.addi %mul3A_2, %mul3A_596 : i32
      %add3A_598 = arith.constant 4 : i32
      %add3A_599 = arith.addi %add3A_597, %add3A_598 : i32
      %dma_start3A_600 = arith.constant 8192 : i32
      %dma_start3A_601 = tpu.memref_slice %arg9[%dma_start3A_600] : memref<16384xf32, #tpu.memory_space<vmem>> -> memref<2048xf32, #tpu.memory_space<vmem>>
      %dma_start3A_602 = arith.constant 0 : i32
      %dma_start3A_603 = tpu.memref_slice %arg2[%add3A_599, %dma_start3A_602] : memref<16384x2048xf32, #tpu.memory_space<hbm>> -> memref<1x2048xf32, #tpu.memory_space<hbm>>
      %dma_start3A_604 = tpu.memref_squeeze %dma_start3A_603 : memref<1x2048xf32, #tpu.memory_space<hbm>> -> memref<2048xf32, #tpu.memory_space<hbm>>
      %dma_start3A_605 = arith.constant 8192 : i32
      %dma_start3A_606 = tpu.memref_slice %arg9[%dma_start3A_605] : memref<16384xf32, #tpu.memory_space<vmem>> -> memref<2048xf32, #tpu.memory_space<vmem>>
      %dma_start3A_607 = arith.constant 0 : i32
      %dma_start3A_608 = tpu.memref_slice %arg2[%add3A_599, %dma_start3A_607] : memref<16384x2048xf32, #tpu.memory_space<hbm>> -> memref<1x2048xf32, #tpu.memory_space<hbm>>
      %dma_start3A_609 = tpu.memref_squeeze %dma_start3A_608 : memref<1x2048xf32, #tpu.memory_space<hbm>> -> memref<2048xf32, #tpu.memory_space<hbm>>
      tpu.enqueue_dma source(%dma_start3A_609 : memref<2048xf32, #tpu.memory_space<hbm>>) target(%dma_start3A_606 : memref<2048xf32, #tpu.memory_space<vmem>>) target_semaphore(%arg13 : memref<!tpu.dma_semaphore, #tpu.memory_space<semaphore_mem>>)
      %mul3A_610 = arith.constant 8 : i32
      %mul3A_611 = arith.muli %add3A_534, %mul3A_610 : i32
      %add3A_612 = arith.addi %mul3A_2, %mul3A_611 : i32
      %add3A_613 = arith.constant 5 : i32
      %add3A_614 = arith.addi %add3A_612, %add3A_613 : i32
      %dma_start3A_615 = arith.constant 10240 : i32
      %dma_start3A_616 = tpu.memref_slice %arg9[%dma_start3A_615] : memref<16384xf32, #tpu.memory_space<vmem>> -> memref<2048xf32, #tpu.memory_space<vmem>>
      %dma_start3A_617 = arith.constant 0 : i32
      %dma_start3A_618 = tpu.memref_slice %arg2[%add3A_614, %dma_start3A_617] : memref<16384x2048xf32, #tpu.memory_space<hbm>> -> memref<1x2048xf32, #tpu.memory_space<hbm>>
      %dma_start3A_619 = tpu.memref_squeeze %dma_start3A_618 : memref<1x2048xf32, #tpu.memory_space<hbm>> -> memref<2048xf32, #tpu.memory_space<hbm>>
      %dma_start3A_620 = arith.constant 10240 : i32
      %dma_start3A_621 = tpu.memref_slice %arg9[%dma_start3A_620] : memref<16384xf32, #tpu.memory_space<vmem>> -> memref<2048xf32, #tpu.memory_space<vmem>>
      %dma_start3A_622 = arith.constant 0 : i32
      %dma_start3A_623 = tpu.memref_slice %arg2[%add3A_614, %dma_start3A_622] : memref<16384x2048xf32, #tpu.memory_space<hbm>> -> memref<1x2048xf32, #tpu.memory_space<hbm>>
      %dma_start3A_624 = tpu.memref_squeeze %dma_start3A_623 : memref<1x2048xf32, #tpu.memory_space<hbm>> -> memref<2048xf32, #tpu.memory_space<hbm>>
      tpu.enqueue_dma source(%dma_start3A_624 : memref<2048xf32, #tpu.memory_space<hbm>>) target(%dma_start3A_621 : memref<2048xf32, #tpu.memory_space<vmem>>) target_semaphore(%arg13 : memref<!tpu.dma_semaphore, #tpu.memory_space<semaphore_mem>>)
      %mul3A_625 = arith.constant 8 : i32
      %mul3A_626 = arith.muli %add3A_534, %mul3A_625 : i32
      %add3A_627 = arith.addi %mul3A_2, %mul3A_626 : i32
      %add3A_628 = arith.constant 6 : i32
      %add3A_629 = arith.addi %add3A_627, %add3A_628 : i32
      %dma_start3A_630 = arith.constant 12288 : i32
      %dma_start3A_631 = tpu.memref_slice %arg9[%dma_start3A_630] : memref<16384xf32, #tpu.memory_space<vmem>> -> memref<2048xf32, #tpu.memory_space<vmem>>
      %dma_start3A_632 = arith.constant 0 : i32
      %dma_start3A_633 = tpu.memref_slice %arg2[%add3A_629, %dma_start3A_632] : memref<16384x2048xf32, #tpu.memory_space<hbm>> -> memref<1x2048xf32, #tpu.memory_space<hbm>>
      %dma_start3A_634 = tpu.memref_squeeze %dma_start3A_633 : memref<1x2048xf32, #tpu.memory_space<hbm>> -> memref<2048xf32, #tpu.memory_space<hbm>>
      %dma_start3A_635 = arith.constant 12288 : i32
      %dma_start3A_636 = tpu.memref_slice %arg9[%dma_start3A_635] : memref<16384xf32, #tpu.memory_space<vmem>> -> memref<2048xf32, #tpu.memory_space<vmem>>
      %dma_start3A_637 = arith.constant 0 : i32
      %dma_start3A_638 = tpu.memref_slice %arg2[%add3A_629, %dma_start3A_637] : memref<16384x2048xf32, #tpu.memory_space<hbm>> -> memref<1x2048xf32, #tpu.memory_space<hbm>>
      %dma_start3A_639 = tpu.memref_squeeze %dma_start3A_638 : memref<1x2048xf32, #tpu.memory_space<hbm>> -> memref<2048xf32, #tpu.memory_space<hbm>>
      tpu.enqueue_dma source(%dma_start3A_639 : memref<2048xf32, #tpu.memory_space<hbm>>) target(%dma_start3A_636 : memref<2048xf32, #tpu.memory_space<vmem>>) target_semaphore(%arg13 : memref<!tpu.dma_semaphore, #tpu.memory_space<semaphore_mem>>)
      %mul3A_640 = arith.constant 8 : i32
      %mul3A_641 = arith.muli %add3A_534, %mul3A_640 : i32
      %add3A_642 = arith.addi %mul3A_2, %mul3A_641 : i32
      %add3A_643 = arith.constant 7 : i32
      %add3A_644 = arith.addi %add3A_642, %add3A_643 : i32
      %dma_start3A_645 = arith.constant 14336 : i32
      %dma_start3A_646 = tpu.memref_slice %arg9[%dma_start3A_645] : memref<16384xf32, #tpu.memory_space<vmem>> -> memref<2048xf32, #tpu.memory_space<vmem>>
      %dma_start3A_647 = arith.constant 0 : i32
      %dma_start3A_648 = tpu.memref_slice %arg2[%add3A_644, %dma_start3A_647] : memref<16384x2048xf32, #tpu.memory_space<hbm>> -> memref<1x2048xf32, #tpu.memory_space<hbm>>
      %dma_start3A_649 = tpu.memref_squeeze %dma_start3A_648 : memref<1x2048xf32, #tpu.memory_space<hbm>> -> memref<2048xf32, #tpu.memory_space<hbm>>
      %dma_start3A_650 = arith.constant 14336 : i32
      %dma_start3A_651 = tpu.memref_slice %arg9[%dma_start3A_650] : memref<16384xf32, #tpu.memory_space<vmem>> -> memref<2048xf32, #tpu.memory_space<vmem>>
      %dma_start3A_652 = arith.constant 0 : i32
      %dma_start3A_653 = tpu.memref_slice %arg2[%add3A_644, %dma_start3A_652] : memref<16384x2048xf32, #tpu.memory_space<hbm>> -> memref<1x2048xf32, #tpu.memory_space<hbm>>
      %dma_start3A_654 = tpu.memref_squeeze %dma_start3A_653 : memref<1x2048xf32, #tpu.memory_space<hbm>> -> memref<2048xf32, #tpu.memory_space<hbm>>
      tpu.enqueue_dma source(%dma_start3A_654 : memref<2048xf32, #tpu.memory_space<hbm>>) target(%dma_start3A_651 : memref<2048xf32, #tpu.memory_space<vmem>>) target_semaphore(%arg13 : memref<!tpu.dma_semaphore, #tpu.memory_space<semaphore_mem>>)
      %dma_wait3A_655 = arith.constant 0 : i32
      %dma_wait3A_656 = tpu.memref_slice %arg8[%dma_wait3A_655] : memref<16384xf32, #tpu.memory_space<vmem>> -> memref<2048xf32, #tpu.memory_space<vmem>>
      %dma_wait3A_657 = arith.constant 0 : i32
      %dma_wait3A_658 = tpu.memref_slice %arg2[%mul3A_2, %dma_wait3A_657] : memref<16384x2048xf32, #tpu.memory_space<hbm>> -> memref<1x2048xf32, #tpu.memory_space<hbm>>
      %dma_wait3A_659 = tpu.memref_squeeze %dma_wait3A_658 : memref<1x2048xf32, #tpu.memory_space<hbm>> -> memref<2048xf32, #tpu.memory_space<hbm>>
      %dma_wait3A_660 = arith.constant 0 : i32
      %dma_wait3A_661 = tpu.memref_slice %arg8[%dma_wait3A_660] : memref<16384xf32, #tpu.memory_space<vmem>> -> memref<2048xf32, #tpu.memory_space<vmem>>
      %dma_wait3A_662 = arith.constant 0 : i32
      %dma_wait3A_663 = tpu.memref_slice %arg2[%mul3A_2, %dma_wait3A_662] : memref<16384x2048xf32, #tpu.memory_space<hbm>> -> memref<1x2048xf32, #tpu.memory_space<hbm>>
      %dma_wait3A_664 = tpu.memref_squeeze %dma_wait3A_663 : memref<1x2048xf32, #tpu.memory_space<hbm>> -> memref<2048xf32, #tpu.memory_space<hbm>>
      tpu.wait_dma2 semaphore(%arg12 : memref<!tpu.dma_semaphore, #tpu.memory_space<semaphore_mem>>) src(%dma_wait3A_664 : memref<2048xf32, #tpu.memory_space<hbm>>) dst(%dma_wait3A_661 : memref<2048xf32, #tpu.memory_space<vmem>>)
      %dma_wait3A_665 = arith.constant 2048 : i32
      %dma_wait3A_666 = tpu.memref_slice %arg8[%dma_wait3A_665] : memref<16384xf32, #tpu.memory_space<vmem>> -> memref<2048xf32, #tpu.memory_space<vmem>>
      %dma_wait3A_667 = arith.constant 0 : i32
      %dma_wait3A_668 = tpu.memref_slice %arg2[%mul3A_2, %dma_wait3A_667] : memref<16384x2048xf32, #tpu.memory_space<hbm>> -> memref<1x2048xf32, #tpu.memory_space<hbm>>
      %dma_wait3A_669 = tpu.memref_squeeze %dma_wait3A_668 : memref<1x2048xf32, #tpu.memory_space<hbm>> -> memref<2048xf32, #tpu.memory_space<hbm>>
      %dma_wait3A_670 = arith.constant 2048 : i32
      %dma_wait3A_671 = tpu.memref_slice %arg8[%dma_wait3A_670] : memref<16384xf32, #tpu.memory_space<vmem>> -> memref<2048xf32, #tpu.memory_space<vmem>>
      %dma_wait3A_672 = arith.constant 0 : i32
      %dma_wait3A_673 = tpu.memref_slice %arg2[%mul3A_2, %dma_wait3A_672] : memref<16384x2048xf32, #tpu.memory_space<hbm>> -> memref<1x2048xf32, #tpu.memory_space<hbm>>
      %dma_wait3A_674 = tpu.memref_squeeze %dma_wait3A_673 : memref<1x2048xf32, #tpu.memory_space<hbm>> -> memref<2048xf32, #tpu.memory_space<hbm>>
      tpu.wait_dma2 semaphore(%arg12 : memref<!tpu.dma_semaphore, #tpu.memory_space<semaphore_mem>>) src(%dma_wait3A_674 : memref<2048xf32, #tpu.memory_space<hbm>>) dst(%dma_wait3A_671 : memref<2048xf32, #tpu.memory_space<vmem>>)
      %dma_wait3A_675 = arith.constant 4096 : i32
      %dma_wait3A_676 = tpu.memref_slice %arg8[%dma_wait3A_675] : memref<16384xf32, #tpu.memory_space<vmem>> -> memref<2048xf32, #tpu.memory_space<vmem>>
      %dma_wait3A_677 = arith.constant 0 : i32
      %dma_wait3A_678 = tpu.memref_slice %arg2[%mul3A_2, %dma_wait3A_677] : memref<16384x2048xf32, #tpu.memory_space<hbm>> -> memref<1x2048xf32, #tpu.memory_space<hbm>>
      %dma_wait3A_679 = tpu.memref_squeeze %dma_wait3A_678 : memref<1x2048xf32, #tpu.memory_space<hbm>> -> memref<2048xf32, #tpu.memory_space<hbm>>
      %dma_wait3A_680 = arith.constant 4096 : i32
      %dma_wait3A_681 = tpu.memref_slice %arg8[%dma_wait3A_680] : memref<16384xf32, #tpu.memory_space<vmem>> -> memref<2048xf32, #tpu.memory_space<vmem>>
      %dma_wait3A_682 = arith.constant 0 : i32
      %dma_wait3A_683 = tpu.memref_slice %arg2[%mul3A_2, %dma_wait3A_682] : memref<16384x2048xf32, #tpu.memory_space<hbm>> -> memref<1x2048xf32, #tpu.memory_space<hbm>>
      %dma_wait3A_684 = tpu.memref_squeeze %dma_wait3A_683 : memref<1x2048xf32, #tpu.memory_space<hbm>> -> memref<2048xf32, #tpu.memory_space<hbm>>
      tpu.wait_dma2 semaphore(%arg12 : memref<!tpu.dma_semaphore, #tpu.memory_space<semaphore_mem>>) src(%dma_wait3A_684 : memref<2048xf32, #tpu.memory_space<hbm>>) dst(%dma_wait3A_681 : memref<2048xf32, #tpu.memory_space<vmem>>)
      %dma_wait3A_685 = arith.constant 6144 : i32
      %dma_wait3A_686 = tpu.memref_slice %arg8[%dma_wait3A_685] : memref<16384xf32, #tpu.memory_space<vmem>> -> memref<2048xf32, #tpu.memory_space<vmem>>
      %dma_wait3A_687 = arith.constant 0 : i32
      %dma_wait3A_688 = tpu.memref_slice %arg2[%mul3A_2, %dma_wait3A_687] : memref<16384x2048xf32, #tpu.memory_space<hbm>> -> memref<1x2048xf32, #tpu.memory_space<hbm>>
      %dma_wait3A_689 = tpu.memref_squeeze %dma_wait3A_688 : memref<1x2048xf32, #tpu.memory_space<hbm>> -> memref<2048xf32, #tpu.memory_space<hbm>>
      %dma_wait3A_690 = arith.constant 6144 : i32
      %dma_wait3A_691 = tpu.memref_slice %arg8[%dma_wait3A_690] : memref<16384xf32, #tpu.memory_space<vmem>> -> memref<2048xf32, #tpu.memory_space<vmem>>
      %dma_wait3A_692 = arith.constant 0 : i32
      %dma_wait3A_693 = tpu.memref_slice %arg2[%mul3A_2, %dma_wait3A_692] : memref<16384x2048xf32, #tpu.memory_space<hbm>> -> memref<1x2048xf32, #tpu.memory_space<hbm>>
      %dma_wait3A_694 = tpu.memref_squeeze %dma_wait3A_693 : memref<1x2048xf32, #tpu.memory_space<hbm>> -> memref<2048xf32, #tpu.memory_space<hbm>>
      tpu.wait_dma2 semaphore(%arg12 : memref<!tpu.dma_semaphore, #tpu.memory_space<semaphore_mem>>) src(%dma_wait3A_694 : memref<2048xf32, #tpu.memory_space<hbm>>) dst(%dma_wait3A_691 : memref<2048xf32, #tpu.memory_space<vmem>>)
      %dma_wait3A_695 = arith.constant 8192 : i32
      %dma_wait3A_696 = tpu.memref_slice %arg8[%dma_wait3A_695] : memref<16384xf32, #tpu.memory_space<vmem>> -> memref<2048xf32, #tpu.memory_space<vmem>>
      %dma_wait3A_697 = arith.constant 0 : i32
      %dma_wait3A_698 = tpu.memref_slice %arg2[%mul3A_2, %dma_wait3A_697] : memref<16384x2048xf32, #tpu.memory_space<hbm>> -> memref<1x2048xf32, #tpu.memory_space<hbm>>
      %dma_wait3A_699 = tpu.memref_squeeze %dma_wait3A_698 : memref<1x2048xf32, #tpu.memory_space<hbm>> -> memref<2048xf32, #tpu.memory_space<hbm>>
      %dma_wait3A_700 = arith.constant 8192 : i32
      %dma_wait3A_701 = tpu.memref_slice %arg8[%dma_wait3A_700] : memref<16384xf32, #tpu.memory_space<vmem>> -> memref<2048xf32, #tpu.memory_space<vmem>>
      %dma_wait3A_702 = arith.constant 0 : i32
      %dma_wait3A_703 = tpu.memref_slice %arg2[%mul3A_2, %dma_wait3A_702] : memref<16384x2048xf32, #tpu.memory_space<hbm>> -> memref<1x2048xf32, #tpu.memory_space<hbm>>
      %dma_wait3A_704 = tpu.memref_squeeze %dma_wait3A_703 : memref<1x2048xf32, #tpu.memory_space<hbm>> -> memref<2048xf32, #tpu.memory_space<hbm>>
      tpu.wait_dma2 semaphore(%arg12 : memref<!tpu.dma_semaphore, #tpu.memory_space<semaphore_mem>>) src(%dma_wait3A_704 : memref<2048xf32, #tpu.memory_space<hbm>>) dst(%dma_wait3A_701 : memref<2048xf32, #tpu.memory_space<vmem>>)
      %dma_wait3A_705 = arith.constant 10240 : i32
      %dma_wait3A_706 = tpu.memref_slice %arg8[%dma_wait3A_705] : memref<16384xf32, #tpu.memory_space<vmem>> -> memref<2048xf32, #tpu.memory_space<vmem>>
      %dma_wait3A_707 = arith.constant 0 : i32
      %dma_wait3A_708 = tpu.memref_slice %arg2[%mul3A_2, %dma_wait3A_707] : memref<16384x2048xf32, #tpu.memory_space<hbm>> -> memref<1x2048xf32, #tpu.memory_space<hbm>>
      %dma_wait3A_709 = tpu.memref_squeeze %dma_wait3A_708 : memref<1x2048xf32, #tpu.memory_space<hbm>> -> memref<2048xf32, #tpu.memory_space<hbm>>
      %dma_wait3A_710 = arith.constant 10240 : i32
      %dma_wait3A_711 = tpu.memref_slice %arg8[%dma_wait3A_710] : memref<16384xf32, #tpu.memory_space<vmem>> -> memref<2048xf32, #tpu.memory_space<vmem>>
      %dma_wait3A_712 = arith.constant 0 : i32
      %dma_wait3A_713 = tpu.memref_slice %arg2[%mul3A_2, %dma_wait3A_712] : memref<16384x2048xf32, #tpu.memory_space<hbm>> -> memref<1x2048xf32, #tpu.memory_space<hbm>>
      %dma_wait3A_714 = tpu.memref_squeeze %dma_wait3A_713 : memref<1x2048xf32, #tpu.memory_space<hbm>> -> memref<2048xf32, #tpu.memory_space<hbm>>
      tpu.wait_dma2 semaphore(%arg12 : memref<!tpu.dma_semaphore, #tpu.memory_space<semaphore_mem>>) src(%dma_wait3A_714 : memref<2048xf32, #tpu.memory_space<hbm>>) dst(%dma_wait3A_711 : memref<2048xf32, #tpu.memory_space<vmem>>)
      %dma_wait3A_715 = arith.constant 12288 : i32
      %dma_wait3A_716 = tpu.memref_slice %arg8[%dma_wait3A_715] : memref<16384xf32, #tpu.memory_space<vmem>> -> memref<2048xf32, #tpu.memory_space<vmem>>
      %dma_wait3A_717 = arith.constant 0 : i32
      %dma_wait3A_718 = tpu.memref_slice %arg2[%mul3A_2, %dma_wait3A_717] : memref<16384x2048xf32, #tpu.memory_space<hbm>> -> memref<1x2048xf32, #tpu.memory_space<hbm>>
      %dma_wait3A_719 = tpu.memref_squeeze %dma_wait3A_718 : memref<1x2048xf32, #tpu.memory_space<hbm>> -> memref<2048xf32, #tpu.memory_space<hbm>>
      %dma_wait3A_720 = arith.constant 12288 : i32
      %dma_wait3A_721 = tpu.memref_slice %arg8[%dma_wait3A_720] : memref<16384xf32, #tpu.memory_space<vmem>> -> memref<2048xf32, #tpu.memory_space<vmem>>
      %dma_wait3A_722 = arith.constant 0 : i32
      %dma_wait3A_723 = tpu.memref_slice %arg2[%mul3A_2, %dma_wait3A_722] : memref<16384x2048xf32, #tpu.memory_space<hbm>> -> memref<1x2048xf32, #tpu.memory_space<hbm>>
      %dma_wait3A_724 = tpu.memref_squeeze %dma_wait3A_723 : memref<1x2048xf32, #tpu.memory_space<hbm>> -> memref<2048xf32, #tpu.memory_space<hbm>>
      tpu.wait_dma2 semaphore(%arg12 : memref<!tpu.dma_semaphore, #tpu.memory_space<semaphore_mem>>) src(%dma_wait3A_724 : memref<2048xf32, #tpu.memory_space<hbm>>) dst(%dma_wait3A_721 : memref<2048xf32, #tpu.memory_space<vmem>>)
      %dma_wait3A_725 = arith.constant 14336 : i32
      %dma_wait3A_726 = tpu.memref_slice %arg8[%dma_wait3A_725] : memref<16384xf32, #tpu.memory_space<vmem>> -> memref<2048xf32, #tpu.memory_space<vmem>>
      %dma_wait3A_727 = arith.constant 0 : i32
      %dma_wait3A_728 = tpu.memref_slice %arg2[%mul3A_2, %dma_wait3A_727] : memref<16384x2048xf32, #tpu.memory_space<hbm>> -> memref<1x2048xf32, #tpu.memory_space<hbm>>
      %dma_wait3A_729 = tpu.memref_squeeze %dma_wait3A_728 : memref<1x2048xf32, #tpu.memory_space<hbm>> -> memref<2048xf32, #tpu.memory_space<hbm>>
      %dma_wait3A_730 = arith.constant 14336 : i32
      %dma_wait3A_731 = tpu.memref_slice %arg8[%dma_wait3A_730] : memref<16384xf32, #tpu.memory_space<vmem>> -> memref<2048xf32, #tpu.memory_space<vmem>>
      %dma_wait3A_732 = arith.constant 0 : i32
      %dma_wait3A_733 = tpu.memref_slice %arg2[%mul3A_2, %dma_wait3A_732] : memref<16384x2048xf32, #tpu.memory_space<hbm>> -> memref<1x2048xf32, #tpu.memory_space<hbm>>
      %dma_wait3A_734 = tpu.memref_squeeze %dma_wait3A_733 : memref<1x2048xf32, #tpu.memory_space<hbm>> -> memref<2048xf32, #tpu.memory_space<hbm>>
      tpu.wait_dma2 semaphore(%arg12 : memref<!tpu.dma_semaphore, #tpu.memory_space<semaphore_mem>>) src(%dma_wait3A_734 : memref<2048xf32, #tpu.memory_space<hbm>>) dst(%dma_wait3A_731 : memref<2048xf32, #tpu.memory_space<vmem>>)
      %ge3A = arith.constant 1 : i32
      %ge3A_735 = arith.cmpi sge, %scan3A_530, %ge3A : i32
      %convert_element_type3A_736 = arith.extui %ge3A_735 : i1 to i32
      %cond3A = arith.constant 0 : i32
      %cond3A_737 = arith.cmpi ne, %convert_element_type3A_736, %cond3A : i32
      scf.if %cond3A_737 {
        %dma_wait3A_1074 = arith.constant 0 : i32
        %dma_wait3A_1075 = tpu.memref_slice %arg10[%dma_wait3A_1074] : memref<16384xf32, #tpu.memory_space<vmem>> -> memref<2048xf32, #tpu.memory_space<vmem>>
        %dma_wait3A_1076 = arith.constant 0 : i32
        %dma_wait3A_1077 = tpu.memref_slice %arg4[%mul3A_2, %dma_wait3A_1076] : memref<16384x2048xf32, #tpu.memory_space<hbm>> -> memref<1x2048xf32, #tpu.memory_space<hbm>>
        %dma_wait3A_1078 = tpu.memref_squeeze %dma_wait3A_1077 : memref<1x2048xf32, #tpu.memory_space<hbm>> -> memref<2048xf32, #tpu.memory_space<hbm>>
        %dma_wait3A_1079 = arith.constant 0 : i32
        %dma_wait3A_1080 = tpu.memref_slice %arg4[%mul3A_2, %dma_wait3A_1079] : memref<16384x2048xf32, #tpu.memory_space<hbm>> -> memref<1x2048xf32, #tpu.memory_space<hbm>>
        %dma_wait3A_1081 = tpu.memref_squeeze %dma_wait3A_1080 : memref<1x2048xf32, #tpu.memory_space<hbm>> -> memref<2048xf32, #tpu.memory_space<hbm>>
        %dma_wait3A_1082 = arith.constant 0 : i32
        %dma_wait3A_1083 = tpu.memref_slice %arg10[%dma_wait3A_1082] : memref<16384xf32, #tpu.memory_space<vmem>> -> memref<2048xf32, #tpu.memory_space<vmem>>
        tpu.wait_dma2 semaphore(%arg14 : memref<!tpu.dma_semaphore, #tpu.memory_space<semaphore_mem>>) src(%dma_wait3A_1083 : memref<2048xf32, #tpu.memory_space<vmem>>) dst(%dma_wait3A_1081 : memref<2048xf32, #tpu.memory_space<hbm>>)
        %dma_wait3A_1084 = arith.constant 2048 : i32
        %dma_wait3A_1085 = tpu.memref_slice %arg10[%dma_wait3A_1084] : memref<16384xf32, #tpu.memory_space<vmem>> -> memref<2048xf32, #tpu.memory_space<vmem>>
        %dma_wait3A_1086 = arith.constant 0 : i32
        %dma_wait3A_1087 = tpu.memref_slice %arg4[%mul3A_2, %dma_wait3A_1086] : memref<16384x2048xf32, #tpu.memory_space<hbm>> -> memref<1x2048xf32, #tpu.memory_space<hbm>>
        %dma_wait3A_1088 = tpu.memref_squeeze %dma_wait3A_1087 : memref<1x2048xf32, #tpu.memory_space<hbm>> -> memref<2048xf32, #tpu.memory_space<hbm>>
        %dma_wait3A_1089 = arith.constant 0 : i32
        %dma_wait3A_1090 = tpu.memref_slice %arg4[%mul3A_2, %dma_wait3A_1089] : memref<16384x2048xf32, #tpu.memory_space<hbm>> -> memref<1x2048xf32, #tpu.memory_space<hbm>>
        %dma_wait3A_1091 = tpu.memref_squeeze %dma_wait3A_1090 : memref<1x2048xf32, #tpu.memory_space<hbm>> -> memref<2048xf32, #tpu.memory_space<hbm>>
        %dma_wait3A_1092 = arith.constant 2048 : i32
        %dma_wait3A_1093 = tpu.memref_slice %arg10[%dma_wait3A_1092] : memref<16384xf32, #tpu.memory_space<vmem>> -> memref<2048xf32, #tpu.memory_space<vmem>>
        tpu.wait_dma2 semaphore(%arg14 : memref<!tpu.dma_semaphore, #tpu.memory_space<semaphore_mem>>) src(%dma_wait3A_1093 : memref<2048xf32, #tpu.memory_space<vmem>>) dst(%dma_wait3A_1091 : memref<2048xf32, #tpu.memory_space<hbm>>)
        %dma_wait3A_1094 = arith.constant 4096 : i32
        %dma_wait3A_1095 = tpu.memref_slice %arg10[%dma_wait3A_1094] : memref<16384xf32, #tpu.memory_space<vmem>> -> memref<2048xf32, #tpu.memory_space<vmem>>
        %dma_wait3A_1096 = arith.constant 0 : i32
        %dma_wait3A_1097 = tpu.memref_slice %arg4[%mul3A_2, %dma_wait3A_1096] : memref<16384x2048xf32, #tpu.memory_space<hbm>> -> memref<1x2048xf32, #tpu.memory_space<hbm>>
        %dma_wait3A_1098 = tpu.memref_squeeze %dma_wait3A_1097 : memref<1x2048xf32, #tpu.memory_space<hbm>> -> memref<2048xf32, #tpu.memory_space<hbm>>
        %dma_wait3A_1099 = arith.constant 0 : i32
        %dma_wait3A_1100 = tpu.memref_slice %arg4[%mul3A_2, %dma_wait3A_1099] : memref<16384x2048xf32, #tpu.memory_space<hbm>> -> memref<1x2048xf32, #tpu.memory_space<hbm>>
        %dma_wait3A_1101 = tpu.memref_squeeze %dma_wait3A_1100 : memref<1x2048xf32, #tpu.memory_space<hbm>> -> memref<2048xf32, #tpu.memory_space<hbm>>
        %dma_wait3A_1102 = arith.constant 4096 : i32
        %dma_wait3A_1103 = tpu.memref_slice %arg10[%dma_wait3A_1102] : memref<16384xf32, #tpu.memory_space<vmem>> -> memref<2048xf32, #tpu.memory_space<vmem>>
        tpu.wait_dma2 semaphore(%arg14 : memref<!tpu.dma_semaphore, #tpu.memory_space<semaphore_mem>>) src(%dma_wait3A_1103 : memref<2048xf32, #tpu.memory_space<vmem>>) dst(%dma_wait3A_1101 : memref<2048xf32, #tpu.memory_space<hbm>>)
        %dma_wait3A_1104 = arith.constant 6144 : i32
        %dma_wait3A_1105 = tpu.memref_slice %arg10[%dma_wait3A_1104] : memref<16384xf32, #tpu.memory_space<vmem>> -> memref<2048xf32, #tpu.memory_space<vmem>>
        %dma_wait3A_1106 = arith.constant 0 : i32
        %dma_wait3A_1107 = tpu.memref_slice %arg4[%mul3A_2, %dma_wait3A_1106] : memref<16384x2048xf32, #tpu.memory_space<hbm>> -> memref<1x2048xf32, #tpu.memory_space<hbm>>
        %dma_wait3A_1108 = tpu.memref_squeeze %dma_wait3A_1107 : memref<1x2048xf32, #tpu.memory_space<hbm>> -> memref<2048xf32, #tpu.memory_space<hbm>>
        %dma_wait3A_1109 = arith.constant 0 : i32
        %dma_wait3A_1110 = tpu.memref_slice %arg4[%mul3A_2, %dma_wait3A_1109] : memref<16384x2048xf32, #tpu.memory_space<hbm>> -> memref<1x2048xf32, #tpu.memory_space<hbm>>
        %dma_wait3A_1111 = tpu.memref_squeeze %dma_wait3A_1110 : memref<1x2048xf32, #tpu.memory_space<hbm>> -> memref<2048xf32, #tpu.memory_space<hbm>>
        %dma_wait3A_1112 = arith.constant 6144 : i32
        %dma_wait3A_1113 = tpu.memref_slice %arg10[%dma_wait3A_1112] : memref<16384xf32, #tpu.memory_space<vmem>> -> memref<2048xf32, #tpu.memory_space<vmem>>
        tpu.wait_dma2 semaphore(%arg14 : memref<!tpu.dma_semaphore, #tpu.memory_space<semaphore_mem>>) src(%dma_wait3A_1113 : memref<2048xf32, #tpu.memory_space<vmem>>) dst(%dma_wait3A_1111 : memref<2048xf32, #tpu.memory_space<hbm>>)
        %dma_wait3A_1114 = arith.constant 8192 : i32
        %dma_wait3A_1115 = tpu.memref_slice %arg10[%dma_wait3A_1114] : memref<16384xf32, #tpu.memory_space<vmem>> -> memref<2048xf32, #tpu.memory_space<vmem>>
        %dma_wait3A_1116 = arith.constant 0 : i32
        %dma_wait3A_1117 = tpu.memref_slice %arg4[%mul3A_2, %dma_wait3A_1116] : memref<16384x2048xf32, #tpu.memory_space<hbm>> -> memref<1x2048xf32, #tpu.memory_space<hbm>>
        %dma_wait3A_1118 = tpu.memref_squeeze %dma_wait3A_1117 : memref<1x2048xf32, #tpu.memory_space<hbm>> -> memref<2048xf32, #tpu.memory_space<hbm>>
        %dma_wait3A_1119 = arith.constant 0 : i32
        %dma_wait3A_1120 = tpu.memref_slice %arg4[%mul3A_2, %dma_wait3A_1119] : memref<16384x2048xf32, #tpu.memory_space<hbm>> -> memref<1x2048xf32, #tpu.memory_space<hbm>>
        %dma_wait3A_1121 = tpu.memref_squeeze %dma_wait3A_1120 : memref<1x2048xf32, #tpu.memory_space<hbm>> -> memref<2048xf32, #tpu.memory_space<hbm>>
        %dma_wait3A_1122 = arith.constant 8192 : i32
        %dma_wait3A_1123 = tpu.memref_slice %arg10[%dma_wait3A_1122] : memref<16384xf32, #tpu.memory_space<vmem>> -> memref<2048xf32, #tpu.memory_space<vmem>>
        tpu.wait_dma2 semaphore(%arg14 : memref<!tpu.dma_semaphore, #tpu.memory_space<semaphore_mem>>) src(%dma_wait3A_1123 : memref<2048xf32, #tpu.memory_space<vmem>>) dst(%dma_wait3A_1121 : memref<2048xf32, #tpu.memory_space<hbm>>)
        %dma_wait3A_1124 = arith.constant 10240 : i32
        %dma_wait3A_1125 = tpu.memref_slice %arg10[%dma_wait3A_1124] : memref<16384xf32, #tpu.memory_space<vmem>> -> memref<2048xf32, #tpu.memory_space<vmem>>
        %dma_wait3A_1126 = arith.constant 0 : i32
        %dma_wait3A_1127 = tpu.memref_slice %arg4[%mul3A_2, %dma_wait3A_1126] : memref<16384x2048xf32, #tpu.memory_space<hbm>> -> memref<1x2048xf32, #tpu.memory_space<hbm>>
        %dma_wait3A_1128 = tpu.memref_squeeze %dma_wait3A_1127 : memref<1x2048xf32, #tpu.memory_space<hbm>> -> memref<2048xf32, #tpu.memory_space<hbm>>
        %dma_wait3A_1129 = arith.constant 0 : i32
        %dma_wait3A_1130 = tpu.memref_slice %arg4[%mul3A_2, %dma_wait3A_1129] : memref<16384x2048xf32, #tpu.memory_space<hbm>> -> memref<1x2048xf32, #tpu.memory_space<hbm>>
        %dma_wait3A_1131 = tpu.memref_squeeze %dma_wait3A_1130 : memref<1x2048xf32, #tpu.memory_space<hbm>> -> memref<2048xf32, #tpu.memory_space<hbm>>
        %dma_wait3A_1132 = arith.constant 10240 : i32
        %dma_wait3A_1133 = tpu.memref_slice %arg10[%dma_wait3A_1132] : memref<16384xf32, #tpu.memory_space<vmem>> -> memref<2048xf32, #tpu.memory_space<vmem>>
        tpu.wait_dma2 semaphore(%arg14 : memref<!tpu.dma_semaphore, #tpu.memory_space<semaphore_mem>>) src(%dma_wait3A_1133 : memref<2048xf32, #tpu.memory_space<vmem>>) dst(%dma_wait3A_1131 : memref<2048xf32, #tpu.memory_space<hbm>>)
        %dma_wait3A_1134 = arith.constant 12288 : i32
        %dma_wait3A_1135 = tpu.memref_slice %arg10[%dma_wait3A_1134] : memref<16384xf32, #tpu.memory_space<vmem>> -> memref<2048xf32, #tpu.memory_space<vmem>>
        %dma_wait3A_1136 = arith.constant 0 : i32
        %dma_wait3A_1137 = tpu.memref_slice %arg4[%mul3A_2, %dma_wait3A_1136] : memref<16384x2048xf32, #tpu.memory_space<hbm>> -> memref<1x2048xf32, #tpu.memory_space<hbm>>
        %dma_wait3A_1138 = tpu.memref_squeeze %dma_wait3A_1137 : memref<1x2048xf32, #tpu.memory_space<hbm>> -> memref<2048xf32, #tpu.memory_space<hbm>>
        %dma_wait3A_1139 = arith.constant 0 : i32
        %dma_wait3A_1140 = tpu.memref_slice %arg4[%mul3A_2, %dma_wait3A_1139] : memref<16384x2048xf32, #tpu.memory_space<hbm>> -> memref<1x2048xf32, #tpu.memory_space<hbm>>
        %dma_wait3A_1141 = tpu.memref_squeeze %dma_wait3A_1140 : memref<1x2048xf32, #tpu.memory_space<hbm>> -> memref<2048xf32, #tpu.memory_space<hbm>>
        %dma_wait3A_1142 = arith.constant 12288 : i32
        %dma_wait3A_1143 = tpu.memref_slice %arg10[%dma_wait3A_1142] : memref<16384xf32, #tpu.memory_space<vmem>> -> memref<2048xf32, #tpu.memory_space<vmem>>
        tpu.wait_dma2 semaphore(%arg14 : memref<!tpu.dma_semaphore, #tpu.memory_space<semaphore_mem>>) src(%dma_wait3A_1143 : memref<2048xf32, #tpu.memory_space<vmem>>) dst(%dma_wait3A_1141 : memref<2048xf32, #tpu.memory_space<hbm>>)
        %dma_wait3A_1144 = arith.constant 14336 : i32
        %dma_wait3A_1145 = tpu.memref_slice %arg10[%dma_wait3A_1144] : memref<16384xf32, #tpu.memory_space<vmem>> -> memref<2048xf32, #tpu.memory_space<vmem>>
        %dma_wait3A_1146 = arith.constant 0 : i32
        %dma_wait3A_1147 = tpu.memref_slice %arg4[%mul3A_2, %dma_wait3A_1146] : memref<16384x2048xf32, #tpu.memory_space<hbm>> -> memref<1x2048xf32, #tpu.memory_space<hbm>>
        %dma_wait3A_1148 = tpu.memref_squeeze %dma_wait3A_1147 : memref<1x2048xf32, #tpu.memory_space<hbm>> -> memref<2048xf32, #tpu.memory_space<hbm>>
        %dma_wait3A_1149 = arith.constant 0 : i32
        %dma_wait3A_1150 = tpu.memref_slice %arg4[%mul3A_2, %dma_wait3A_1149] : memref<16384x2048xf32, #tpu.memory_space<hbm>> -> memref<1x2048xf32, #tpu.memory_space<hbm>>
        %dma_wait3A_1151 = tpu.memref_squeeze %dma_wait3A_1150 : memref<1x2048xf32, #tpu.memory_space<hbm>> -> memref<2048xf32, #tpu.memory_space<hbm>>
        %dma_wait3A_1152 = arith.constant 14336 : i32
        %dma_wait3A_1153 = tpu.memref_slice %arg10[%dma_wait3A_1152] : memref<16384xf32, #tpu.memory_space<vmem>> -> memref<2048xf32, #tpu.memory_space<vmem>>
        tpu.wait_dma2 semaphore(%arg14 : memref<!tpu.dma_semaphore, #tpu.memory_space<semaphore_mem>>) src(%dma_wait3A_1153 : memref<2048xf32, #tpu.memory_space<vmem>>) dst(%dma_wait3A_1151 : memref<2048xf32, #tpu.memory_space<hbm>>)
      } else {
      }
      %parallel_loop3A = arith.constant 0 : i32
      %parallel_loop3A_738 = arith.constant 1024 : i32
      %parallel_loop3A_739 = arith.constant 1 : i32
      scf.for %parallel_loop3A_1074 = %parallel_loop3A to %parallel_loop3A_738 step %parallel_loop3A_739  : i32 {
        %parallel_loop3A_1075 = arith.constant 16 : i32
        %parallel_loop3A_1076 = arith.muli %parallel_loop3A_1074, %parallel_loop3A_1075 : i32
        %parallel_loop3A_1077 = arith.index_cast %parallel_loop3A_1076 : i32 to index
        %parallel_loop3A_1078 = tpu.vector_load %arg8[%parallel_loop3A_1077] {strides = array<i32>} : memref<16384xf32, #tpu.memory_space<vmem>>, vector<16xf32>,
        %parallel_loop3A_1079 = arith.constant 1.600000e+01 : f32
        %parallel_loop3A_1080 = vector.broadcast %parallel_loop3A_1079 : f32 to vector<16xf32>
        %parallel_loop3A_1081 = arith.mulf %parallel_loop3A_1078, %parallel_loop3A_1080 : vector<16xf32>
        %parallel_loop3A_1082 = arith.constant 1.280000e+02 : f32
        %parallel_loop3A_1083 = vector.broadcast %parallel_loop3A_1082 : f32 to vector<16xf32>
        %parallel_loop3A_1084 = arith.addf %parallel_loop3A_1081, %parallel_loop3A_1083 : vector<16xf32>
        %parallel_loop3A_1085 = arith.constant 0.000000e+00 : f32
        %parallel_loop3A_1086 = vector.broadcast %parallel_loop3A_1085 : f32 to vector<16xf32>
        %parallel_loop3A_1087 = arith.maximumf %parallel_loop3A_1084, %parallel_loop3A_1086 : vector<16xf32>
        %parallel_loop3A_1088 = arith.constant 255.999985 : f32
        %parallel_loop3A_1089 = vector.broadcast %parallel_loop3A_1088 : f32 to vector<16xf32>
        %parallel_loop3A_1090 = arith.minimumf %parallel_loop3A_1087, %parallel_loop3A_1089 : vector<16xf32>
        %parallel_loop3A_1091 = arith.fptosi %parallel_loop3A_1090 : vector<16xf32> to vector<16xi32>
        %parallel_loop3A_1092 = tpu.vector_load_idx %arg6[%parallel_loop3A_1091] : memref<264xf32, #tpu.memory_space<vmem>>[vector<16xi32>], vector<16xf32>,
        %parallel_loop3A_1093 = tpu.vector_load_idx %arg7[%parallel_loop3A_1091] : memref<264xf32, #tpu.memory_space<vmem>>[vector<16xi32>], vector<16xf32>,
        %parallel_loop3A_1094 = arith.mulf %parallel_loop3A_1093, %parallel_loop3A_1090 : vector<16xf32>
        %parallel_loop3A_1095 = arith.addf %parallel_loop3A_1092, %parallel_loop3A_1094 : vector<16xf32>
        %parallel_loop3A_1096 = arith.constant 16 : i32
        %parallel_loop3A_1097 = arith.muli %parallel_loop3A_1074, %parallel_loop3A_1096 : i32
        %parallel_loop3A_1098 = arith.index_cast %parallel_loop3A_1097 : i32 to index
        %parallel_loop3A_1099 = tpu.vector_load %arg10[%parallel_loop3A_1098] {strides = array<i32>} : memref<16384xf32, #tpu.memory_space<vmem>>, vector<16xf32>,
        tpu.vector_store %arg10[%parallel_loop3A_1098], %parallel_loop3A_1095 {strides = array<i32>} : memref<16384xf32, #tpu.memory_space<vmem>>, vector<16xf32>,
      } {sc.loop_unroll_factor = 4 : i64, sc.parallel_access}
      %mul3A_740 = arith.constant 8 : i32
      %mul3A_741 = arith.muli %mul3A_532, %mul3A_740 : i32
      %add3A_742 = arith.addi %mul3A_2, %mul3A_741 : i32
      %add3A_743 = arith.constant 0 : i32
      %add3A_744 = arith.addi %add3A_742, %add3A_743 : i32
      %dma_start3A_745 = arith.constant 0 : i32
      %dma_start3A_746 = tpu.memref_slice %arg10[%dma_start3A_745] : memref<16384xf32, #tpu.memory_space<vmem>> -> memref<2048xf32, #tpu.memory_space<vmem>>
      %dma_start3A_747 = arith.constant 0 : i32
      %dma_start3A_748 = tpu.memref_slice %arg4[%add3A_744, %dma_start3A_747] : memref<16384x2048xf32, #tpu.memory_space<hbm>> -> memref<1x2048xf32, #tpu.memory_space<hbm>>
      %dma_start3A_749 = tpu.memref_squeeze %dma_start3A_748 : memref<1x2048xf32, #tpu.memory_space<hbm>> -> memref<2048xf32, #tpu.memory_space<hbm>>
      %dma_start3A_750 = arith.constant 0 : i32
      %dma_start3A_751 = tpu.memref_slice %arg4[%add3A_744, %dma_start3A_750] : memref<16384x2048xf32, #tpu.memory_space<hbm>> -> memref<1x2048xf32, #tpu.memory_space<hbm>>
      %dma_start3A_752 = tpu.memref_squeeze %dma_start3A_751 : memref<1x2048xf32, #tpu.memory_space<hbm>> -> memref<2048xf32, #tpu.memory_space<hbm>>
      %dma_start3A_753 = arith.constant 0 : i32
      %dma_start3A_754 = tpu.memref_slice %arg10[%dma_start3A_753] : memref<16384xf32, #tpu.memory_space<vmem>> -> memref<2048xf32, #tpu.memory_space<vmem>>
      tpu.enqueue_dma source(%dma_start3A_754 : memref<2048xf32, #tpu.memory_space<vmem>>) target(%dma_start3A_752 : memref<2048xf32, #tpu.memory_space<hbm>>) target_semaphore(%arg14 : memref<!tpu.dma_semaphore, #tpu.memory_space<semaphore_mem>>)
      %mul3A_755 = arith.constant 8 : i32
      %mul3A_756 = arith.muli %mul3A_532, %mul3A_755 : i32
      %add3A_757 = arith.addi %mul3A_2, %mul3A_756 : i32
      %add3A_758 = arith.constant 1 : i32
      %add3A_759 = arith.addi %add3A_757, %add3A_758 : i32
      %dma_start3A_760 = arith.constant 2048 : i32
      %dma_start3A_761 = tpu.memref_slice %arg10[%dma_start3A_760] : memref<16384xf32, #tpu.memory_space<vmem>> -> memref<2048xf32, #tpu.memory_space<vmem>>
      %dma_start3A_762 = arith.constant 0 : i32
      %dma_start3A_763 = tpu.memref_slice %arg4[%add3A_759, %dma_start3A_762] : memref<16384x2048xf32, #tpu.memory_space<hbm>> -> memref<1x2048xf32, #tpu.memory_space<hbm>>
      %dma_start3A_764 = tpu.memref_squeeze %dma_start3A_763 : memref<1x2048xf32, #tpu.memory_space<hbm>> -> memref<2048xf32, #tpu.memory_space<hbm>>
      %dma_start3A_765 = arith.constant 0 : i32
      %dma_start3A_766 = tpu.memref_slice %arg4[%add3A_759, %dma_start3A_765] : memref<16384x2048xf32, #tpu.memory_space<hbm>> -> memref<1x2048xf32, #tpu.memory_space<hbm>>
      %dma_start3A_767 = tpu.memref_squeeze %dma_start3A_766 : memref<1x2048xf32, #tpu.memory_space<hbm>> -> memref<2048xf32, #tpu.memory_space<hbm>>
      %dma_start3A_768 = arith.constant 2048 : i32
      %dma_start3A_769 = tpu.memref_slice %arg10[%dma_start3A_768] : memref<16384xf32, #tpu.memory_space<vmem>> -> memref<2048xf32, #tpu.memory_space<vmem>>
      tpu.enqueue_dma source(%dma_start3A_769 : memref<2048xf32, #tpu.memory_space<vmem>>) target(%dma_start3A_767 : memref<2048xf32, #tpu.memory_space<hbm>>) target_semaphore(%arg14 : memref<!tpu.dma_semaphore, #tpu.memory_space<semaphore_mem>>)
      %mul3A_770 = arith.constant 8 : i32
      %mul3A_771 = arith.muli %mul3A_532, %mul3A_770 : i32
      %add3A_772 = arith.addi %mul3A_2, %mul3A_771 : i32
      %add3A_773 = arith.constant 2 : i32
      %add3A_774 = arith.addi %add3A_772, %add3A_773 : i32
      %dma_start3A_775 = arith.constant 4096 : i32
      %dma_start3A_776 = tpu.memref_slice %arg10[%dma_start3A_775] : memref<16384xf32, #tpu.memory_space<vmem>> -> memref<2048xf32, #tpu.memory_space<vmem>>
      %dma_start3A_777 = arith.constant 0 : i32
      %dma_start3A_778 = tpu.memref_slice %arg4[%add3A_774, %dma_start3A_777] : memref<16384x2048xf32, #tpu.memory_space<hbm>> -> memref<1x2048xf32, #tpu.memory_space<hbm>>
      %dma_start3A_779 = tpu.memref_squeeze %dma_start3A_778 : memref<1x2048xf32, #tpu.memory_space<hbm>> -> memref<2048xf32, #tpu.memory_space<hbm>>
      %dma_start3A_780 = arith.constant 0 : i32
      %dma_start3A_781 = tpu.memref_slice %arg4[%add3A_774, %dma_start3A_780] : memref<16384x2048xf32, #tpu.memory_space<hbm>> -> memref<1x2048xf32, #tpu.memory_space<hbm>>
      %dma_start3A_782 = tpu.memref_squeeze %dma_start3A_781 : memref<1x2048xf32, #tpu.memory_space<hbm>> -> memref<2048xf32, #tpu.memory_space<hbm>>
      %dma_start3A_783 = arith.constant 4096 : i32
      %dma_start3A_784 = tpu.memref_slice %arg10[%dma_start3A_783] : memref<16384xf32, #tpu.memory_space<vmem>> -> memref<2048xf32, #tpu.memory_space<vmem>>
      tpu.enqueue_dma source(%dma_start3A_784 : memref<2048xf32, #tpu.memory_space<vmem>>) target(%dma_start3A_782 : memref<2048xf32, #tpu.memory_space<hbm>>) target_semaphore(%arg14 : memref<!tpu.dma_semaphore, #tpu.memory_space<semaphore_mem>>)
      %mul3A_785 = arith.constant 8 : i32
      %mul3A_786 = arith.muli %mul3A_532, %mul3A_785 : i32
      %add3A_787 = arith.addi %mul3A_2, %mul3A_786 : i32
      %add3A_788 = arith.constant 3 : i32
      %add3A_789 = arith.addi %add3A_787, %add3A_788 : i32
      %dma_start3A_790 = arith.constant 6144 : i32
      %dma_start3A_791 = tpu.memref_slice %arg10[%dma_start3A_790] : memref<16384xf32, #tpu.memory_space<vmem>> -> memref<2048xf32, #tpu.memory_space<vmem>>
      %dma_start3A_792 = arith.constant 0 : i32
      %dma_start3A_793 = tpu.memref_slice %arg4[%add3A_789, %dma_start3A_792] : memref<16384x2048xf32, #tpu.memory_space<hbm>> -> memref<1x2048xf32, #tpu.memory_space<hbm>>
      %dma_start3A_794 = tpu.memref_squeeze %dma_start3A_793 : memref<1x2048xf32, #tpu.memory_space<hbm>> -> memref<2048xf32, #tpu.memory_space<hbm>>
      %dma_start3A_795 = arith.constant 0 : i32
      %dma_start3A_796 = tpu.memref_slice %arg4[%add3A_789, %dma_start3A_795] : memref<16384x2048xf32, #tpu.memory_space<hbm>> -> memref<1x2048xf32, #tpu.memory_space<hbm>>
      %dma_start3A_797 = tpu.memref_squeeze %dma_start3A_796 : memref<1x2048xf32, #tpu.memory_space<hbm>> -> memref<2048xf32, #tpu.memory_space<hbm>>
      %dma_start3A_798 = arith.constant 6144 : i32
      %dma_start3A_799 = tpu.memref_slice %arg10[%dma_start3A_798] : memref<16384xf32, #tpu.memory_space<vmem>> -> memref<2048xf32, #tpu.memory_space<vmem>>
      tpu.enqueue_dma source(%dma_start3A_799 : memref<2048xf32, #tpu.memory_space<vmem>>) target(%dma_start3A_797 : memref<2048xf32, #tpu.memory_space<hbm>>) target_semaphore(%arg14 : memref<!tpu.dma_semaphore, #tpu.memory_space<semaphore_mem>>)
      %mul3A_800 = arith.constant 8 : i32
      %mul3A_801 = arith.muli %mul3A_532, %mul3A_800 : i32
      %add3A_802 = arith.addi %mul3A_2, %mul3A_801 : i32
      %add3A_803 = arith.constant 4 : i32
      %add3A_804 = arith.addi %add3A_802, %add3A_803 : i32
      %dma_start3A_805 = arith.constant 8192 : i32
      %dma_start3A_806 = tpu.memref_slice %arg10[%dma_start3A_805] : memref<16384xf32, #tpu.memory_space<vmem>> -> memref<2048xf32, #tpu.memory_space<vmem>>
      %dma_start3A_807 = arith.constant 0 : i32
      %dma_start3A_808 = tpu.memref_slice %arg4[%add3A_804, %dma_start3A_807] : memref<16384x2048xf32, #tpu.memory_space<hbm>> -> memref<1x2048xf32, #tpu.memory_space<hbm>>
      %dma_start3A_809 = tpu.memref_squeeze %dma_start3A_808 : memref<1x2048xf32, #tpu.memory_space<hbm>> -> memref<2048xf32, #tpu.memory_space<hbm>>
      %dma_start3A_810 = arith.constant 0 : i32
      %dma_start3A_811 = tpu.memref_slice %arg4[%add3A_804, %dma_start3A_810] : memref<16384x2048xf32, #tpu.memory_space<hbm>> -> memref<1x2048xf32, #tpu.memory_space<hbm>>
      %dma_start3A_812 = tpu.memref_squeeze %dma_start3A_811 : memref<1x2048xf32, #tpu.memory_space<hbm>> -> memref<2048xf32, #tpu.memory_space<hbm>>
      %dma_start3A_813 = arith.constant 8192 : i32
      %dma_start3A_814 = tpu.memref_slice %arg10[%dma_start3A_813] : memref<16384xf32, #tpu.memory_space<vmem>> -> memref<2048xf32, #tpu.memory_space<vmem>>
      tpu.enqueue_dma source(%dma_start3A_814 : memref<2048xf32, #tpu.memory_space<vmem>>) target(%dma_start3A_812 : memref<2048xf32, #tpu.memory_space<hbm>>) target_semaphore(%arg14 : memref<!tpu.dma_semaphore, #tpu.memory_space<semaphore_mem>>)
      %mul3A_815 = arith.constant 8 : i32
      %mul3A_816 = arith.muli %mul3A_532, %mul3A_815 : i32
      %add3A_817 = arith.addi %mul3A_2, %mul3A_816 : i32
      %add3A_818 = arith.constant 5 : i32
      %add3A_819 = arith.addi %add3A_817, %add3A_818 : i32
      %dma_start3A_820 = arith.constant 10240 : i32
      %dma_start3A_821 = tpu.memref_slice %arg10[%dma_start3A_820] : memref<16384xf32, #tpu.memory_space<vmem>> -> memref<2048xf32, #tpu.memory_space<vmem>>
      %dma_start3A_822 = arith.constant 0 : i32
      %dma_start3A_823 = tpu.memref_slice %arg4[%add3A_819, %dma_start3A_822] : memref<16384x2048xf32, #tpu.memory_space<hbm>> -> memref<1x2048xf32, #tpu.memory_space<hbm>>
      %dma_start3A_824 = tpu.memref_squeeze %dma_start3A_823 : memref<1x2048xf32, #tpu.memory_space<hbm>> -> memref<2048xf32, #tpu.memory_space<hbm>>
      %dma_start3A_825 = arith.constant 0 : i32
      %dma_start3A_826 = tpu.memref_slice %arg4[%add3A_819, %dma_start3A_825] : memref<16384x2048xf32, #tpu.memory_space<hbm>> -> memref<1x2048xf32, #tpu.memory_space<hbm>>
      %dma_start3A_827 = tpu.memref_squeeze %dma_start3A_826 : memref<1x2048xf32, #tpu.memory_space<hbm>> -> memref<2048xf32, #tpu.memory_space<hbm>>
      %dma_start3A_828 = arith.constant 10240 : i32
      %dma_start3A_829 = tpu.memref_slice %arg10[%dma_start3A_828] : memref<16384xf32, #tpu.memory_space<vmem>> -> memref<2048xf32, #tpu.memory_space<vmem>>
      tpu.enqueue_dma source(%dma_start3A_829 : memref<2048xf32, #tpu.memory_space<vmem>>) target(%dma_start3A_827 : memref<2048xf32, #tpu.memory_space<hbm>>) target_semaphore(%arg14 : memref<!tpu.dma_semaphore, #tpu.memory_space<semaphore_mem>>)
      %mul3A_830 = arith.constant 8 : i32
      %mul3A_831 = arith.muli %mul3A_532, %mul3A_830 : i32
      %add3A_832 = arith.addi %mul3A_2, %mul3A_831 : i32
      %add3A_833 = arith.constant 6 : i32
      %add3A_834 = arith.addi %add3A_832, %add3A_833 : i32
      %dma_start3A_835 = arith.constant 12288 : i32
      %dma_start3A_836 = tpu.memref_slice %arg10[%dma_start3A_835] : memref<16384xf32, #tpu.memory_space<vmem>> -> memref<2048xf32, #tpu.memory_space<vmem>>
      %dma_start3A_837 = arith.constant 0 : i32
      %dma_start3A_838 = tpu.memref_slice %arg4[%add3A_834, %dma_start3A_837] : memref<16384x2048xf32, #tpu.memory_space<hbm>> -> memref<1x2048xf32, #tpu.memory_space<hbm>>
      %dma_start3A_839 = tpu.memref_squeeze %dma_start3A_838 : memref<1x2048xf32, #tpu.memory_space<hbm>> -> memref<2048xf32, #tpu.memory_space<hbm>>
      %dma_start3A_840 = arith.constant 0 : i32
      %dma_start3A_841 = tpu.memref_slice %arg4[%add3A_834, %dma_start3A_840] : memref<16384x2048xf32, #tpu.memory_space<hbm>> -> memref<1x2048xf32, #tpu.memory_space<hbm>>
      %dma_start3A_842 = tpu.memref_squeeze %dma_start3A_841 : memref<1x2048xf32, #tpu.memory_space<hbm>> -> memref<2048xf32, #tpu.memory_space<hbm>>
      %dma_start3A_843 = arith.constant 12288 : i32
      %dma_start3A_844 = tpu.memref_slice %arg10[%dma_start3A_843] : memref<16384xf32, #tpu.memory_space<vmem>> -> memref<2048xf32, #tpu.memory_space<vmem>>
      tpu.enqueue_dma source(%dma_start3A_844 : memref<2048xf32, #tpu.memory_space<vmem>>) target(%dma_start3A_842 : memref<2048xf32, #tpu.memory_space<hbm>>) target_semaphore(%arg14 : memref<!tpu.dma_semaphore, #tpu.memory_space<semaphore_mem>>)
      %mul3A_845 = arith.constant 8 : i32
      %mul3A_846 = arith.muli %mul3A_532, %mul3A_845 : i32
      %add3A_847 = arith.addi %mul3A_2, %mul3A_846 : i32
      %add3A_848 = arith.constant 7 : i32
      %add3A_849 = arith.addi %add3A_847, %add3A_848 : i32
      %dma_start3A_850 = arith.constant 14336 : i32
      %dma_start3A_851 = tpu.memref_slice %arg10[%dma_start3A_850] : memref<16384xf32, #tpu.memory_space<vmem>> -> memref<2048xf32, #tpu.memory_space<vmem>>
      %dma_start3A_852 = arith.constant 0 : i32
      %dma_start3A_853 = tpu.memref_slice %arg4[%add3A_849, %dma_start3A_852] : memref<16384x2048xf32, #tpu.memory_space<hbm>> -> memref<1x2048xf32, #tpu.memory_space<hbm>>
      %dma_start3A_854 = tpu.memref_squeeze %dma_start3A_853 : memref<1x2048xf32, #tpu.memory_space<hbm>> -> memref<2048xf32, #tpu.memory_space<hbm>>
      %dma_start3A_855 = arith.constant 0 : i32
      %dma_start3A_856 = tpu.memref_slice %arg4[%add3A_849, %dma_start3A_855] : memref<16384x2048xf32, #tpu.memory_space<hbm>> -> memref<1x2048xf32, #tpu.memory_space<hbm>>
      %dma_start3A_857 = tpu.memref_squeeze %dma_start3A_856 : memref<1x2048xf32, #tpu.memory_space<hbm>> -> memref<2048xf32, #tpu.memory_space<hbm>>
      %dma_start3A_858 = arith.constant 14336 : i32
      %dma_start3A_859 = tpu.memref_slice %arg10[%dma_start3A_858] : memref<16384xf32, #tpu.memory_space<vmem>> -> memref<2048xf32, #tpu.memory_space<vmem>>
      tpu.enqueue_dma source(%dma_start3A_859 : memref<2048xf32, #tpu.memory_space<vmem>>) target(%dma_start3A_857 : memref<2048xf32, #tpu.memory_space<hbm>>) target_semaphore(%arg14 : memref<!tpu.dma_semaphore, #tpu.memory_space<semaphore_mem>>)
      %lt3A = arith.constant 31 : i32
      %lt3A_860 = arith.cmpi slt, %scan3A_530, %lt3A : i32
      %convert_element_type3A_861 = arith.extui %lt3A_860 : i1 to i32
      %cond3A_862 = arith.constant 0 : i32
      %cond3A_863 = arith.cmpi ne, %convert_element_type3A_861, %cond3A_862 : i32
      scf.if %cond3A_863 {
        %add3A_1074 = arith.constant 2 : i32
        %add3A_1075 = arith.addi %mul3A_532, %add3A_1074 : i32
        %mul3A_1076 = arith.constant 8 : i32
        %mul3A_1077 = arith.muli %add3A_1075, %mul3A_1076 : i32
        %add3A_1078 = arith.addi %mul3A_2, %mul3A_1077 : i32
        %add3A_1079 = arith.constant 0 : i32
        %add3A_1080 = arith.addi %add3A_1078, %add3A_1079 : i32
        %dma_start3A_1081 = arith.constant 0 : i32
        %dma_start3A_1082 = tpu.memref_slice %arg8[%dma_start3A_1081] : memref<16384xf32, #tpu.memory_space<vmem>> -> memref<2048xf32, #tpu.memory_space<vmem>>
        %dma_start3A_1083 = arith.constant 0 : i32
        %dma_start3A_1084 = tpu.memref_slice %arg2[%add3A_1080, %dma_start3A_1083] : memref<16384x2048xf32, #tpu.memory_space<hbm>> -> memref<1x2048xf32, #tpu.memory_space<hbm>>
        %dma_start3A_1085 = tpu.memref_squeeze %dma_start3A_1084 : memref<1x2048xf32, #tpu.memory_space<hbm>> -> memref<2048xf32, #tpu.memory_space<hbm>>
        %dma_start3A_1086 = arith.constant 0 : i32
        %dma_start3A_1087 = tpu.memref_slice %arg8[%dma_start3A_1086] : memref<16384xf32, #tpu.memory_space<vmem>> -> memref<2048xf32, #tpu.memory_space<vmem>>
        %dma_start3A_1088 = arith.constant 0 : i32
        %dma_start3A_1089 = tpu.memref_slice %arg2[%add3A_1080, %dma_start3A_1088] : memref<16384x2048xf32, #tpu.memory_space<hbm>> -> memref<1x2048xf32, #tpu.memory_space<hbm>>
        %dma_start3A_1090 = tpu.memref_squeeze %dma_start3A_1089 : memref<1x2048xf32, #tpu.memory_space<hbm>> -> memref<2048xf32, #tpu.memory_space<hbm>>
        tpu.enqueue_dma source(%dma_start3A_1090 : memref<2048xf32, #tpu.memory_space<hbm>>) target(%dma_start3A_1087 : memref<2048xf32, #tpu.memory_space<vmem>>) target_semaphore(%arg12 : memref<!tpu.dma_semaphore, #tpu.memory_space<semaphore_mem>>)
        %mul3A_1091 = arith.constant 8 : i32
        %mul3A_1092 = arith.muli %add3A_1075, %mul3A_1091 : i32
        %add3A_1093 = arith.addi %mul3A_2, %mul3A_1092 : i32
        %add3A_1094 = arith.constant 1 : i32
        %add3A_1095 = arith.addi %add3A_1093, %add3A_1094 : i32
        %dma_start3A_1096 = arith.constant 2048 : i32
        %dma_start3A_1097 = tpu.memref_slice %arg8[%dma_start3A_1096] : memref<16384xf32, #tpu.memory_space<vmem>> -> memref<2048xf32, #tpu.memory_space<vmem>>
        %dma_start3A_1098 = arith.constant 0 : i32
        %dma_start3A_1099 = tpu.memref_slice %arg2[%add3A_1095, %dma_start3A_1098] : memref<16384x2048xf32, #tpu.memory_space<hbm>> -> memref<1x2048xf32, #tpu.memory_space<hbm>>
        %dma_start3A_1100 = tpu.memref_squeeze %dma_start3A_1099 : memref<1x2048xf32, #tpu.memory_space<hbm>> -> memref<2048xf32, #tpu.memory_space<hbm>>
        %dma_start3A_1101 = arith.constant 2048 : i32
        %dma_start3A_1102 = tpu.memref_slice %arg8[%dma_start3A_1101] : memref<16384xf32, #tpu.memory_space<vmem>> -> memref<2048xf32, #tpu.memory_space<vmem>>
        %dma_start3A_1103 = arith.constant 0 : i32
        %dma_start3A_1104 = tpu.memref_slice %arg2[%add3A_1095, %dma_start3A_1103] : memref<16384x2048xf32, #tpu.memory_space<hbm>> -> memref<1x2048xf32, #tpu.memory_space<hbm>>
        %dma_start3A_1105 = tpu.memref_squeeze %dma_start3A_1104 : memref<1x2048xf32, #tpu.memory_space<hbm>> -> memref<2048xf32, #tpu.memory_space<hbm>>
        tpu.enqueue_dma source(%dma_start3A_1105 : memref<2048xf32, #tpu.memory_space<hbm>>) target(%dma_start3A_1102 : memref<2048xf32, #tpu.memory_space<vmem>>) target_semaphore(%arg12 : memref<!tpu.dma_semaphore, #tpu.memory_space<semaphore_mem>>)
        %mul3A_1106 = arith.constant 8 : i32
        %mul3A_1107 = arith.muli %add3A_1075, %mul3A_1106 : i32
        %add3A_1108 = arith.addi %mul3A_2, %mul3A_1107 : i32
        %add3A_1109 = arith.constant 2 : i32
        %add3A_1110 = arith.addi %add3A_1108, %add3A_1109 : i32
        %dma_start3A_1111 = arith.constant 4096 : i32
        %dma_start3A_1112 = tpu.memref_slice %arg8[%dma_start3A_1111] : memref<16384xf32, #tpu.memory_space<vmem>> -> memref<2048xf32, #tpu.memory_space<vmem>>
        %dma_start3A_1113 = arith.constant 0 : i32
        %dma_start3A_1114 = tpu.memref_slice %arg2[%add3A_1110, %dma_start3A_1113] : memref<16384x2048xf32, #tpu.memory_space<hbm>> -> memref<1x2048xf32, #tpu.memory_space<hbm>>
        %dma_start3A_1115 = tpu.memref_squeeze %dma_start3A_1114 : memref<1x2048xf32, #tpu.memory_space<hbm>> -> memref<2048xf32, #tpu.memory_space<hbm>>
        %dma_start3A_1116 = arith.constant 4096 : i32
        %dma_start3A_1117 = tpu.memref_slice %arg8[%dma_start3A_1116] : memref<16384xf32, #tpu.memory_space<vmem>> -> memref<2048xf32, #tpu.memory_space<vmem>>
        %dma_start3A_1118 = arith.constant 0 : i32
        %dma_start3A_1119 = tpu.memref_slice %arg2[%add3A_1110, %dma_start3A_1118] : memref<16384x2048xf32, #tpu.memory_space<hbm>> -> memref<1x2048xf32, #tpu.memory_space<hbm>>
        %dma_start3A_1120 = tpu.memref_squeeze %dma_start3A_1119 : memref<1x2048xf32, #tpu.memory_space<hbm>> -> memref<2048xf32, #tpu.memory_space<hbm>>
        tpu.enqueue_dma source(%dma_start3A_1120 : memref<2048xf32, #tpu.memory_space<hbm>>) target(%dma_start3A_1117 : memref<2048xf32, #tpu.memory_space<vmem>>) target_semaphore(%arg12 : memref<!tpu.dma_semaphore, #tpu.memory_space<semaphore_mem>>)
        %mul3A_1121 = arith.constant 8 : i32
        %mul3A_1122 = arith.muli %add3A_1075, %mul3A_1121 : i32
        %add3A_1123 = arith.addi %mul3A_2, %mul3A_1122 : i32
        %add3A_1124 = arith.constant 3 : i32
        %add3A_1125 = arith.addi %add3A_1123, %add3A_1124 : i32
        %dma_start3A_1126 = arith.constant 6144 : i32
        %dma_start3A_1127 = tpu.memref_slice %arg8[%dma_start3A_1126] : memref<16384xf32, #tpu.memory_space<vmem>> -> memref<2048xf32, #tpu.memory_space<vmem>>
        %dma_start3A_1128 = arith.constant 0 : i32
        %dma_start3A_1129 = tpu.memref_slice %arg2[%add3A_1125, %dma_start3A_1128] : memref<16384x2048xf32, #tpu.memory_space<hbm>> -> memref<1x2048xf32, #tpu.memory_space<hbm>>
        %dma_start3A_1130 = tpu.memref_squeeze %dma_start3A_1129 : memref<1x2048xf32, #tpu.memory_space<hbm>> -> memref<2048xf32, #tpu.memory_space<hbm>>
        %dma_start3A_1131 = arith.constant 6144 : i32
        %dma_start3A_1132 = tpu.memref_slice %arg8[%dma_start3A_1131] : memref<16384xf32, #tpu.memory_space<vmem>> -> memref<2048xf32, #tpu.memory_space<vmem>>
        %dma_start3A_1133 = arith.constant 0 : i32
        %dma_start3A_1134 = tpu.memref_slice %arg2[%add3A_1125, %dma_start3A_1133] : memref<16384x2048xf32, #tpu.memory_space<hbm>> -> memref<1x2048xf32, #tpu.memory_space<hbm>>
        %dma_start3A_1135 = tpu.memref_squeeze %dma_start3A_1134 : memref<1x2048xf32, #tpu.memory_space<hbm>> -> memref<2048xf32, #tpu.memory_space<hbm>>
        tpu.enqueue_dma source(%dma_start3A_1135 : memref<2048xf32, #tpu.memory_space<hbm>>) target(%dma_start3A_1132 : memref<2048xf32, #tpu.memory_space<vmem>>) target_semaphore(%arg12 : memref<!tpu.dma_semaphore, #tpu.memory_space<semaphore_mem>>)
        %mul3A_1136 = arith.constant 8 : i32
        %mul3A_1137 = arith.muli %add3A_1075, %mul3A_1136 : i32
        %add3A_1138 = arith.addi %mul3A_2, %mul3A_1137 : i32
        %add3A_1139 = arith.constant 4 : i32
        %add3A_1140 = arith.addi %add3A_1138, %add3A_1139 : i32
        %dma_start3A_1141 = arith.constant 8192 : i32
        %dma_start3A_1142 = tpu.memref_slice %arg8[%dma_start3A_1141] : memref<16384xf32, #tpu.memory_space<vmem>> -> memref<2048xf32, #tpu.memory_space<vmem>>
        %dma_start3A_1143 = arith.constant 0 : i32
        %dma_start3A_1144 = tpu.memref_slice %arg2[%add3A_1140, %dma_start3A_1143] : memref<16384x2048xf32, #tpu.memory_space<hbm>> -> memref<1x2048xf32, #tpu.memory_space<hbm>>
        %dma_start3A_1145 = tpu.memref_squeeze %dma_start3A_1144 : memref<1x2048xf32, #tpu.memory_space<hbm>> -> memref<2048xf32, #tpu.memory_space<hbm>>
        %dma_start3A_1146 = arith.constant 8192 : i32
        %dma_start3A_1147 = tpu.memref_slice %arg8[%dma_start3A_1146] : memref<16384xf32, #tpu.memory_space<vmem>> -> memref<2048xf32, #tpu.memory_space<vmem>>
        %dma_start3A_1148 = arith.constant 0 : i32
        %dma_start3A_1149 = tpu.memref_slice %arg2[%add3A_1140, %dma_start3A_1148] : memref<16384x2048xf32, #tpu.memory_space<hbm>> -> memref<1x2048xf32, #tpu.memory_space<hbm>>
        %dma_start3A_1150 = tpu.memref_squeeze %dma_start3A_1149 : memref<1x2048xf32, #tpu.memory_space<hbm>> -> memref<2048xf32, #tpu.memory_space<hbm>>
        tpu.enqueue_dma source(%dma_start3A_1150 : memref<2048xf32, #tpu.memory_space<hbm>>) target(%dma_start3A_1147 : memref<2048xf32, #tpu.memory_space<vmem>>) target_semaphore(%arg12 : memref<!tpu.dma_semaphore, #tpu.memory_space<semaphore_mem>>)
        %mul3A_1151 = arith.constant 8 : i32
        %mul3A_1152 = arith.muli %add3A_1075, %mul3A_1151 : i32
        %add3A_1153 = arith.addi %mul3A_2, %mul3A_1152 : i32
        %add3A_1154 = arith.constant 5 : i32
        %add3A_1155 = arith.addi %add3A_1153, %add3A_1154 : i32
        %dma_start3A_1156 = arith.constant 10240 : i32
        %dma_start3A_1157 = tpu.memref_slice %arg8[%dma_start3A_1156] : memref<16384xf32, #tpu.memory_space<vmem>> -> memref<2048xf32, #tpu.memory_space<vmem>>
        %dma_start3A_1158 = arith.constant 0 : i32
        %dma_start3A_1159 = tpu.memref_slice %arg2[%add3A_1155, %dma_start3A_1158] : memref<16384x2048xf32, #tpu.memory_space<hbm>> -> memref<1x2048xf32, #tpu.memory_space<hbm>>
        %dma_start3A_1160 = tpu.memref_squeeze %dma_start3A_1159 : memref<1x2048xf32, #tpu.memory_space<hbm>> -> memref<2048xf32, #tpu.memory_space<hbm>>
        %dma_start3A_1161 = arith.constant 10240 : i32
        %dma_start3A_1162 = tpu.memref_slice %arg8[%dma_start3A_1161] : memref<16384xf32, #tpu.memory_space<vmem>> -> memref<2048xf32, #tpu.memory_space<vmem>>
        %dma_start3A_1163 = arith.constant 0 : i32
        %dma_start3A_1164 = tpu.memref_slice %arg2[%add3A_1155, %dma_start3A_1163] : memref<16384x2048xf32, #tpu.memory_space<hbm>> -> memref<1x2048xf32, #tpu.memory_space<hbm>>
        %dma_start3A_1165 = tpu.memref_squeeze %dma_start3A_1164 : memref<1x2048xf32, #tpu.memory_space<hbm>> -> memref<2048xf32, #tpu.memory_space<hbm>>
        tpu.enqueue_dma source(%dma_start3A_1165 : memref<2048xf32, #tpu.memory_space<hbm>>) target(%dma_start3A_1162 : memref<2048xf32, #tpu.memory_space<vmem>>) target_semaphore(%arg12 : memref<!tpu.dma_semaphore, #tpu.memory_space<semaphore_mem>>)
        %mul3A_1166 = arith.constant 8 : i32
        %mul3A_1167 = arith.muli %add3A_1075, %mul3A_1166 : i32
        %add3A_1168 = arith.addi %mul3A_2, %mul3A_1167 : i32
        %add3A_1169 = arith.constant 6 : i32
        %add3A_1170 = arith.addi %add3A_1168, %add3A_1169 : i32
        %dma_start3A_1171 = arith.constant 12288 : i32
        %dma_start3A_1172 = tpu.memref_slice %arg8[%dma_start3A_1171] : memref<16384xf32, #tpu.memory_space<vmem>> -> memref<2048xf32, #tpu.memory_space<vmem>>
        %dma_start3A_1173 = arith.constant 0 : i32
        %dma_start3A_1174 = tpu.memref_slice %arg2[%add3A_1170, %dma_start3A_1173] : memref<16384x2048xf32, #tpu.memory_space<hbm>> -> memref<1x2048xf32, #tpu.memory_space<hbm>>
        %dma_start3A_1175 = tpu.memref_squeeze %dma_start3A_1174 : memref<1x2048xf32, #tpu.memory_space<hbm>> -> memref<2048xf32, #tpu.memory_space<hbm>>
        %dma_start3A_1176 = arith.constant 12288 : i32
        %dma_start3A_1177 = tpu.memref_slice %arg8[%dma_start3A_1176] : memref<16384xf32, #tpu.memory_space<vmem>> -> memref<2048xf32, #tpu.memory_space<vmem>>
        %dma_start3A_1178 = arith.constant 0 : i32
        %dma_start3A_1179 = tpu.memref_slice %arg2[%add3A_1170, %dma_start3A_1178] : memref<16384x2048xf32, #tpu.memory_space<hbm>> -> memref<1x2048xf32, #tpu.memory_space<hbm>>
        %dma_start3A_1180 = tpu.memref_squeeze %dma_start3A_1179 : memref<1x2048xf32, #tpu.memory_space<hbm>> -> memref<2048xf32, #tpu.memory_space<hbm>>
        tpu.enqueue_dma source(%dma_start3A_1180 : memref<2048xf32, #tpu.memory_space<hbm>>) target(%dma_start3A_1177 : memref<2048xf32, #tpu.memory_space<vmem>>) target_semaphore(%arg12 : memref<!tpu.dma_semaphore, #tpu.memory_space<semaphore_mem>>)
        %mul3A_1181 = arith.constant 8 : i32
        %mul3A_1182 = arith.muli %add3A_1075, %mul3A_1181 : i32
        %add3A_1183 = arith.addi %mul3A_2, %mul3A_1182 : i32
        %add3A_1184 = arith.constant 7 : i32
        %add3A_1185 = arith.addi %add3A_1183, %add3A_1184 : i32
        %dma_start3A_1186 = arith.constant 14336 : i32
        %dma_start3A_1187 = tpu.memref_slice %arg8[%dma_start3A_1186] : memref<16384xf32, #tpu.memory_space<vmem>> -> memref<2048xf32, #tpu.memory_space<vmem>>
        %dma_start3A_1188 = arith.constant 0 : i32
        %dma_start3A_1189 = tpu.memref_slice %arg2[%add3A_1185, %dma_start3A_1188] : memref<16384x2048xf32, #tpu.memory_space<hbm>> -> memref<1x2048xf32, #tpu.memory_space<hbm>>
        %dma_start3A_1190 = tpu.memref_squeeze %dma_start3A_1189 : memref<1x2048xf32, #tpu.memory_space<hbm>> -> memref<2048xf32, #tpu.memory_space<hbm>>
        %dma_start3A_1191 = arith.constant 14336 : i32
        %dma_start3A_1192 = tpu.memref_slice %arg8[%dma_start3A_1191] : memref<16384xf32, #tpu.memory_space<vmem>> -> memref<2048xf32, #tpu.memory_space<vmem>>
        %dma_start3A_1193 = arith.constant 0 : i32
        %dma_start3A_1194 = tpu.memref_slice %arg2[%add3A_1185, %dma_start3A_1193] : memref<16384x2048xf32, #tpu.memory_space<hbm>> -> memref<1x2048xf32, #tpu.memory_space<hbm>>
        %dma_start3A_1195 = tpu.memref_squeeze %dma_start3A_1194 : memref<1x2048xf32, #tpu.memory_space<hbm>> -> memref<2048xf32, #tpu.memory_space<hbm>>
        tpu.enqueue_dma source(%dma_start3A_1195 : memref<2048xf32, #tpu.memory_space<hbm>>) target(%dma_start3A_1192 : memref<2048xf32, #tpu.memory_space<vmem>>) target_semaphore(%arg12 : memref<!tpu.dma_semaphore, #tpu.memory_space<semaphore_mem>>)
      } else {
      }
      %dma_wait3A_864 = arith.constant 0 : i32
      %dma_wait3A_865 = tpu.memref_slice %arg9[%dma_wait3A_864] : memref<16384xf32, #tpu.memory_space<vmem>> -> memref<2048xf32, #tpu.memory_space<vmem>>
      %dma_wait3A_866 = arith.constant 0 : i32
      %dma_wait3A_867 = tpu.memref_slice %arg2[%mul3A_2, %dma_wait3A_866] : memref<16384x2048xf32, #tpu.memory_space<hbm>> -> memref<1x2048xf32, #tpu.memory_space<hbm>>
      %dma_wait3A_868 = tpu.memref_squeeze %dma_wait3A_867 : memref<1x2048xf32, #tpu.memory_space<hbm>> -> memref<2048xf32, #tpu.memory_space<hbm>>
      %dma_wait3A_869 = arith.constant 0 : i32
      %dma_wait3A_870 = tpu.memref_slice %arg9[%dma_wait3A_869] : memref<16384xf32, #tpu.memory_space<vmem>> -> memref<2048xf32, #tpu.memory_space<vmem>>
      %dma_wait3A_871 = arith.constant 0 : i32
      %dma_wait3A_872 = tpu.memref_slice %arg2[%mul3A_2, %dma_wait3A_871] : memref<16384x2048xf32, #tpu.memory_space<hbm>> -> memref<1x2048xf32, #tpu.memory_space<hbm>>
      %dma_wait3A_873 = tpu.memref_squeeze %dma_wait3A_872 : memref<1x2048xf32, #tpu.memory_space<hbm>> -> memref<2048xf32, #tpu.memory_space<hbm>>
      tpu.wait_dma2 semaphore(%arg13 : memref<!tpu.dma_semaphore, #tpu.memory_space<semaphore_mem>>) src(%dma_wait3A_873 : memref<2048xf32, #tpu.memory_space<hbm>>) dst(%dma_wait3A_870 : memref<2048xf32, #tpu.memory_space<vmem>>)
      %dma_wait3A_874 = arith.constant 2048 : i32
      %dma_wait3A_875 = tpu.memref_slice %arg9[%dma_wait3A_874] : memref<16384xf32, #tpu.memory_space<vmem>> -> memref<2048xf32, #tpu.memory_space<vmem>>
      %dma_wait3A_876 = arith.constant 0 : i32
      %dma_wait3A_877 = tpu.memref_slice %arg2[%mul3A_2, %dma_wait3A_876] : memref<16384x2048xf32, #tpu.memory_space<hbm>> -> memref<1x2048xf32, #tpu.memory_space<hbm>>
      %dma_wait3A_878 = tpu.memref_squeeze %dma_wait3A_877 : memref<1x2048xf32, #tpu.memory_space<hbm>> -> memref<2048xf32, #tpu.memory_space<hbm>>
      %dma_wait3A_879 = arith.constant 2048 : i32
      %dma_wait3A_880 = tpu.memref_slice %arg9[%dma_wait3A_879] : memref<16384xf32, #tpu.memory_space<vmem>> -> memref<2048xf32, #tpu.memory_space<vmem>>
      %dma_wait3A_881 = arith.constant 0 : i32
      %dma_wait3A_882 = tpu.memref_slice %arg2[%mul3A_2, %dma_wait3A_881] : memref<16384x2048xf32, #tpu.memory_space<hbm>> -> memref<1x2048xf32, #tpu.memory_space<hbm>>
      %dma_wait3A_883 = tpu.memref_squeeze %dma_wait3A_882 : memref<1x2048xf32, #tpu.memory_space<hbm>> -> memref<2048xf32, #tpu.memory_space<hbm>>
      tpu.wait_dma2 semaphore(%arg13 : memref<!tpu.dma_semaphore, #tpu.memory_space<semaphore_mem>>) src(%dma_wait3A_883 : memref<2048xf32, #tpu.memory_space<hbm>>) dst(%dma_wait3A_880 : memref<2048xf32, #tpu.memory_space<vmem>>)
      %dma_wait3A_884 = arith.constant 4096 : i32
      %dma_wait3A_885 = tpu.memref_slice %arg9[%dma_wait3A_884] : memref<16384xf32, #tpu.memory_space<vmem>> -> memref<2048xf32, #tpu.memory_space<vmem>>
      %dma_wait3A_886 = arith.constant 0 : i32
      %dma_wait3A_887 = tpu.memref_slice %arg2[%mul3A_2, %dma_wait3A_886] : memref<16384x2048xf32, #tpu.memory_space<hbm>> -> memref<1x2048xf32, #tpu.memory_space<hbm>>
      %dma_wait3A_888 = tpu.memref_squeeze %dma_wait3A_887 : memref<1x2048xf32, #tpu.memory_space<hbm>> -> memref<2048xf32, #tpu.memory_space<hbm>>
      %dma_wait3A_889 = arith.constant 4096 : i32
      %dma_wait3A_890 = tpu.memref_slice %arg9[%dma_wait3A_889] : memref<16384xf32, #tpu.memory_space<vmem>> -> memref<2048xf32, #tpu.memory_space<vmem>>
      %dma_wait3A_891 = arith.constant 0 : i32
      %dma_wait3A_892 = tpu.memref_slice %arg2[%mul3A_2, %dma_wait3A_891] : memref<16384x2048xf32, #tpu.memory_space<hbm>> -> memref<1x2048xf32, #tpu.memory_space<hbm>>
      %dma_wait3A_893 = tpu.memref_squeeze %dma_wait3A_892 : memref<1x2048xf32, #tpu.memory_space<hbm>> -> memref<2048xf32, #tpu.memory_space<hbm>>
      tpu.wait_dma2 semaphore(%arg13 : memref<!tpu.dma_semaphore, #tpu.memory_space<semaphore_mem>>) src(%dma_wait3A_893 : memref<2048xf32, #tpu.memory_space<hbm>>) dst(%dma_wait3A_890 : memref<2048xf32, #tpu.memory_space<vmem>>)
      %dma_wait3A_894 = arith.constant 6144 : i32
      %dma_wait3A_895 = tpu.memref_slice %arg9[%dma_wait3A_894] : memref<16384xf32, #tpu.memory_space<vmem>> -> memref<2048xf32, #tpu.memory_space<vmem>>
      %dma_wait3A_896 = arith.constant 0 : i32
      %dma_wait3A_897 = tpu.memref_slice %arg2[%mul3A_2, %dma_wait3A_896] : memref<16384x2048xf32, #tpu.memory_space<hbm>> -> memref<1x2048xf32, #tpu.memory_space<hbm>>
      %dma_wait3A_898 = tpu.memref_squeeze %dma_wait3A_897 : memref<1x2048xf32, #tpu.memory_space<hbm>> -> memref<2048xf32, #tpu.memory_space<hbm>>
      %dma_wait3A_899 = arith.constant 6144 : i32
      %dma_wait3A_900 = tpu.memref_slice %arg9[%dma_wait3A_899] : memref<16384xf32, #tpu.memory_space<vmem>> -> memref<2048xf32, #tpu.memory_space<vmem>>
      %dma_wait3A_901 = arith.constant 0 : i32
      %dma_wait3A_902 = tpu.memref_slice %arg2[%mul3A_2, %dma_wait3A_901] : memref<16384x2048xf32, #tpu.memory_space<hbm>> -> memref<1x2048xf32, #tpu.memory_space<hbm>>
      %dma_wait3A_903 = tpu.memref_squeeze %dma_wait3A_902 : memref<1x2048xf32, #tpu.memory_space<hbm>> -> memref<2048xf32, #tpu.memory_space<hbm>>
      tpu.wait_dma2 semaphore(%arg13 : memref<!tpu.dma_semaphore, #tpu.memory_space<semaphore_mem>>) src(%dma_wait3A_903 : memref<2048xf32, #tpu.memory_space<hbm>>) dst(%dma_wait3A_900 : memref<2048xf32, #tpu.memory_space<vmem>>)
      %dma_wait3A_904 = arith.constant 8192 : i32
      %dma_wait3A_905 = tpu.memref_slice %arg9[%dma_wait3A_904] : memref<16384xf32, #tpu.memory_space<vmem>> -> memref<2048xf32, #tpu.memory_space<vmem>>
      %dma_wait3A_906 = arith.constant 0 : i32
      %dma_wait3A_907 = tpu.memref_slice %arg2[%mul3A_2, %dma_wait3A_906] : memref<16384x2048xf32, #tpu.memory_space<hbm>> -> memref<1x2048xf32, #tpu.memory_space<hbm>>
      %dma_wait3A_908 = tpu.memref_squeeze %dma_wait3A_907 : memref<1x2048xf32, #tpu.memory_space<hbm>> -> memref<2048xf32, #tpu.memory_space<hbm>>
      %dma_wait3A_909 = arith.constant 8192 : i32
      %dma_wait3A_910 = tpu.memref_slice %arg9[%dma_wait3A_909] : memref<16384xf32, #tpu.memory_space<vmem>> -> memref<2048xf32, #tpu.memory_space<vmem>>
      %dma_wait3A_911 = arith.constant 0 : i32
      %dma_wait3A_912 = tpu.memref_slice %arg2[%mul3A_2, %dma_wait3A_911] : memref<16384x2048xf32, #tpu.memory_space<hbm>> -> memref<1x2048xf32, #tpu.memory_space<hbm>>
      %dma_wait3A_913 = tpu.memref_squeeze %dma_wait3A_912 : memref<1x2048xf32, #tpu.memory_space<hbm>> -> memref<2048xf32, #tpu.memory_space<hbm>>
      tpu.wait_dma2 semaphore(%arg13 : memref<!tpu.dma_semaphore, #tpu.memory_space<semaphore_mem>>) src(%dma_wait3A_913 : memref<2048xf32, #tpu.memory_space<hbm>>) dst(%dma_wait3A_910 : memref<2048xf32, #tpu.memory_space<vmem>>)
      %dma_wait3A_914 = arith.constant 10240 : i32
      %dma_wait3A_915 = tpu.memref_slice %arg9[%dma_wait3A_914] : memref<16384xf32, #tpu.memory_space<vmem>> -> memref<2048xf32, #tpu.memory_space<vmem>>
      %dma_wait3A_916 = arith.constant 0 : i32
      %dma_wait3A_917 = tpu.memref_slice %arg2[%mul3A_2, %dma_wait3A_916] : memref<16384x2048xf32, #tpu.memory_space<hbm>> -> memref<1x2048xf32, #tpu.memory_space<hbm>>
      %dma_wait3A_918 = tpu.memref_squeeze %dma_wait3A_917 : memref<1x2048xf32, #tpu.memory_space<hbm>> -> memref<2048xf32, #tpu.memory_space<hbm>>
      %dma_wait3A_919 = arith.constant 10240 : i32
      %dma_wait3A_920 = tpu.memref_slice %arg9[%dma_wait3A_919] : memref<16384xf32, #tpu.memory_space<vmem>> -> memref<2048xf32, #tpu.memory_space<vmem>>
      %dma_wait3A_921 = arith.constant 0 : i32
      %dma_wait3A_922 = tpu.memref_slice %arg2[%mul3A_2, %dma_wait3A_921] : memref<16384x2048xf32, #tpu.memory_space<hbm>> -> memref<1x2048xf32, #tpu.memory_space<hbm>>
      %dma_wait3A_923 = tpu.memref_squeeze %dma_wait3A_922 : memref<1x2048xf32, #tpu.memory_space<hbm>> -> memref<2048xf32, #tpu.memory_space<hbm>>
      tpu.wait_dma2 semaphore(%arg13 : memref<!tpu.dma_semaphore, #tpu.memory_space<semaphore_mem>>) src(%dma_wait3A_923 : memref<2048xf32, #tpu.memory_space<hbm>>) dst(%dma_wait3A_920 : memref<2048xf32, #tpu.memory_space<vmem>>)
      %dma_wait3A_924 = arith.constant 12288 : i32
      %dma_wait3A_925 = tpu.memref_slice %arg9[%dma_wait3A_924] : memref<16384xf32, #tpu.memory_space<vmem>> -> memref<2048xf32, #tpu.memory_space<vmem>>
      %dma_wait3A_926 = arith.constant 0 : i32
      %dma_wait3A_927 = tpu.memref_slice %arg2[%mul3A_2, %dma_wait3A_926] : memref<16384x2048xf32, #tpu.memory_space<hbm>> -> memref<1x2048xf32, #tpu.memory_space<hbm>>
      %dma_wait3A_928 = tpu.memref_squeeze %dma_wait3A_927 : memref<1x2048xf32, #tpu.memory_space<hbm>> -> memref<2048xf32, #tpu.memory_space<hbm>>
      %dma_wait3A_929 = arith.constant 12288 : i32
      %dma_wait3A_930 = tpu.memref_slice %arg9[%dma_wait3A_929] : memref<16384xf32, #tpu.memory_space<vmem>> -> memref<2048xf32, #tpu.memory_space<vmem>>
      %dma_wait3A_931 = arith.constant 0 : i32
      %dma_wait3A_932 = tpu.memref_slice %arg2[%mul3A_2, %dma_wait3A_931] : memref<16384x2048xf32, #tpu.memory_space<hbm>> -> memref<1x2048xf32, #tpu.memory_space<hbm>>
      %dma_wait3A_933 = tpu.memref_squeeze %dma_wait3A_932 : memref<1x2048xf32, #tpu.memory_space<hbm>> -> memref<2048xf32, #tpu.memory_space<hbm>>
      tpu.wait_dma2 semaphore(%arg13 : memref<!tpu.dma_semaphore, #tpu.memory_space<semaphore_mem>>) src(%dma_wait3A_933 : memref<2048xf32, #tpu.memory_space<hbm>>) dst(%dma_wait3A_930 : memref<2048xf32, #tpu.memory_space<vmem>>)
      %dma_wait3A_934 = arith.constant 14336 : i32
      %dma_wait3A_935 = tpu.memref_slice %arg9[%dma_wait3A_934] : memref<16384xf32, #tpu.memory_space<vmem>> -> memref<2048xf32, #tpu.memory_space<vmem>>
      %dma_wait3A_936 = arith.constant 0 : i32
      %dma_wait3A_937 = tpu.memref_slice %arg2[%mul3A_2, %dma_wait3A_936] : memref<16384x2048xf32, #tpu.memory_space<hbm>> -> memref<1x2048xf32, #tpu.memory_space<hbm>>
      %dma_wait3A_938 = tpu.memref_squeeze %dma_wait3A_937 : memref<1x2048xf32, #tpu.memory_space<hbm>> -> memref<2048xf32, #tpu.memory_space<hbm>>
      %dma_wait3A_939 = arith.constant 14336 : i32
      %dma_wait3A_940 = tpu.memref_slice %arg9[%dma_wait3A_939] : memref<16384xf32, #tpu.memory_space<vmem>> -> memref<2048xf32, #tpu.memory_space<vmem>>
      %dma_wait3A_941 = arith.constant 0 : i32
      %dma_wait3A_942 = tpu.memref_slice %arg2[%mul3A_2, %dma_wait3A_941] : memref<16384x2048xf32, #tpu.memory_space<hbm>> -> memref<1x2048xf32, #tpu.memory_space<hbm>>
      %dma_wait3A_943 = tpu.memref_squeeze %dma_wait3A_942 : memref<1x2048xf32, #tpu.memory_space<hbm>> -> memref<2048xf32, #tpu.memory_space<hbm>>
      tpu.wait_dma2 semaphore(%arg13 : memref<!tpu.dma_semaphore, #tpu.memory_space<semaphore_mem>>) src(%dma_wait3A_943 : memref<2048xf32, #tpu.memory_space<hbm>>) dst(%dma_wait3A_940 : memref<2048xf32, #tpu.memory_space<vmem>>)
      %ge3A_944 = arith.constant 1 : i32
      %ge3A_945 = arith.cmpi sge, %scan3A_530, %ge3A_944 : i32
      %convert_element_type3A_946 = arith.extui %ge3A_945 : i1 to i32
      %cond3A_947 = arith.constant 0 : i32
      %cond3A_948 = arith.cmpi ne, %convert_element_type3A_946, %cond3A_947 : i32
      scf.if %cond3A_948 {
        %dma_wait3A_1074 = arith.constant 0 : i32
        %dma_wait3A_1075 = tpu.memref_slice %arg11[%dma_wait3A_1074] : memref<16384xf32, #tpu.memory_space<vmem>> -> memref<2048xf32, #tpu.memory_space<vmem>>
        %dma_wait3A_1076 = arith.constant 0 : i32
        %dma_wait3A_1077 = tpu.memref_slice %arg4[%mul3A_2, %dma_wait3A_1076] : memref<16384x2048xf32, #tpu.memory_space<hbm>> -> memref<1x2048xf32, #tpu.memory_space<hbm>>
        %dma_wait3A_1078 = tpu.memref_squeeze %dma_wait3A_1077 : memref<1x2048xf32, #tpu.memory_space<hbm>> -> memref<2048xf32, #tpu.memory_space<hbm>>
        %dma_wait3A_1079 = arith.constant 0 : i32
        %dma_wait3A_1080 = tpu.memref_slice %arg4[%mul3A_2, %dma_wait3A_1079] : memref<16384x2048xf32, #tpu.memory_space<hbm>> -> memref<1x2048xf32, #tpu.memory_space<hbm>>
        %dma_wait3A_1081 = tpu.memref_squeeze %dma_wait3A_1080 : memref<1x2048xf32, #tpu.memory_space<hbm>> -> memref<2048xf32, #tpu.memory_space<hbm>>
        %dma_wait3A_1082 = arith.constant 0 : i32
        %dma_wait3A_1083 = tpu.memref_slice %arg11[%dma_wait3A_1082] : memref<16384xf32, #tpu.memory_space<vmem>> -> memref<2048xf32, #tpu.memory_space<vmem>>
        tpu.wait_dma2 semaphore(%arg15 : memref<!tpu.dma_semaphore, #tpu.memory_space<semaphore_mem>>) src(%dma_wait3A_1083 : memref<2048xf32, #tpu.memory_space<vmem>>) dst(%dma_wait3A_1081 : memref<2048xf32, #tpu.memory_space<hbm>>)
        %dma_wait3A_1084 = arith.constant 2048 : i32
        %dma_wait3A_1085 = tpu.memref_slice %arg11[%dma_wait3A_1084] : memref<16384xf32, #tpu.memory_space<vmem>> -> memref<2048xf32, #tpu.memory_space<vmem>>
        %dma_wait3A_1086 = arith.constant 0 : i32
        %dma_wait3A_1087 = tpu.memref_slice %arg4[%mul3A_2, %dma_wait3A_1086] : memref<16384x2048xf32, #tpu.memory_space<hbm>> -> memref<1x2048xf32, #tpu.memory_space<hbm>>
        %dma_wait3A_1088 = tpu.memref_squeeze %dma_wait3A_1087 : memref<1x2048xf32, #tpu.memory_space<hbm>> -> memref<2048xf32, #tpu.memory_space<hbm>>
        %dma_wait3A_1089 = arith.constant 0 : i32
        %dma_wait3A_1090 = tpu.memref_slice %arg4[%mul3A_2, %dma_wait3A_1089] : memref<16384x2048xf32, #tpu.memory_space<hbm>> -> memref<1x2048xf32, #tpu.memory_space<hbm>>
        %dma_wait3A_1091 = tpu.memref_squeeze %dma_wait3A_1090 : memref<1x2048xf32, #tpu.memory_space<hbm>> -> memref<2048xf32, #tpu.memory_space<hbm>>
        %dma_wait3A_1092 = arith.constant 2048 : i32
        %dma_wait3A_1093 = tpu.memref_slice %arg11[%dma_wait3A_1092] : memref<16384xf32, #tpu.memory_space<vmem>> -> memref<2048xf32, #tpu.memory_space<vmem>>
        tpu.wait_dma2 semaphore(%arg15 : memref<!tpu.dma_semaphore, #tpu.memory_space<semaphore_mem>>) src(%dma_wait3A_1093 : memref<2048xf32, #tpu.memory_space<vmem>>) dst(%dma_wait3A_1091 : memref<2048xf32, #tpu.memory_space<hbm>>)
        %dma_wait3A_1094 = arith.constant 4096 : i32
        %dma_wait3A_1095 = tpu.memref_slice %arg11[%dma_wait3A_1094] : memref<16384xf32, #tpu.memory_space<vmem>> -> memref<2048xf32, #tpu.memory_space<vmem>>
        %dma_wait3A_1096 = arith.constant 0 : i32
        %dma_wait3A_1097 = tpu.memref_slice %arg4[%mul3A_2, %dma_wait3A_1096] : memref<16384x2048xf32, #tpu.memory_space<hbm>> -> memref<1x2048xf32, #tpu.memory_space<hbm>>
        %dma_wait3A_1098 = tpu.memref_squeeze %dma_wait3A_1097 : memref<1x2048xf32, #tpu.memory_space<hbm>> -> memref<2048xf32, #tpu.memory_space<hbm>>
        %dma_wait3A_1099 = arith.constant 0 : i32
        %dma_wait3A_1100 = tpu.memref_slice %arg4[%mul3A_2, %dma_wait3A_1099] : memref<16384x2048xf32, #tpu.memory_space<hbm>> -> memref<1x2048xf32, #tpu.memory_space<hbm>>
        %dma_wait3A_1101 = tpu.memref_squeeze %dma_wait3A_1100 : memref<1x2048xf32, #tpu.memory_space<hbm>> -> memref<2048xf32, #tpu.memory_space<hbm>>
        %dma_wait3A_1102 = arith.constant 4096 : i32
        %dma_wait3A_1103 = tpu.memref_slice %arg11[%dma_wait3A_1102] : memref<16384xf32, #tpu.memory_space<vmem>> -> memref<2048xf32, #tpu.memory_space<vmem>>
        tpu.wait_dma2 semaphore(%arg15 : memref<!tpu.dma_semaphore, #tpu.memory_space<semaphore_mem>>) src(%dma_wait3A_1103 : memref<2048xf32, #tpu.memory_space<vmem>>) dst(%dma_wait3A_1101 : memref<2048xf32, #tpu.memory_space<hbm>>)
        %dma_wait3A_1104 = arith.constant 6144 : i32
        %dma_wait3A_1105 = tpu.memref_slice %arg11[%dma_wait3A_1104] : memref<16384xf32, #tpu.memory_space<vmem>> -> memref<2048xf32, #tpu.memory_space<vmem>>
        %dma_wait3A_1106 = arith.constant 0 : i32
        %dma_wait3A_1107 = tpu.memref_slice %arg4[%mul3A_2, %dma_wait3A_1106] : memref<16384x2048xf32, #tpu.memory_space<hbm>> -> memref<1x2048xf32, #tpu.memory_space<hbm>>
        %dma_wait3A_1108 = tpu.memref_squeeze %dma_wait3A_1107 : memref<1x2048xf32, #tpu.memory_space<hbm>> -> memref<2048xf32, #tpu.memory_space<hbm>>
        %dma_wait3A_1109 = arith.constant 0 : i32
        %dma_wait3A_1110 = tpu.memref_slice %arg4[%mul3A_2, %dma_wait3A_1109] : memref<16384x2048xf32, #tpu.memory_space<hbm>> -> memref<1x2048xf32, #tpu.memory_space<hbm>>
        %dma_wait3A_1111 = tpu.memref_squeeze %dma_wait3A_1110 : memref<1x2048xf32, #tpu.memory_space<hbm>> -> memref<2048xf32, #tpu.memory_space<hbm>>
        %dma_wait3A_1112 = arith.constant 6144 : i32
        %dma_wait3A_1113 = tpu.memref_slice %arg11[%dma_wait3A_1112] : memref<16384xf32, #tpu.memory_space<vmem>> -> memref<2048xf32, #tpu.memory_space<vmem>>
        tpu.wait_dma2 semaphore(%arg15 : memref<!tpu.dma_semaphore, #tpu.memory_space<semaphore_mem>>) src(%dma_wait3A_1113 : memref<2048xf32, #tpu.memory_space<vmem>>) dst(%dma_wait3A_1111 : memref<2048xf32, #tpu.memory_space<hbm>>)
        %dma_wait3A_1114 = arith.constant 8192 : i32
        %dma_wait3A_1115 = tpu.memref_slice %arg11[%dma_wait3A_1114] : memref<16384xf32, #tpu.memory_space<vmem>> -> memref<2048xf32, #tpu.memory_space<vmem>>
        %dma_wait3A_1116 = arith.constant 0 : i32
        %dma_wait3A_1117 = tpu.memref_slice %arg4[%mul3A_2, %dma_wait3A_1116] : memref<16384x2048xf32, #tpu.memory_space<hbm>> -> memref<1x2048xf32, #tpu.memory_space<hbm>>
        %dma_wait3A_1118 = tpu.memref_squeeze %dma_wait3A_1117 : memref<1x2048xf32, #tpu.memory_space<hbm>> -> memref<2048xf32, #tpu.memory_space<hbm>>
        %dma_wait3A_1119 = arith.constant 0 : i32
        %dma_wait3A_1120 = tpu.memref_slice %arg4[%mul3A_2, %dma_wait3A_1119] : memref<16384x2048xf32, #tpu.memory_space<hbm>> -> memref<1x2048xf32, #tpu.memory_space<hbm>>
        %dma_wait3A_1121 = tpu.memref_squeeze %dma_wait3A_1120 : memref<1x2048xf32, #tpu.memory_space<hbm>> -> memref<2048xf32, #tpu.memory_space<hbm>>
        %dma_wait3A_1122 = arith.constant 8192 : i32
        %dma_wait3A_1123 = tpu.memref_slice %arg11[%dma_wait3A_1122] : memref<16384xf32, #tpu.memory_space<vmem>> -> memref<2048xf32, #tpu.memory_space<vmem>>
        tpu.wait_dma2 semaphore(%arg15 : memref<!tpu.dma_semaphore, #tpu.memory_space<semaphore_mem>>) src(%dma_wait3A_1123 : memref<2048xf32, #tpu.memory_space<vmem>>) dst(%dma_wait3A_1121 : memref<2048xf32, #tpu.memory_space<hbm>>)
        %dma_wait3A_1124 = arith.constant 10240 : i32
        %dma_wait3A_1125 = tpu.memref_slice %arg11[%dma_wait3A_1124] : memref<16384xf32, #tpu.memory_space<vmem>> -> memref<2048xf32, #tpu.memory_space<vmem>>
        %dma_wait3A_1126 = arith.constant 0 : i32
        %dma_wait3A_1127 = tpu.memref_slice %arg4[%mul3A_2, %dma_wait3A_1126] : memref<16384x2048xf32, #tpu.memory_space<hbm>> -> memref<1x2048xf32, #tpu.memory_space<hbm>>
        %dma_wait3A_1128 = tpu.memref_squeeze %dma_wait3A_1127 : memref<1x2048xf32, #tpu.memory_space<hbm>> -> memref<2048xf32, #tpu.memory_space<hbm>>
        %dma_wait3A_1129 = arith.constant 0 : i32
        %dma_wait3A_1130 = tpu.memref_slice %arg4[%mul3A_2, %dma_wait3A_1129] : memref<16384x2048xf32, #tpu.memory_space<hbm>> -> memref<1x2048xf32, #tpu.memory_space<hbm>>
        %dma_wait3A_1131 = tpu.memref_squeeze %dma_wait3A_1130 : memref<1x2048xf32, #tpu.memory_space<hbm>> -> memref<2048xf32, #tpu.memory_space<hbm>>
        %dma_wait3A_1132 = arith.constant 10240 : i32
        %dma_wait3A_1133 = tpu.memref_slice %arg11[%dma_wait3A_1132] : memref<16384xf32, #tpu.memory_space<vmem>> -> memref<2048xf32, #tpu.memory_space<vmem>>
        tpu.wait_dma2 semaphore(%arg15 : memref<!tpu.dma_semaphore, #tpu.memory_space<semaphore_mem>>) src(%dma_wait3A_1133 : memref<2048xf32, #tpu.memory_space<vmem>>) dst(%dma_wait3A_1131 : memref<2048xf32, #tpu.memory_space<hbm>>)
        %dma_wait3A_1134 = arith.constant 12288 : i32
        %dma_wait3A_1135 = tpu.memref_slice %arg11[%dma_wait3A_1134] : memref<16384xf32, #tpu.memory_space<vmem>> -> memref<2048xf32, #tpu.memory_space<vmem>>
        %dma_wait3A_1136 = arith.constant 0 : i32
        %dma_wait3A_1137 = tpu.memref_slice %arg4[%mul3A_2, %dma_wait3A_1136] : memref<16384x2048xf32, #tpu.memory_space<hbm>> -> memref<1x2048xf32, #tpu.memory_space<hbm>>
        %dma_wait3A_1138 = tpu.memref_squeeze %dma_wait3A_1137 : memref<1x2048xf32, #tpu.memory_space<hbm>> -> memref<2048xf32, #tpu.memory_space<hbm>>
        %dma_wait3A_1139 = arith.constant 0 : i32
        %dma_wait3A_1140 = tpu.memref_slice %arg4[%mul3A_2, %dma_wait3A_1139] : memref<16384x2048xf32, #tpu.memory_space<hbm>> -> memref<1x2048xf32, #tpu.memory_space<hbm>>
        %dma_wait3A_1141 = tpu.memref_squeeze %dma_wait3A_1140 : memref<1x2048xf32, #tpu.memory_space<hbm>> -> memref<2048xf32, #tpu.memory_space<hbm>>
        %dma_wait3A_1142 = arith.constant 12288 : i32
        %dma_wait3A_1143 = tpu.memref_slice %arg11[%dma_wait3A_1142] : memref<16384xf32, #tpu.memory_space<vmem>> -> memref<2048xf32, #tpu.memory_space<vmem>>
        tpu.wait_dma2 semaphore(%arg15 : memref<!tpu.dma_semaphore, #tpu.memory_space<semaphore_mem>>) src(%dma_wait3A_1143 : memref<2048xf32, #tpu.memory_space<vmem>>) dst(%dma_wait3A_1141 : memref<2048xf32, #tpu.memory_space<hbm>>)
        %dma_wait3A_1144 = arith.constant 14336 : i32
        %dma_wait3A_1145 = tpu.memref_slice %arg11[%dma_wait3A_1144] : memref<16384xf32, #tpu.memory_space<vmem>> -> memref<2048xf32, #tpu.memory_space<vmem>>
        %dma_wait3A_1146 = arith.constant 0 : i32
        %dma_wait3A_1147 = tpu.memref_slice %arg4[%mul3A_2, %dma_wait3A_1146] : memref<16384x2048xf32, #tpu.memory_space<hbm>> -> memref<1x2048xf32, #tpu.memory_space<hbm>>
        %dma_wait3A_1148 = tpu.memref_squeeze %dma_wait3A_1147 : memref<1x2048xf32, #tpu.memory_space<hbm>> -> memref<2048xf32, #tpu.memory_space<hbm>>
        %dma_wait3A_1149 = arith.constant 0 : i32
        %dma_wait3A_1150 = tpu.memref_slice %arg4[%mul3A_2, %dma_wait3A_1149] : memref<16384x2048xf32, #tpu.memory_space<hbm>> -> memref<1x2048xf32, #tpu.memory_space<hbm>>
        %dma_wait3A_1151 = tpu.memref_squeeze %dma_wait3A_1150 : memref<1x2048xf32, #tpu.memory_space<hbm>> -> memref<2048xf32, #tpu.memory_space<hbm>>
        %dma_wait3A_1152 = arith.constant 14336 : i32
        %dma_wait3A_1153 = tpu.memref_slice %arg11[%dma_wait3A_1152] : memref<16384xf32, #tpu.memory_space<vmem>> -> memref<2048xf32, #tpu.memory_space<vmem>>
        tpu.wait_dma2 semaphore(%arg15 : memref<!tpu.dma_semaphore, #tpu.memory_space<semaphore_mem>>) src(%dma_wait3A_1153 : memref<2048xf32, #tpu.memory_space<vmem>>) dst(%dma_wait3A_1151 : memref<2048xf32, #tpu.memory_space<hbm>>)
      } else {
      }
      %parallel_loop3A_949 = arith.constant 0 : i32
      %parallel_loop3A_950 = arith.constant 1024 : i32
      %parallel_loop3A_951 = arith.constant 1 : i32
      scf.for %parallel_loop3A_1074 = %parallel_loop3A_949 to %parallel_loop3A_950 step %parallel_loop3A_951  : i32 {
        %parallel_loop3A_1075 = arith.constant 16 : i32
        %parallel_loop3A_1076 = arith.muli %parallel_loop3A_1074, %parallel_loop3A_1075 : i32
        %parallel_loop3A_1077 = arith.index_cast %parallel_loop3A_1076 : i32 to index
        %parallel_loop3A_1078 = tpu.vector_load %arg9[%parallel_loop3A_1077] {strides = array<i32>} : memref<16384xf32, #tpu.memory_space<vmem>>, vector<16xf32>,
        %parallel_loop3A_1079 = arith.constant 1.600000e+01 : f32
        %parallel_loop3A_1080 = vector.broadcast %parallel_loop3A_1079 : f32 to vector<16xf32>
        %parallel_loop3A_1081 = arith.mulf %parallel_loop3A_1078, %parallel_loop3A_1080 : vector<16xf32>
        %parallel_loop3A_1082 = arith.constant 1.280000e+02 : f32
        %parallel_loop3A_1083 = vector.broadcast %parallel_loop3A_1082 : f32 to vector<16xf32>
        %parallel_loop3A_1084 = arith.addf %parallel_loop3A_1081, %parallel_loop3A_1083 : vector<16xf32>
        %parallel_loop3A_1085 = arith.constant 0.000000e+00 : f32
        %parallel_loop3A_1086 = vector.broadcast %parallel_loop3A_1085 : f32 to vector<16xf32>
        %parallel_loop3A_1087 = arith.maximumf %parallel_loop3A_1084, %parallel_loop3A_1086 : vector<16xf32>
        %parallel_loop3A_1088 = arith.constant 255.999985 : f32
        %parallel_loop3A_1089 = vector.broadcast %parallel_loop3A_1088 : f32 to vector<16xf32>
        %parallel_loop3A_1090 = arith.minimumf %parallel_loop3A_1087, %parallel_loop3A_1089 : vector<16xf32>
        %parallel_loop3A_1091 = arith.fptosi %parallel_loop3A_1090 : vector<16xf32> to vector<16xi32>
        %parallel_loop3A_1092 = tpu.vector_load_idx %arg6[%parallel_loop3A_1091] : memref<264xf32, #tpu.memory_space<vmem>>[vector<16xi32>], vector<16xf32>,
        %parallel_loop3A_1093 = tpu.vector_load_idx %arg7[%parallel_loop3A_1091] : memref<264xf32, #tpu.memory_space<vmem>>[vector<16xi32>], vector<16xf32>,
        %parallel_loop3A_1094 = arith.mulf %parallel_loop3A_1093, %parallel_loop3A_1090 : vector<16xf32>
        %parallel_loop3A_1095 = arith.addf %parallel_loop3A_1092, %parallel_loop3A_1094 : vector<16xf32>
        %parallel_loop3A_1096 = arith.constant 16 : i32
        %parallel_loop3A_1097 = arith.muli %parallel_loop3A_1074, %parallel_loop3A_1096 : i32
        %parallel_loop3A_1098 = arith.index_cast %parallel_loop3A_1097 : i32 to index
        %parallel_loop3A_1099 = tpu.vector_load %arg11[%parallel_loop3A_1098] {strides = array<i32>} : memref<16384xf32, #tpu.memory_space<vmem>>, vector<16xf32>,
        tpu.vector_store %arg11[%parallel_loop3A_1098], %parallel_loop3A_1095 {strides = array<i32>} : memref<16384xf32, #tpu.memory_space<vmem>>, vector<16xf32>,
      } {sc.loop_unroll_factor = 4 : i64, sc.parallel_access}
      %add3A_952 = arith.constant 1 : i32
      %add3A_953 = arith.addi %mul3A_532, %add3A_952 : i32
      %mul3A_954 = arith.constant 8 : i32
      %mul3A_955 = arith.muli %add3A_953, %mul3A_954 : i32
      %add3A_956 = arith.addi %mul3A_2, %mul3A_955 : i32
      %add3A_957 = arith.constant 0 : i32
      %add3A_958 = arith.addi %add3A_956, %add3A_957 : i32
      %dma_start3A_959 = arith.constant 0 : i32
      %dma_start3A_960 = tpu.memref_slice %arg11[%dma_start3A_959] : memref<16384xf32, #tpu.memory_space<vmem>> -> memref<2048xf32, #tpu.memory_space<vmem>>
      %dma_start3A_961 = arith.constant 0 : i32
      %dma_start3A_962 = tpu.memref_slice %arg4[%add3A_958, %dma_start3A_961] : memref<16384x2048xf32, #tpu.memory_space<hbm>> -> memref<1x2048xf32, #tpu.memory_space<hbm>>
      %dma_start3A_963 = tpu.memref_squeeze %dma_start3A_962 : memref<1x2048xf32, #tpu.memory_space<hbm>> -> memref<2048xf32, #tpu.memory_space<hbm>>
      %dma_start3A_964 = arith.constant 0 : i32
      %dma_start3A_965 = tpu.memref_slice %arg4[%add3A_958, %dma_start3A_964] : memref<16384x2048xf32, #tpu.memory_space<hbm>> -> memref<1x2048xf32, #tpu.memory_space<hbm>>
      %dma_start3A_966 = tpu.memref_squeeze %dma_start3A_965 : memref<1x2048xf32, #tpu.memory_space<hbm>> -> memref<2048xf32, #tpu.memory_space<hbm>>
      %dma_start3A_967 = arith.constant 0 : i32
      %dma_start3A_968 = tpu.memref_slice %arg11[%dma_start3A_967] : memref<16384xf32, #tpu.memory_space<vmem>> -> memref<2048xf32, #tpu.memory_space<vmem>>
      tpu.enqueue_dma source(%dma_start3A_968 : memref<2048xf32, #tpu.memory_space<vmem>>) target(%dma_start3A_966 : memref<2048xf32, #tpu.memory_space<hbm>>) target_semaphore(%arg15 : memref<!tpu.dma_semaphore, #tpu.memory_space<semaphore_mem>>)
      %mul3A_969 = arith.constant 8 : i32
      %mul3A_970 = arith.muli %add3A_953, %mul3A_969 : i32
      %add3A_971 = arith.addi %mul3A_2, %mul3A_970 : i32
      %add3A_972 = arith.constant 1 : i32
      %add3A_973 = arith.addi %add3A_971, %add3A_972 : i32
      %dma_start3A_974 = arith.constant 2048 : i32
      %dma_start3A_975 = tpu.memref_slice %arg11[%dma_start3A_974] : memref<16384xf32, #tpu.memory_space<vmem>> -> memref<2048xf32, #tpu.memory_space<vmem>>
      %dma_start3A_976 = arith.constant 0 : i32
      %dma_start3A_977 = tpu.memref_slice %arg4[%add3A_973, %dma_start3A_976] : memref<16384x2048xf32, #tpu.memory_space<hbm>> -> memref<1x2048xf32, #tpu.memory_space<hbm>>
      %dma_start3A_978 = tpu.memref_squeeze %dma_start3A_977 : memref<1x2048xf32, #tpu.memory_space<hbm>> -> memref<2048xf32, #tpu.memory_space<hbm>>
      %dma_start3A_979 = arith.constant 0 : i32
      %dma_start3A_980 = tpu.memref_slice %arg4[%add3A_973, %dma_start3A_979] : memref<16384x2048xf32, #tpu.memory_space<hbm>> -> memref<1x2048xf32, #tpu.memory_space<hbm>>
      %dma_start3A_981 = tpu.memref_squeeze %dma_start3A_980 : memref<1x2048xf32, #tpu.memory_space<hbm>> -> memref<2048xf32, #tpu.memory_space<hbm>>
      %dma_start3A_982 = arith.constant 2048 : i32
      %dma_start3A_983 = tpu.memref_slice %arg11[%dma_start3A_982] : memref<16384xf32, #tpu.memory_space<vmem>> -> memref<2048xf32, #tpu.memory_space<vmem>>
      tpu.enqueue_dma source(%dma_start3A_983 : memref<2048xf32, #tpu.memory_space<vmem>>) target(%dma_start3A_981 : memref<2048xf32, #tpu.memory_space<hbm>>) target_semaphore(%arg15 : memref<!tpu.dma_semaphore, #tpu.memory_space<semaphore_mem>>)
      %mul3A_984 = arith.constant 8 : i32
      %mul3A_985 = arith.muli %add3A_953, %mul3A_984 : i32
      %add3A_986 = arith.addi %mul3A_2, %mul3A_985 : i32
      %add3A_987 = arith.constant 2 : i32
      %add3A_988 = arith.addi %add3A_986, %add3A_987 : i32
      %dma_start3A_989 = arith.constant 4096 : i32
      %dma_start3A_990 = tpu.memref_slice %arg11[%dma_start3A_989] : memref<16384xf32, #tpu.memory_space<vmem>> -> memref<2048xf32, #tpu.memory_space<vmem>>
      %dma_start3A_991 = arith.constant 0 : i32
      %dma_start3A_992 = tpu.memref_slice %arg4[%add3A_988, %dma_start3A_991] : memref<16384x2048xf32, #tpu.memory_space<hbm>> -> memref<1x2048xf32, #tpu.memory_space<hbm>>
      %dma_start3A_993 = tpu.memref_squeeze %dma_start3A_992 : memref<1x2048xf32, #tpu.memory_space<hbm>> -> memref<2048xf32, #tpu.memory_space<hbm>>
      %dma_start3A_994 = arith.constant 0 : i32
      %dma_start3A_995 = tpu.memref_slice %arg4[%add3A_988, %dma_start3A_994] : memref<16384x2048xf32, #tpu.memory_space<hbm>> -> memref<1x2048xf32, #tpu.memory_space<hbm>>
      %dma_start3A_996 = tpu.memref_squeeze %dma_start3A_995 : memref<1x2048xf32, #tpu.memory_space<hbm>> -> memref<2048xf32, #tpu.memory_space<hbm>>
      %dma_start3A_997 = arith.constant 4096 : i32
      %dma_start3A_998 = tpu.memref_slice %arg11[%dma_start3A_997] : memref<16384xf32, #tpu.memory_space<vmem>> -> memref<2048xf32, #tpu.memory_space<vmem>>
      tpu.enqueue_dma source(%dma_start3A_998 : memref<2048xf32, #tpu.memory_space<vmem>>) target(%dma_start3A_996 : memref<2048xf32, #tpu.memory_space<hbm>>) target_semaphore(%arg15 : memref<!tpu.dma_semaphore, #tpu.memory_space<semaphore_mem>>)
      %mul3A_999 = arith.constant 8 : i32
      %mul3A_1000 = arith.muli %add3A_953, %mul3A_999 : i32
      %add3A_1001 = arith.addi %mul3A_2, %mul3A_1000 : i32
      %add3A_1002 = arith.constant 3 : i32
      %add3A_1003 = arith.addi %add3A_1001, %add3A_1002 : i32
      %dma_start3A_1004 = arith.constant 6144 : i32
      %dma_start3A_1005 = tpu.memref_slice %arg11[%dma_start3A_1004] : memref<16384xf32, #tpu.memory_space<vmem>> -> memref<2048xf32, #tpu.memory_space<vmem>>
      %dma_start3A_1006 = arith.constant 0 : i32
      %dma_start3A_1007 = tpu.memref_slice %arg4[%add3A_1003, %dma_start3A_1006] : memref<16384x2048xf32, #tpu.memory_space<hbm>> -> memref<1x2048xf32, #tpu.memory_space<hbm>>
      %dma_start3A_1008 = tpu.memref_squeeze %dma_start3A_1007 : memref<1x2048xf32, #tpu.memory_space<hbm>> -> memref<2048xf32, #tpu.memory_space<hbm>>
      %dma_start3A_1009 = arith.constant 0 : i32
      %dma_start3A_1010 = tpu.memref_slice %arg4[%add3A_1003, %dma_start3A_1009] : memref<16384x2048xf32, #tpu.memory_space<hbm>> -> memref<1x2048xf32, #tpu.memory_space<hbm>>
      %dma_start3A_1011 = tpu.memref_squeeze %dma_start3A_1010 : memref<1x2048xf32, #tpu.memory_space<hbm>> -> memref<2048xf32, #tpu.memory_space<hbm>>
      %dma_start3A_1012 = arith.constant 6144 : i32
      %dma_start3A_1013 = tpu.memref_slice %arg11[%dma_start3A_1012] : memref<16384xf32, #tpu.memory_space<vmem>> -> memref<2048xf32, #tpu.memory_space<vmem>>
      tpu.enqueue_dma source(%dma_start3A_1013 : memref<2048xf32, #tpu.memory_space<vmem>>) target(%dma_start3A_1011 : memref<2048xf32, #tpu.memory_space<hbm>>) target_semaphore(%arg15 : memref<!tpu.dma_semaphore, #tpu.memory_space<semaphore_mem>>)
      %mul3A_1014 = arith.constant 8 : i32
      %mul3A_1015 = arith.muli %add3A_953, %mul3A_1014 : i32
      %add3A_1016 = arith.addi %mul3A_2, %mul3A_1015 : i32
      %add3A_1017 = arith.constant 4 : i32
      %add3A_1018 = arith.addi %add3A_1016, %add3A_1017 : i32
      %dma_start3A_1019 = arith.constant 8192 : i32
      %dma_start3A_1020 = tpu.memref_slice %arg11[%dma_start3A_1019] : memref<16384xf32, #tpu.memory_space<vmem>> -> memref<2048xf32, #tpu.memory_space<vmem>>
      %dma_start3A_1021 = arith.constant 0 : i32
      %dma_start3A_1022 = tpu.memref_slice %arg4[%add3A_1018, %dma_start3A_1021] : memref<16384x2048xf32, #tpu.memory_space<hbm>> -> memref<1x2048xf32, #tpu.memory_space<hbm>>
      %dma_start3A_1023 = tpu.memref_squeeze %dma_start3A_1022 : memref<1x2048xf32, #tpu.memory_space<hbm>> -> memref<2048xf32, #tpu.memory_space<hbm>>
      %dma_start3A_1024 = arith.constant 0 : i32
      %dma_start3A_1025 = tpu.memref_slice %arg4[%add3A_1018, %dma_start3A_1024] : memref<16384x2048xf32, #tpu.memory_space<hbm>> -> memref<1x2048xf32, #tpu.memory_space<hbm>>
      %dma_start3A_1026 = tpu.memref_squeeze %dma_start3A_1025 : memref<1x2048xf32, #tpu.memory_space<hbm>> -> memref<2048xf32, #tpu.memory_space<hbm>>
      %dma_start3A_1027 = arith.constant 8192 : i32
      %dma_start3A_1028 = tpu.memref_slice %arg11[%dma_start3A_1027] : memref<16384xf32, #tpu.memory_space<vmem>> -> memref<2048xf32, #tpu.memory_space<vmem>>
      tpu.enqueue_dma source(%dma_start3A_1028 : memref<2048xf32, #tpu.memory_space<vmem>>) target(%dma_start3A_1026 : memref<2048xf32, #tpu.memory_space<hbm>>) target_semaphore(%arg15 : memref<!tpu.dma_semaphore, #tpu.memory_space<semaphore_mem>>)
      %mul3A_1029 = arith.constant 8 : i32
      %mul3A_1030 = arith.muli %add3A_953, %mul3A_1029 : i32
      %add3A_1031 = arith.addi %mul3A_2, %mul3A_1030 : i32
      %add3A_1032 = arith.constant 5 : i32
      %add3A_1033 = arith.addi %add3A_1031, %add3A_1032 : i32
      %dma_start3A_1034 = arith.constant 10240 : i32
      %dma_start3A_1035 = tpu.memref_slice %arg11[%dma_start3A_1034] : memref<16384xf32, #tpu.memory_space<vmem>> -> memref<2048xf32, #tpu.memory_space<vmem>>
      %dma_start3A_1036 = arith.constant 0 : i32
      %dma_start3A_1037 = tpu.memref_slice %arg4[%add3A_1033, %dma_start3A_1036] : memref<16384x2048xf32, #tpu.memory_space<hbm>> -> memref<1x2048xf32, #tpu.memory_space<hbm>>
      %dma_start3A_1038 = tpu.memref_squeeze %dma_start3A_1037 : memref<1x2048xf32, #tpu.memory_space<hbm>> -> memref<2048xf32, #tpu.memory_space<hbm>>
      %dma_start3A_1039 = arith.constant 0 : i32
      %dma_start3A_1040 = tpu.memref_slice %arg4[%add3A_1033, %dma_start3A_1039] : memref<16384x2048xf32, #tpu.memory_space<hbm>> -> memref<1x2048xf32, #tpu.memory_space<hbm>>
      %dma_start3A_1041 = tpu.memref_squeeze %dma_start3A_1040 : memref<1x2048xf32, #tpu.memory_space<hbm>> -> memref<2048xf32, #tpu.memory_space<hbm>>
      %dma_start3A_1042 = arith.constant 10240 : i32
      %dma_start3A_1043 = tpu.memref_slice %arg11[%dma_start3A_1042] : memref<16384xf32, #tpu.memory_space<vmem>> -> memref<2048xf32, #tpu.memory_space<vmem>>
      tpu.enqueue_dma source(%dma_start3A_1043 : memref<2048xf32, #tpu.memory_space<vmem>>) target(%dma_start3A_1041 : memref<2048xf32, #tpu.memory_space<hbm>>) target_semaphore(%arg15 : memref<!tpu.dma_semaphore, #tpu.memory_space<semaphore_mem>>)
      %mul3A_1044 = arith.constant 8 : i32
      %mul3A_1045 = arith.muli %add3A_953, %mul3A_1044 : i32
      %add3A_1046 = arith.addi %mul3A_2, %mul3A_1045 : i32
      %add3A_1047 = arith.constant 6 : i32
      %add3A_1048 = arith.addi %add3A_1046, %add3A_1047 : i32
      %dma_start3A_1049 = arith.constant 12288 : i32
      %dma_start3A_1050 = tpu.memref_slice %arg11[%dma_start3A_1049] : memref<16384xf32, #tpu.memory_space<vmem>> -> memref<2048xf32, #tpu.memory_space<vmem>>
      %dma_start3A_1051 = arith.constant 0 : i32
      %dma_start3A_1052 = tpu.memref_slice %arg4[%add3A_1048, %dma_start3A_1051] : memref<16384x2048xf32, #tpu.memory_space<hbm>> -> memref<1x2048xf32, #tpu.memory_space<hbm>>
      %dma_start3A_1053 = tpu.memref_squeeze %dma_start3A_1052 : memref<1x2048xf32, #tpu.memory_space<hbm>> -> memref<2048xf32, #tpu.memory_space<hbm>>
      %dma_start3A_1054 = arith.constant 0 : i32
      %dma_start3A_1055 = tpu.memref_slice %arg4[%add3A_1048, %dma_start3A_1054] : memref<16384x2048xf32, #tpu.memory_space<hbm>> -> memref<1x2048xf32, #tpu.memory_space<hbm>>
      %dma_start3A_1056 = tpu.memref_squeeze %dma_start3A_1055 : memref<1x2048xf32, #tpu.memory_space<hbm>> -> memref<2048xf32, #tpu.memory_space<hbm>>
      %dma_start3A_1057 = arith.constant 12288 : i32
      %dma_start3A_1058 = tpu.memref_slice %arg11[%dma_start3A_1057] : memref<16384xf32, #tpu.memory_space<vmem>> -> memref<2048xf32, #tpu.memory_space<vmem>>
      tpu.enqueue_dma source(%dma_start3A_1058 : memref<2048xf32, #tpu.memory_space<vmem>>) target(%dma_start3A_1056 : memref<2048xf32, #tpu.memory_space<hbm>>) target_semaphore(%arg15 : memref<!tpu.dma_semaphore, #tpu.memory_space<semaphore_mem>>)
      %mul3A_1059 = arith.constant 8 : i32
      %mul3A_1060 = arith.muli %add3A_953, %mul3A_1059 : i32
      %add3A_1061 = arith.addi %mul3A_2, %mul3A_1060 : i32
      %add3A_1062 = arith.constant 7 : i32
      %add3A_1063 = arith.addi %add3A_1061, %add3A_1062 : i32
      %dma_start3A_1064 = arith.constant 14336 : i32
      %dma_start3A_1065 = tpu.memref_slice %arg11[%dma_start3A_1064] : memref<16384xf32, #tpu.memory_space<vmem>> -> memref<2048xf32, #tpu.memory_space<vmem>>
      %dma_start3A_1066 = arith.constant 0 : i32
      %dma_start3A_1067 = tpu.memref_slice %arg4[%add3A_1063, %dma_start3A_1066] : memref<16384x2048xf32, #tpu.memory_space<hbm>> -> memref<1x2048xf32, #tpu.memory_space<hbm>>
      %dma_start3A_1068 = tpu.memref_squeeze %dma_start3A_1067 : memref<1x2048xf32, #tpu.memory_space<hbm>> -> memref<2048xf32, #tpu.memory_space<hbm>>
      %dma_start3A_1069 = arith.constant 0 : i32
      %dma_start3A_1070 = tpu.memref_slice %arg4[%add3A_1063, %dma_start3A_1069] : memref<16384x2048xf32, #tpu.memory_space<hbm>> -> memref<1x2048xf32, #tpu.memory_space<hbm>>
      %dma_start3A_1071 = tpu.memref_squeeze %dma_start3A_1070 : memref<1x2048xf32, #tpu.memory_space<hbm>> -> memref<2048xf32, #tpu.memory_space<hbm>>
      %dma_start3A_1072 = arith.constant 14336 : i32
      %dma_start3A_1073 = tpu.memref_slice %arg11[%dma_start3A_1072] : memref<16384xf32, #tpu.memory_space<vmem>> -> memref<2048xf32, #tpu.memory_space<vmem>>
      tpu.enqueue_dma source(%dma_start3A_1073 : memref<2048xf32, #tpu.memory_space<vmem>>) target(%dma_start3A_1071 : memref<2048xf32, #tpu.memory_space<hbm>>) target_semaphore(%arg15 : memref<!tpu.dma_semaphore, #tpu.memory_space<semaphore_mem>>)
    }
    %scan3A_370 = arith.constant 32 : i32
    %dma_wait3A = arith.constant 0 : i32
    %dma_wait3A_371 = tpu.memref_slice %arg10[%dma_wait3A] : memref<16384xf32, #tpu.memory_space<vmem>> -> memref<2048xf32, #tpu.memory_space<vmem>>
    %dma_wait3A_372 = arith.constant 0 : i32
    %dma_wait3A_373 = tpu.memref_slice %arg4[%mul3A_2, %dma_wait3A_372] : memref<16384x2048xf32, #tpu.memory_space<hbm>> -> memref<1x2048xf32, #tpu.memory_space<hbm>>
    %dma_wait3A_374 = tpu.memref_squeeze %dma_wait3A_373 : memref<1x2048xf32, #tpu.memory_space<hbm>> -> memref<2048xf32, #tpu.memory_space<hbm>>
    %dma_wait3A_375 = arith.constant 0 : i32
    %dma_wait3A_376 = tpu.memref_slice %arg4[%mul3A_2, %dma_wait3A_375] : memref<16384x2048xf32, #tpu.memory_space<hbm>> -> memref<1x2048xf32, #tpu.memory_space<hbm>>
    %dma_wait3A_377 = tpu.memref_squeeze %dma_wait3A_376 : memref<1x2048xf32, #tpu.memory_space<hbm>> -> memref<2048xf32, #tpu.memory_space<hbm>>
    %dma_wait3A_378 = arith.constant 0 : i32
    %dma_wait3A_379 = tpu.memref_slice %arg10[%dma_wait3A_378] : memref<16384xf32, #tpu.memory_space<vmem>> -> memref<2048xf32, #tpu.memory_space<vmem>>
    tpu.wait_dma2 semaphore(%arg14 : memref<!tpu.dma_semaphore, #tpu.memory_space<semaphore_mem>>) src(%dma_wait3A_379 : memref<2048xf32, #tpu.memory_space<vmem>>) dst(%dma_wait3A_377 : memref<2048xf32, #tpu.memory_space<hbm>>)
    %dma_wait3A_380 = arith.constant 2048 : i32
    %dma_wait3A_381 = tpu.memref_slice %arg10[%dma_wait3A_380] : memref<16384xf32, #tpu.memory_space<vmem>> -> memref<2048xf32, #tpu.memory_space<vmem>>
    %dma_wait3A_382 = arith.constant 0 : i32
    %dma_wait3A_383 = tpu.memref_slice %arg4[%mul3A_2, %dma_wait3A_382] : memref<16384x2048xf32, #tpu.memory_space<hbm>> -> memref<1x2048xf32, #tpu.memory_space<hbm>>
    %dma_wait3A_384 = tpu.memref_squeeze %dma_wait3A_383 : memref<1x2048xf32, #tpu.memory_space<hbm>> -> memref<2048xf32, #tpu.memory_space<hbm>>
    %dma_wait3A_385 = arith.constant 0 : i32
    %dma_wait3A_386 = tpu.memref_slice %arg4[%mul3A_2, %dma_wait3A_385] : memref<16384x2048xf32, #tpu.memory_space<hbm>> -> memref<1x2048xf32, #tpu.memory_space<hbm>>
    %dma_wait3A_387 = tpu.memref_squeeze %dma_wait3A_386 : memref<1x2048xf32, #tpu.memory_space<hbm>> -> memref<2048xf32, #tpu.memory_space<hbm>>
    %dma_wait3A_388 = arith.constant 2048 : i32
    %dma_wait3A_389 = tpu.memref_slice %arg10[%dma_wait3A_388] : memref<16384xf32, #tpu.memory_space<vmem>> -> memref<2048xf32, #tpu.memory_space<vmem>>
    tpu.wait_dma2 semaphore(%arg14 : memref<!tpu.dma_semaphore, #tpu.memory_space<semaphore_mem>>) src(%dma_wait3A_389 : memref<2048xf32, #tpu.memory_space<vmem>>) dst(%dma_wait3A_387 : memref<2048xf32, #tpu.memory_space<hbm>>)
    %dma_wait3A_390 = arith.constant 4096 : i32
    %dma_wait3A_391 = tpu.memref_slice %arg10[%dma_wait3A_390] : memref<16384xf32, #tpu.memory_space<vmem>> -> memref<2048xf32, #tpu.memory_space<vmem>>
    %dma_wait3A_392 = arith.constant 0 : i32
    %dma_wait3A_393 = tpu.memref_slice %arg4[%mul3A_2, %dma_wait3A_392] : memref<16384x2048xf32, #tpu.memory_space<hbm>> -> memref<1x2048xf32, #tpu.memory_space<hbm>>
    %dma_wait3A_394 = tpu.memref_squeeze %dma_wait3A_393 : memref<1x2048xf32, #tpu.memory_space<hbm>> -> memref<2048xf32, #tpu.memory_space<hbm>>
    %dma_wait3A_395 = arith.constant 0 : i32
    %dma_wait3A_396 = tpu.memref_slice %arg4[%mul3A_2, %dma_wait3A_395] : memref<16384x2048xf32, #tpu.memory_space<hbm>> -> memref<1x2048xf32, #tpu.memory_space<hbm>>
    %dma_wait3A_397 = tpu.memref_squeeze %dma_wait3A_396 : memref<1x2048xf32, #tpu.memory_space<hbm>> -> memref<2048xf32, #tpu.memory_space<hbm>>
    %dma_wait3A_398 = arith.constant 4096 : i32
    %dma_wait3A_399 = tpu.memref_slice %arg10[%dma_wait3A_398] : memref<16384xf32, #tpu.memory_space<vmem>> -> memref<2048xf32, #tpu.memory_space<vmem>>
    tpu.wait_dma2 semaphore(%arg14 : memref<!tpu.dma_semaphore, #tpu.memory_space<semaphore_mem>>) src(%dma_wait3A_399 : memref<2048xf32, #tpu.memory_space<vmem>>) dst(%dma_wait3A_397 : memref<2048xf32, #tpu.memory_space<hbm>>)
    %dma_wait3A_400 = arith.constant 6144 : i32
    %dma_wait3A_401 = tpu.memref_slice %arg10[%dma_wait3A_400] : memref<16384xf32, #tpu.memory_space<vmem>> -> memref<2048xf32, #tpu.memory_space<vmem>>
    %dma_wait3A_402 = arith.constant 0 : i32
    %dma_wait3A_403 = tpu.memref_slice %arg4[%mul3A_2, %dma_wait3A_402] : memref<16384x2048xf32, #tpu.memory_space<hbm>> -> memref<1x2048xf32, #tpu.memory_space<hbm>>
    %dma_wait3A_404 = tpu.memref_squeeze %dma_wait3A_403 : memref<1x2048xf32, #tpu.memory_space<hbm>> -> memref<2048xf32, #tpu.memory_space<hbm>>
    %dma_wait3A_405 = arith.constant 0 : i32
    %dma_wait3A_406 = tpu.memref_slice %arg4[%mul3A_2, %dma_wait3A_405] : memref<16384x2048xf32, #tpu.memory_space<hbm>> -> memref<1x2048xf32, #tpu.memory_space<hbm>>
    %dma_wait3A_407 = tpu.memref_squeeze %dma_wait3A_406 : memref<1x2048xf32, #tpu.memory_space<hbm>> -> memref<2048xf32, #tpu.memory_space<hbm>>
    %dma_wait3A_408 = arith.constant 6144 : i32
    %dma_wait3A_409 = tpu.memref_slice %arg10[%dma_wait3A_408] : memref<16384xf32, #tpu.memory_space<vmem>> -> memref<2048xf32, #tpu.memory_space<vmem>>
    tpu.wait_dma2 semaphore(%arg14 : memref<!tpu.dma_semaphore, #tpu.memory_space<semaphore_mem>>) src(%dma_wait3A_409 : memref<2048xf32, #tpu.memory_space<vmem>>) dst(%dma_wait3A_407 : memref<2048xf32, #tpu.memory_space<hbm>>)
    %dma_wait3A_410 = arith.constant 8192 : i32
    %dma_wait3A_411 = tpu.memref_slice %arg10[%dma_wait3A_410] : memref<16384xf32, #tpu.memory_space<vmem>> -> memref<2048xf32, #tpu.memory_space<vmem>>
    %dma_wait3A_412 = arith.constant 0 : i32
    %dma_wait3A_413 = tpu.memref_slice %arg4[%mul3A_2, %dma_wait3A_412] : memref<16384x2048xf32, #tpu.memory_space<hbm>> -> memref<1x2048xf32, #tpu.memory_space<hbm>>
    %dma_wait3A_414 = tpu.memref_squeeze %dma_wait3A_413 : memref<1x2048xf32, #tpu.memory_space<hbm>> -> memref<2048xf32, #tpu.memory_space<hbm>>
    %dma_wait3A_415 = arith.constant 0 : i32
    %dma_wait3A_416 = tpu.memref_slice %arg4[%mul3A_2, %dma_wait3A_415] : memref<16384x2048xf32, #tpu.memory_space<hbm>> -> memref<1x2048xf32, #tpu.memory_space<hbm>>
    %dma_wait3A_417 = tpu.memref_squeeze %dma_wait3A_416 : memref<1x2048xf32, #tpu.memory_space<hbm>> -> memref<2048xf32, #tpu.memory_space<hbm>>
    %dma_wait3A_418 = arith.constant 8192 : i32
    %dma_wait3A_419 = tpu.memref_slice %arg10[%dma_wait3A_418] : memref<16384xf32, #tpu.memory_space<vmem>> -> memref<2048xf32, #tpu.memory_space<vmem>>
    tpu.wait_dma2 semaphore(%arg14 : memref<!tpu.dma_semaphore, #tpu.memory_space<semaphore_mem>>) src(%dma_wait3A_419 : memref<2048xf32, #tpu.memory_space<vmem>>) dst(%dma_wait3A_417 : memref<2048xf32, #tpu.memory_space<hbm>>)
    %dma_wait3A_420 = arith.constant 10240 : i32
    %dma_wait3A_421 = tpu.memref_slice %arg10[%dma_wait3A_420] : memref<16384xf32, #tpu.memory_space<vmem>> -> memref<2048xf32, #tpu.memory_space<vmem>>
    %dma_wait3A_422 = arith.constant 0 : i32
    %dma_wait3A_423 = tpu.memref_slice %arg4[%mul3A_2, %dma_wait3A_422] : memref<16384x2048xf32, #tpu.memory_space<hbm>> -> memref<1x2048xf32, #tpu.memory_space<hbm>>
    %dma_wait3A_424 = tpu.memref_squeeze %dma_wait3A_423 : memref<1x2048xf32, #tpu.memory_space<hbm>> -> memref<2048xf32, #tpu.memory_space<hbm>>
    %dma_wait3A_425 = arith.constant 0 : i32
    %dma_wait3A_426 = tpu.memref_slice %arg4[%mul3A_2, %dma_wait3A_425] : memref<16384x2048xf32, #tpu.memory_space<hbm>> -> memref<1x2048xf32, #tpu.memory_space<hbm>>
    %dma_wait3A_427 = tpu.memref_squeeze %dma_wait3A_426 : memref<1x2048xf32, #tpu.memory_space<hbm>> -> memref<2048xf32, #tpu.memory_space<hbm>>
    %dma_wait3A_428 = arith.constant 10240 : i32
    %dma_wait3A_429 = tpu.memref_slice %arg10[%dma_wait3A_428] : memref<16384xf32, #tpu.memory_space<vmem>> -> memref<2048xf32, #tpu.memory_space<vmem>>
    tpu.wait_dma2 semaphore(%arg14 : memref<!tpu.dma_semaphore, #tpu.memory_space<semaphore_mem>>) src(%dma_wait3A_429 : memref<2048xf32, #tpu.memory_space<vmem>>) dst(%dma_wait3A_427 : memref<2048xf32, #tpu.memory_space<hbm>>)
    %dma_wait3A_430 = arith.constant 12288 : i32
    %dma_wait3A_431 = tpu.memref_slice %arg10[%dma_wait3A_430] : memref<16384xf32, #tpu.memory_space<vmem>> -> memref<2048xf32, #tpu.memory_space<vmem>>
    %dma_wait3A_432 = arith.constant 0 : i32
    %dma_wait3A_433 = tpu.memref_slice %arg4[%mul3A_2, %dma_wait3A_432] : memref<16384x2048xf32, #tpu.memory_space<hbm>> -> memref<1x2048xf32, #tpu.memory_space<hbm>>
    %dma_wait3A_434 = tpu.memref_squeeze %dma_wait3A_433 : memref<1x2048xf32, #tpu.memory_space<hbm>> -> memref<2048xf32, #tpu.memory_space<hbm>>
    %dma_wait3A_435 = arith.constant 0 : i32
    %dma_wait3A_436 = tpu.memref_slice %arg4[%mul3A_2, %dma_wait3A_435] : memref<16384x2048xf32, #tpu.memory_space<hbm>> -> memref<1x2048xf32, #tpu.memory_space<hbm>>
    %dma_wait3A_437 = tpu.memref_squeeze %dma_wait3A_436 : memref<1x2048xf32, #tpu.memory_space<hbm>> -> memref<2048xf32, #tpu.memory_space<hbm>>
    %dma_wait3A_438 = arith.constant 12288 : i32
    %dma_wait3A_439 = tpu.memref_slice %arg10[%dma_wait3A_438] : memref<16384xf32, #tpu.memory_space<vmem>> -> memref<2048xf32, #tpu.memory_space<vmem>>
    tpu.wait_dma2 semaphore(%arg14 : memref<!tpu.dma_semaphore, #tpu.memory_space<semaphore_mem>>) src(%dma_wait3A_439 : memref<2048xf32, #tpu.memory_space<vmem>>) dst(%dma_wait3A_437 : memref<2048xf32, #tpu.memory_space<hbm>>)
    %dma_wait3A_440 = arith.constant 14336 : i32
    %dma_wait3A_441 = tpu.memref_slice %arg10[%dma_wait3A_440] : memref<16384xf32, #tpu.memory_space<vmem>> -> memref<2048xf32, #tpu.memory_space<vmem>>
    %dma_wait3A_442 = arith.constant 0 : i32
    %dma_wait3A_443 = tpu.memref_slice %arg4[%mul3A_2, %dma_wait3A_442] : memref<16384x2048xf32, #tpu.memory_space<hbm>> -> memref<1x2048xf32, #tpu.memory_space<hbm>>
    %dma_wait3A_444 = tpu.memref_squeeze %dma_wait3A_443 : memref<1x2048xf32, #tpu.memory_space<hbm>> -> memref<2048xf32, #tpu.memory_space<hbm>>
    %dma_wait3A_445 = arith.constant 0 : i32
    %dma_wait3A_446 = tpu.memref_slice %arg4[%mul3A_2, %dma_wait3A_445] : memref<16384x2048xf32, #tpu.memory_space<hbm>> -> memref<1x2048xf32, #tpu.memory_space<hbm>>
    %dma_wait3A_447 = tpu.memref_squeeze %dma_wait3A_446 : memref<1x2048xf32, #tpu.memory_space<hbm>> -> memref<2048xf32, #tpu.memory_space<hbm>>
    %dma_wait3A_448 = arith.constant 14336 : i32
    %dma_wait3A_449 = tpu.memref_slice %arg10[%dma_wait3A_448] : memref<16384xf32, #tpu.memory_space<vmem>> -> memref<2048xf32, #tpu.memory_space<vmem>>
    tpu.wait_dma2 semaphore(%arg14 : memref<!tpu.dma_semaphore, #tpu.memory_space<semaphore_mem>>) src(%dma_wait3A_449 : memref<2048xf32, #tpu.memory_space<vmem>>) dst(%dma_wait3A_447 : memref<2048xf32, #tpu.memory_space<hbm>>)
    %dma_wait3A_450 = arith.constant 0 : i32
    %dma_wait3A_451 = tpu.memref_slice %arg11[%dma_wait3A_450] : memref<16384xf32, #tpu.memory_space<vmem>> -> memref<2048xf32, #tpu.memory_space<vmem>>
    %dma_wait3A_452 = arith.constant 0 : i32
    %dma_wait3A_453 = tpu.memref_slice %arg4[%mul3A_2, %dma_wait3A_452] : memref<16384x2048xf32, #tpu.memory_space<hbm>> -> memref<1x2048xf32, #tpu.memory_space<hbm>>
    %dma_wait3A_454 = tpu.memref_squeeze %dma_wait3A_453 : memref<1x2048xf32, #tpu.memory_space<hbm>> -> memref<2048xf32, #tpu.memory_space<hbm>>
    %dma_wait3A_455 = arith.constant 0 : i32
    %dma_wait3A_456 = tpu.memref_slice %arg4[%mul3A_2, %dma_wait3A_455] : memref<16384x2048xf32, #tpu.memory_space<hbm>> -> memref<1x2048xf32, #tpu.memory_space<hbm>>
    %dma_wait3A_457 = tpu.memref_squeeze %dma_wait3A_456 : memref<1x2048xf32, #tpu.memory_space<hbm>> -> memref<2048xf32, #tpu.memory_space<hbm>>
    %dma_wait3A_458 = arith.constant 0 : i32
    %dma_wait3A_459 = tpu.memref_slice %arg11[%dma_wait3A_458] : memref<16384xf32, #tpu.memory_space<vmem>> -> memref<2048xf32, #tpu.memory_space<vmem>>
    tpu.wait_dma2 semaphore(%arg15 : memref<!tpu.dma_semaphore, #tpu.memory_space<semaphore_mem>>) src(%dma_wait3A_459 : memref<2048xf32, #tpu.memory_space<vmem>>) dst(%dma_wait3A_457 : memref<2048xf32, #tpu.memory_space<hbm>>)
    %dma_wait3A_460 = arith.constant 2048 : i32
    %dma_wait3A_461 = tpu.memref_slice %arg11[%dma_wait3A_460] : memref<16384xf32, #tpu.memory_space<vmem>> -> memref<2048xf32, #tpu.memory_space<vmem>>
    %dma_wait3A_462 = arith.constant 0 : i32
    %dma_wait3A_463 = tpu.memref_slice %arg4[%mul3A_2, %dma_wait3A_462] : memref<16384x2048xf32, #tpu.memory_space<hbm>> -> memref<1x2048xf32, #tpu.memory_space<hbm>>
    %dma_wait3A_464 = tpu.memref_squeeze %dma_wait3A_463 : memref<1x2048xf32, #tpu.memory_space<hbm>> -> memref<2048xf32, #tpu.memory_space<hbm>>
    %dma_wait3A_465 = arith.constant 0 : i32
    %dma_wait3A_466 = tpu.memref_slice %arg4[%mul3A_2, %dma_wait3A_465] : memref<16384x2048xf32, #tpu.memory_space<hbm>> -> memref<1x2048xf32, #tpu.memory_space<hbm>>
    %dma_wait3A_467 = tpu.memref_squeeze %dma_wait3A_466 : memref<1x2048xf32, #tpu.memory_space<hbm>> -> memref<2048xf32, #tpu.memory_space<hbm>>
    %dma_wait3A_468 = arith.constant 2048 : i32
    %dma_wait3A_469 = tpu.memref_slice %arg11[%dma_wait3A_468] : memref<16384xf32, #tpu.memory_space<vmem>> -> memref<2048xf32, #tpu.memory_space<vmem>>
    tpu.wait_dma2 semaphore(%arg15 : memref<!tpu.dma_semaphore, #tpu.memory_space<semaphore_mem>>) src(%dma_wait3A_469 : memref<2048xf32, #tpu.memory_space<vmem>>) dst(%dma_wait3A_467 : memref<2048xf32, #tpu.memory_space<hbm>>)
    %dma_wait3A_470 = arith.constant 4096 : i32
    %dma_wait3A_471 = tpu.memref_slice %arg11[%dma_wait3A_470] : memref<16384xf32, #tpu.memory_space<vmem>> -> memref<2048xf32, #tpu.memory_space<vmem>>
    %dma_wait3A_472 = arith.constant 0 : i32
    %dma_wait3A_473 = tpu.memref_slice %arg4[%mul3A_2, %dma_wait3A_472] : memref<16384x2048xf32, #tpu.memory_space<hbm>> -> memref<1x2048xf32, #tpu.memory_space<hbm>>
    %dma_wait3A_474 = tpu.memref_squeeze %dma_wait3A_473 : memref<1x2048xf32, #tpu.memory_space<hbm>> -> memref<2048xf32, #tpu.memory_space<hbm>>
    %dma_wait3A_475 = arith.constant 0 : i32
    %dma_wait3A_476 = tpu.memref_slice %arg4[%mul3A_2, %dma_wait3A_475] : memref<16384x2048xf32, #tpu.memory_space<hbm>> -> memref<1x2048xf32, #tpu.memory_space<hbm>>
    %dma_wait3A_477 = tpu.memref_squeeze %dma_wait3A_476 : memref<1x2048xf32, #tpu.memory_space<hbm>> -> memref<2048xf32, #tpu.memory_space<hbm>>
    %dma_wait3A_478 = arith.constant 4096 : i32
    %dma_wait3A_479 = tpu.memref_slice %arg11[%dma_wait3A_478] : memref<16384xf32, #tpu.memory_space<vmem>> -> memref<2048xf32, #tpu.memory_space<vmem>>
    tpu.wait_dma2 semaphore(%arg15 : memref<!tpu.dma_semaphore, #tpu.memory_space<semaphore_mem>>) src(%dma_wait3A_479 : memref<2048xf32, #tpu.memory_space<vmem>>) dst(%dma_wait3A_477 : memref<2048xf32, #tpu.memory_space<hbm>>)
    %dma_wait3A_480 = arith.constant 6144 : i32
    %dma_wait3A_481 = tpu.memref_slice %arg11[%dma_wait3A_480] : memref<16384xf32, #tpu.memory_space<vmem>> -> memref<2048xf32, #tpu.memory_space<vmem>>
    %dma_wait3A_482 = arith.constant 0 : i32
    %dma_wait3A_483 = tpu.memref_slice %arg4[%mul3A_2, %dma_wait3A_482] : memref<16384x2048xf32, #tpu.memory_space<hbm>> -> memref<1x2048xf32, #tpu.memory_space<hbm>>
    %dma_wait3A_484 = tpu.memref_squeeze %dma_wait3A_483 : memref<1x2048xf32, #tpu.memory_space<hbm>> -> memref<2048xf32, #tpu.memory_space<hbm>>
    %dma_wait3A_485 = arith.constant 0 : i32
    %dma_wait3A_486 = tpu.memref_slice %arg4[%mul3A_2, %dma_wait3A_485] : memref<16384x2048xf32, #tpu.memory_space<hbm>> -> memref<1x2048xf32, #tpu.memory_space<hbm>>
    %dma_wait3A_487 = tpu.memref_squeeze %dma_wait3A_486 : memref<1x2048xf32, #tpu.memory_space<hbm>> -> memref<2048xf32, #tpu.memory_space<hbm>>
    %dma_wait3A_488 = arith.constant 6144 : i32
    %dma_wait3A_489 = tpu.memref_slice %arg11[%dma_wait3A_488] : memref<16384xf32, #tpu.memory_space<vmem>> -> memref<2048xf32, #tpu.memory_space<vmem>>
    tpu.wait_dma2 semaphore(%arg15 : memref<!tpu.dma_semaphore, #tpu.memory_space<semaphore_mem>>) src(%dma_wait3A_489 : memref<2048xf32, #tpu.memory_space<vmem>>) dst(%dma_wait3A_487 : memref<2048xf32, #tpu.memory_space<hbm>>)
    %dma_wait3A_490 = arith.constant 8192 : i32
    %dma_wait3A_491 = tpu.memref_slice %arg11[%dma_wait3A_490] : memref<16384xf32, #tpu.memory_space<vmem>> -> memref<2048xf32, #tpu.memory_space<vmem>>
    %dma_wait3A_492 = arith.constant 0 : i32
    %dma_wait3A_493 = tpu.memref_slice %arg4[%mul3A_2, %dma_wait3A_492] : memref<16384x2048xf32, #tpu.memory_space<hbm>> -> memref<1x2048xf32, #tpu.memory_space<hbm>>
    %dma_wait3A_494 = tpu.memref_squeeze %dma_wait3A_493 : memref<1x2048xf32, #tpu.memory_space<hbm>> -> memref<2048xf32, #tpu.memory_space<hbm>>
    %dma_wait3A_495 = arith.constant 0 : i32
    %dma_wait3A_496 = tpu.memref_slice %arg4[%mul3A_2, %dma_wait3A_495] : memref<16384x2048xf32, #tpu.memory_space<hbm>> -> memref<1x2048xf32, #tpu.memory_space<hbm>>
    %dma_wait3A_497 = tpu.memref_squeeze %dma_wait3A_496 : memref<1x2048xf32, #tpu.memory_space<hbm>> -> memref<2048xf32, #tpu.memory_space<hbm>>
    %dma_wait3A_498 = arith.constant 8192 : i32
    %dma_wait3A_499 = tpu.memref_slice %arg11[%dma_wait3A_498] : memref<16384xf32, #tpu.memory_space<vmem>> -> memref<2048xf32, #tpu.memory_space<vmem>>
    tpu.wait_dma2 semaphore(%arg15 : memref<!tpu.dma_semaphore, #tpu.memory_space<semaphore_mem>>) src(%dma_wait3A_499 : memref<2048xf32, #tpu.memory_space<vmem>>) dst(%dma_wait3A_497 : memref<2048xf32, #tpu.memory_space<hbm>>)
    %dma_wait3A_500 = arith.constant 10240 : i32
    %dma_wait3A_501 = tpu.memref_slice %arg11[%dma_wait3A_500] : memref<16384xf32, #tpu.memory_space<vmem>> -> memref<2048xf32, #tpu.memory_space<vmem>>
    %dma_wait3A_502 = arith.constant 0 : i32
    %dma_wait3A_503 = tpu.memref_slice %arg4[%mul3A_2, %dma_wait3A_502] : memref<16384x2048xf32, #tpu.memory_space<hbm>> -> memref<1x2048xf32, #tpu.memory_space<hbm>>
    %dma_wait3A_504 = tpu.memref_squeeze %dma_wait3A_503 : memref<1x2048xf32, #tpu.memory_space<hbm>> -> memref<2048xf32, #tpu.memory_space<hbm>>
    %dma_wait3A_505 = arith.constant 0 : i32
    %dma_wait3A_506 = tpu.memref_slice %arg4[%mul3A_2, %dma_wait3A_505] : memref<16384x2048xf32, #tpu.memory_space<hbm>> -> memref<1x2048xf32, #tpu.memory_space<hbm>>
    %dma_wait3A_507 = tpu.memref_squeeze %dma_wait3A_506 : memref<1x2048xf32, #tpu.memory_space<hbm>> -> memref<2048xf32, #tpu.memory_space<hbm>>
    %dma_wait3A_508 = arith.constant 10240 : i32
    %dma_wait3A_509 = tpu.memref_slice %arg11[%dma_wait3A_508] : memref<16384xf32, #tpu.memory_space<vmem>> -> memref<2048xf32, #tpu.memory_space<vmem>>
    tpu.wait_dma2 semaphore(%arg15 : memref<!tpu.dma_semaphore, #tpu.memory_space<semaphore_mem>>) src(%dma_wait3A_509 : memref<2048xf32, #tpu.memory_space<vmem>>) dst(%dma_wait3A_507 : memref<2048xf32, #tpu.memory_space<hbm>>)
    %dma_wait3A_510 = arith.constant 12288 : i32
    %dma_wait3A_511 = tpu.memref_slice %arg11[%dma_wait3A_510] : memref<16384xf32, #tpu.memory_space<vmem>> -> memref<2048xf32, #tpu.memory_space<vmem>>
    %dma_wait3A_512 = arith.constant 0 : i32
    %dma_wait3A_513 = tpu.memref_slice %arg4[%mul3A_2, %dma_wait3A_512] : memref<16384x2048xf32, #tpu.memory_space<hbm>> -> memref<1x2048xf32, #tpu.memory_space<hbm>>
    %dma_wait3A_514 = tpu.memref_squeeze %dma_wait3A_513 : memref<1x2048xf32, #tpu.memory_space<hbm>> -> memref<2048xf32, #tpu.memory_space<hbm>>
    %dma_wait3A_515 = arith.constant 0 : i32
    %dma_wait3A_516 = tpu.memref_slice %arg4[%mul3A_2, %dma_wait3A_515] : memref<16384x2048xf32, #tpu.memory_space<hbm>> -> memref<1x2048xf32, #tpu.memory_space<hbm>>
    %dma_wait3A_517 = tpu.memref_squeeze %dma_wait3A_516 : memref<1x2048xf32, #tpu.memory_space<hbm>> -> memref<2048xf32, #tpu.memory_space<hbm>>
    %dma_wait3A_518 = arith.constant 12288 : i32
    %dma_wait3A_519 = tpu.memref_slice %arg11[%dma_wait3A_518] : memref<16384xf32, #tpu.memory_space<vmem>> -> memref<2048xf32, #tpu.memory_space<vmem>>
    tpu.wait_dma2 semaphore(%arg15 : memref<!tpu.dma_semaphore, #tpu.memory_space<semaphore_mem>>) src(%dma_wait3A_519 : memref<2048xf32, #tpu.memory_space<vmem>>) dst(%dma_wait3A_517 : memref<2048xf32, #tpu.memory_space<hbm>>)
    %dma_wait3A_520 = arith.constant 14336 : i32
    %dma_wait3A_521 = tpu.memref_slice %arg11[%dma_wait3A_520] : memref<16384xf32, #tpu.memory_space<vmem>> -> memref<2048xf32, #tpu.memory_space<vmem>>
    %dma_wait3A_522 = arith.constant 0 : i32
    %dma_wait3A_523 = tpu.memref_slice %arg4[%mul3A_2, %dma_wait3A_522] : memref<16384x2048xf32, #tpu.memory_space<hbm>> -> memref<1x2048xf32, #tpu.memory_space<hbm>>
    %dma_wait3A_524 = tpu.memref_squeeze %dma_wait3A_523 : memref<1x2048xf32, #tpu.memory_space<hbm>> -> memref<2048xf32, #tpu.memory_space<hbm>>
    %dma_wait3A_525 = arith.constant 0 : i32
    %dma_wait3A_526 = tpu.memref_slice %arg4[%mul3A_2, %dma_wait3A_525] : memref<16384x2048xf32, #tpu.memory_space<hbm>> -> memref<1x2048xf32, #tpu.memory_space<hbm>>
    %dma_wait3A_527 = tpu.memref_squeeze %dma_wait3A_526 : memref<1x2048xf32, #tpu.memory_space<hbm>> -> memref<2048xf32, #tpu.memory_space<hbm>>
    %dma_wait3A_528 = arith.constant 14336 : i32
    %dma_wait3A_529 = tpu.memref_slice %arg11[%dma_wait3A_528] : memref<16384xf32, #tpu.memory_space<vmem>> -> memref<2048xf32, #tpu.memory_space<vmem>>
    tpu.wait_dma2 semaphore(%arg15 : memref<!tpu.dma_semaphore, #tpu.memory_space<semaphore_mem>>) src(%dma_wait3A_529 : memref<2048xf32, #tpu.memory_space<vmem>>) dst(%dma_wait3A_527 : memref<2048xf32, #tpu.memory_space<hbm>>)
    return
  }
}

</mosaic_0001>

<sc_bundles>
// kernel: kernel.3.cloned.1.call-start
scs
__scs_entry_jumppad:
0x0: {  	(pc) =	sbr.rel $0x88, $3  }
0x1: {  	(tag) =	ssettag $0x0;
	lr =	simm.s32 $0x1  }
0x2: {  	[smem:$0x3F9F] =	sst lr;
	_ =	strace $0xD0000000  }
0x3: {  	_ = 	snop  }
0x4: {  	_ = 	snop  }
0x5: {  	_ = 	snop  }
0x6: {  	_ = 	snop  }
0x7: {  	_ = 	snop  }
__scs_overlays_trampoline_lowered:
0x8: {  	[smem:$0x3FAE] =	sst s0  }
0x9: {  	[smem:$0x3FAF] =	sst s1  }
0xa: {  	[smem:$0x3FB0] =	sst s2  }
0xb: {  	[smem:$0x3FB1] =	sst s3  }
0xc: {  	[smem:$0x3FB2] =	sst s4  }
0xd: {  	[smem:$0x3FB3] =	sst s5  }
0xe: {  	[smem:$0x3FB4] =	sst s6  }
0xf: {  	[smem:$0x3FB5] =	sst s7  }
0x10: {  	[smem:$0x3FB6] =	sst s8  }
0x11: {  	[smem:$0x3FB7] =	sst s9;
	s0 =	simm.s32 @!p0 $0x0  }
0x12: {  	s1 =	sld [smem:$0x3F9D];
	s0 =	simm.s32 @p0 $0x1  }
0x13: {  	[smem:$0x3FB8] =	sst s0;
	s0 =	simm.s32 @!p1 $0x0  }
0x14: {  	s2 =	sld [smem:$0x3F9C];
	s0 =	simm.s32 @p1 $0x1  }
0x15: {  	[smem:$0x3FB9] =	sst s0;
	s0 =	simm.s32 @!p2 $0x0  }
0x16: {  	s3 =	sld [smem:$0x3FDB];
	s0 =	simm.s32 @p2 $0x1  }
0x17: {  	s4 =	simm.s32 $0x1BF5;
	[smem:$0x3FBB] =	sst s0  }
0x18: {  	s0 =	sld [smem:$0x3F9E];
	_ =	swait.ge [sflag:s4], $0x0  }
0x19: {  	s7 =	sld [smem:$0x3F9F]  }
0x1a: {  	s8 =	sadd.s32 $0xFFFFE003, lr  }
0x1b: {  	s9 =	sadd.s32 $0xFFFFFEF7, lr;
	s5 =	simm.s32 $0xFFFFFFFF;
	p2 =	slt.u32 s8, $0xFFFFF086  }
0x1c: {  	p1 =	slt.u32 s9, $0xF7A;
	s5 =	simm.s32 @!p2 $0x0  }
0x1d: {  	s5 =	simm.s32 @p1 $0x1;
	p0 =	seq.s32 s7, s2  }
0x1e: {  	s7 =	smul.u32 @!p0 $0xF7A, s2;
	p2 =	seq.s32 @!p0 s5, $0x0  }
0x1f: {  	s9 =	smul.u32 $0xF7A, s1;
	s8 =	simm.s32 @!p0 $0x1BF5;
	p2 =	por !p2, p0  }
0x20: {  	[sflag:s8] =	ssyncset.s32 @!p0 $0xFFFFF086;
	s6 =	sadd.s32 @!p0 s3, s7;
	s7 =	simm.s32 @!p0 $0x108  }
0x21: {  	s3 =	sadd.s32 s3, s9;
	s6 =	sadd.s32 @!p0 $0x88, s6;
	s7 =	simm.s32 @p2 $0x1082  }
0x22: {  	[simem:s7], [sflag:s8] =	dma.local @!p0 [hbm:s6], $0xF7A  }
0x23: {  	s9 =	sor.u32 $0xD0000000, s2;
	s6 =	simm.s32 $0x108;
	_ =	swait.ge @!p0 [sflag:s8], $0x0  }
0x24: {  	s3 =	sadd.s32 $0x88, s3;
	s6 =	simm.s32 @!p1 $0x1082;
	[sflag:s4] =	ssyncset.s32 $0xFFFFF086  }
0x25: {  	[simem:s6], [sflag:s4] =	dma.local [hbm:s3], $0xF7A  }
0x26: {  	[smem:$0x3F9F] =	sst s1;
	(tag) =	ssettag s2;
	_ =	strace s9  }
0x27: {  	s1 =	sld [smem:$0x3FAF]  }
0x28: {  	s2 =	sld [smem:$0x3FB0]  }
0x29: {  	s4 =	sld [smem:$0x3FB2]  }
0x2a: {  	p0 =	seq.s32 s5, $0x0;
	s5 =	sld [smem:$0x3FB3]  }
0x2b: {  	s6 =	sld [smem:$0x3FB4]  }
0x2c: {  	s7 =	sld [smem:$0x3FB5]  }
0x2d: {  	s3 =	simm.s32 $0x108;
	s8 =	sld [smem:$0x3FB6]  }
0x2e: {  	s3 =	simm.s32 @!p0 $0x1082;
	s9 =	sld [smem:$0x3FB7]  }
0x2f: {  	lr =	sadd.s32 s0, s3;
	s0 =	sld [smem:$0x3FAE]  }
0x30: {  	s3 =	sld [smem:$0x3FB1]  }
0x31: {  	[smem:$0x3FBA] =	sst s10  }
0x32: {  	s10 =	sld [smem:$0x3FB8];
	_ =	sdelay $0x3  }
0x33: {  	p0 =	seq.s32 s10, $0x1;
	s10 =	sld [smem:$0x3FBA];
	_ =	sdelay $0x3  }
0x34: {  	[smem:$0x3FBA] =	sst s10  }
0x35: {  	s10 =	sld [smem:$0x3FB9];
	_ =	sdelay $0x3  }
0x36: {  	p1 =	seq.s32 s10, $0x1;
	s10 =	sld [smem:$0x3FBA];
	_ =	sdelay $0x3  }
0x37: {  	[smem:$0x3FBA] =	sst s10  }
0x38: {  	s10 =	sld [smem:$0x3FBB]  }
0x39: {  	_ = 	snop;
	(pc) =	sbr.ind lr, $3  }
0x3a: {  	_ = 	snop  }
0x3b: {  	_ = 	snop  }
0x3c: {  	p2 =	seq.s32 s10, $0x1;
	s10 =	sld [smem:$0x3FBA]  }
0x3d: {  	_ =	shalt  }
0x3e: {  	_ =	shalt  }
0x3f: {  	_ =	shalt  }
0x40: {  	_ =	shalt  }
0x41: {  	_ =	shalt  }
0x42: {  	_ =	shalt  }
0x43: {  	_ =	shalt  }
0x44: {  	_ =	shalt  }
0x45: {  	_ =	shalt  }
0x46: {  	_ =	shalt  }
0x47: {  	_ =	shalt  }
0x48: {  	_ =	shalt  }
0x49: {  	_ =	shalt  }
0x4a: {  	_ =	shalt  }
0x4b: {  	_ =	shalt  }
0x4c: {  	_ =	shalt  }
0x4d: {  	_ =	shalt  }
0x4e: {  	_ =	shalt  }
0x4f: {  	_ =	shalt  }
0x50: {  	_ =	shalt  }
0x51: {  	_ =	shalt  }
0x52: {  	_ =	shalt  }
0x53: {  	_ =	shalt  }
0x54: {  	_ =	shalt  }
0x55: {  	_ =	shalt  }
0x56: {  	_ =	shalt  }
0x57: {  	_ =	shalt  }
0x58: {  	_ =	shalt  }
0x59: {  	_ =	shalt  }
0x5a: {  	_ =	shalt  }
0x5b: {  	_ =	shalt  }
0x5c: {  	_ =	shalt  }
0x5d: {  	_ =	shalt  }
0x5e: {  	_ =	shalt  }
0x5f: {  	_ =	shalt  }
0x60: {  	_ =	shalt  }
0x61: {  	_ =	shalt  }
0x62: {  	_ =	shalt  }
0x63: {  	_ =	shalt  }
0x64: {  	_ =	shalt  }
0x65: {  	_ =	shalt  }
0x66: {  	_ =	shalt  }
0x67: {  	_ =	shalt  }
0x68: {  	_ =	shalt  }
0x69: {  	_ =	shalt  }
0x6a: {  	_ =	shalt  }
0x6b: {  	_ =	shalt  }
0x6c: {  	_ =	shalt  }
0x6d: {  	_ =	shalt  }
0x6e: {  	_ =	shalt  }
0x6f: {  	_ =	shalt  }
0x70: {  	_ =	shalt  }
0x71: {  	_ =	shalt  }
0x72: {  	_ =	shalt  }
0x73: {  	_ =	shalt  }
0x74: {  	_ =	shalt  }
0x75: {  	_ =	shalt  }
0x76: {  	_ =	shalt  }
0x77: {  	_ =	shalt  }
0x78: {  	_ =	shalt  }
0x79: {  	_ =	shalt  }
0x7a: {  	_ =	shalt  }
0x7b: {  	_ =	shalt  }
0x7c: {  	_ =	shalt  }
0x7d: {  	_ =	shalt  }
0x7e: {  	_ =	shalt  }
0x7f: {  	_ =	shalt  }
0x80: {  	_ =	shalt  }
0x81: {  	_ =	shalt  }
0x82: {  	_ =	shalt  }
0x83: {  	_ =	shalt  }
0x84: {  	_ =	shalt  }
0x85: {  	_ =	shalt  }
0x86: {  	_ =	shalt  }
0x87: {  	_ =	shalt  }
.Lfunc_end0:
.L_simem_size_0:
called_computation_lowered:
.L_overlay_start_0:
0x88: {  	s2 =	sld [smem:$0x3FD9]  }
0x89: {  	s3 =	sld [smem:$0x3FFE];
	_ =	sdelay $0x1  }
0x8a: {  	s1 =	srdreg.scid  }
0x8b: {  	s0 =	sand.u32 $0x1, s1  }
0x8c: {  	s17 =	sshll.u32 s0, $0xA;
	s2 =	sadd.s32 s3, s2  }
0x8d: {  	s2 =	sadd.s32 s2, s17  }
0x8e: {  	[smem:$0x3FC6] =	sst s2  }
0x8f: {  	_ = 	snop  }
0x90: {  	s2 =	sld [smem:$0x3FC9]  }
0x91: {  	s18 =	sld [smem:$0x3FD0];
	(tm) =	ssettm $0x1  }
0x92: {  	s4 =	sld [smem:$0x3FFB];
	_ =	sdelay $0x3  }
0x93: {  	_ =	strace s4  }
0x94: {  	s4 =	sld [smem:$0x3FFC];
	_ =	sdelay $0x3  }
0x95: {  	_ =	strace s4  }
0x96: {  	s4 =	sld [smem:$0x3FFD];
	_ =	sdelay $0x3  }
0x97: {  	_ =	strace s4  }
0x98: {  	_ =	strace $0x8FFFFFFF  }
0x99: {  	s19 =	sld [smem:$0x3FDB];
	_ =	sdelay $0x1  }
0x9a: {  	s5 =	simm.s32 $_scs_section_size  }
0x9b: {  	s6 =	simm.s32 $_size__tile_overlayer_lowered;
	s7 =	simm.s32 $_tile_overlayer_lowered  }
0x9c: {  	s22 =	simm.s32 $0x1BFF;
	s21 =	sshll.u32 s7, $0x1;
	s4 =	sadd.s32 s5, s19  }
0x9d: {  	s8 =	simm.s32 $0x0;
	s20 =	sshll.u32 s6, $0x1;
	s6 =	sadd.s32 s21, s4  }
0x9e: {  	[timem:s8], [sflag:s22] =	dma.local [hbm:s6], s20  }
0x9f: {  	_ =	swait.ge [sflag:s22], s20  }
0xa0: {  	s5 =	ssub.s32 $0x0, s20;
	[sflag:s22] =	ssyncset.done $0x0  }
0xa1: {  	[sflag:s22] =	ssyncadd.s32 s5;
	_ =	sdelay $0x1  }
0xa2: {  	s23 =	simm.s32 $0x1B8B  }
0xa3: {  	_ =	swait.ge [sflag:s23], $0x1  }
0xa4: {  	[sflag:s23] =	ssyncset.done $0x0  }
0xa5: {  	s25 =	simm.s32 $0x1B8E;
	s24 =	sld [smem:$0x3FFE];
	[sflag:s23] =	ssyncadd.s32 $0xFFFFFFFF  }
0xa6: {  	s26 =	simm.s32 $execute0_lowered;
	[smem:$0x3FD2] =	sst s25  }
0xa7: {  	s6 =	sshll.u32 s26, $0x1;
	_ =	strace $0x80000046;
	[dreg:$0x1] =	wrdreg $0xFFFFFFFF  }
0xa8: {  	s28 =	simm.s32 $_size_execute0_lowered;
	s4 =	sadd.s32 s4, s6;
	[dreg:$0x0] =	wrdreg $0x0  }
0xa9: {  	s6 =	sshll.u32 s28, $0x1;
	[dreg:$0x2] =	wrdreg s4  }
0xaa: {  	[dreg:$0x3] =	wrdreg s6  }
0xab: {  	[dreg:$0x4] =	wrdreg $0xC0  }
0xac: {  	_ =	task [dreg:s8], $0x5FFFF  }
0xad: {  	[dreg:$0x1] =	wrdreg $0xFFFFFFFF  }
0xae: {  	[dreg:$0x0] =	wrdreg $0x60  }
0xaf: {  	[dreg:$0x2] =	wrdreg s2  }
0xb0: {  	[dreg:$0x3] =	wrdreg s24  }
0xb1: {  	[dreg:$0x4] =	wrdreg s18  }
0xb2: {  	[dreg:$0x5] =	wrdreg $0x9  }
0xb3: {  	_ =	task.clear_ibuf [dreg:s8], $0x6FFFF;
	_ =	strace $0x90000046  }
0xb4: {  	s29 =	simm.s32 $0x9;
	_ =	strace $0x80000048  }
0xb5: {  	_ =	swait.ge [sflag:s29], $0x1  }
0xb6: {  	[sflag:s29] =	ssyncadd.s32 $0xFFFFFFFF  }
0xb7: {  	_ =	strace $0x90000048  }
0xb8: {  	_ =	sfence  }
0xb9: {  	s30 =	sld [smem:$0x0];
	_ =	sdelay $0x2  }
0xba: {  	s31 =	sshll.u32 s1, $0xD;
	s1 =	sshrl.u32 s1, $0x2  }
0xbb: {  	s3 =	sand.u32 $0x4000, s31;
	s1 =	sadd.s32 s1, s30  }
0xbc: {  	s0 =	sor.u32 s3, s0;
	s1 =	sshll.u32 s1, $0x11  }
0xbd: {  	s0 =	sor.u32 s1, s0  }
0xbe: {  	s0 =	sadd.s32 $0x8F2B, s0  }
0xbf: {  	[sflag:s0] =	ssyncadd.remote.s32 $0x1  }
0xc0: {  	_ =	sfence.sel $0xFFFF  }
0xc1: {  	[dreg:$0x0] =	wrdreg $0xFFFFFFFF;
	(pc) =	sbr.abs _section_cstart, $3  }
0xc2: {  	[dreg:$0x1] =	wrdreg $0xFFFFFFFF  }
0xc3: {  	_ =	task.clear_ibuf [dreg:s8], $0x2FFFF;
	_ =	strace $0x9FFFFFFF  }
0xc4: {  	(tm) =	ssettm $0x7FFFFFFF  }
0xc5: {  	_ =	shalt  }
tec
execute0_lowered:
.L_overlay_start_1:
0x0: {  	(tag) =	ssettag $0x1  }
0x1: {  	v0 =	vimm.f32 $-1.500000000e+01;
	vm14 =	vcmask $0x300;
	vm13 =	vcmask $0x704  }
0x2: {  	vm12 =	vcmask $0xB08;
	vm11 =	vcmask $0xF0C;
	vm10 =	vcmask $0x1310  }
0x3: {  	vm9 =	vcmask $0x1714;
	vm8 =	vcmask $0x1B18;
	vm7 =	vcmask $0x1F1C  }
0x4: {  	vm6 =	vcmask $0x2320;
	vm5 =	vcmask $0x2724;
	vm4 =	vcmask $0x2B28  }
0x5: {  	vm3 =	vcmask $0x2F2C;
	v3 =	vlaneseq.u32;
	vm2 =	vcmask $0x3330  }
0x6: {  	vm1 =	vcmask $0x3734;
	v1 =	vimm.f32 $-3.100000000e+01;
	vm0 =	vcmask $0x3B38  }
0x7: {  	v5 =	vimm.f32 $-4.700000000e+01;
	v7 =	vimm.f32 $-6.300000000e+01;
	v33 =	vimm.f32 $-7.900000000e+01  }
0x8: {  	v38 =	vimm.f32 $-9.500000000e+01;
	v39 =	vimm.f32 $-1.110000000e+02;
	v43 =	vimm.f32 $-1.270000000e+02  }
0x9: {  	v45 =	vimm.f32 $-1.430000000e+02;
	v46 =	vimm.f32 $-1.590000000e+02;
	v0 =	vsel vm14, $0x80000000, v0  }
0xa: {  	v50 =	vimm.f32 $-1.750000000e+02;
	v52 =	vimm.f32 $-1.910000000e+02;
	v0 =	vsel vm13, $0xBF800000, v0  }
0xb: {  	v53 =	vimm.f32 $-2.070000000e+02;
	v57 =	vimm.f32 $-2.230000000e+02;
	v0 =	vsel vm12, $0xC0000000, v0  }
0xc: {  	v59 =	vimm.f32 $-2.390000000e+02;
	v60 =	vimm.f32 $-2.550000000e+02;
	v0 =	vsel vm11, $0xC0400000, v0  }
0xd: {  	v1 =	vsel vm14, $0xC1800000, v1;
	v2 =	vadd.s32 $0x1, v3;
	v0 =	vsel vm10, $0xC0800000, v0  }
0xe: {  	v4 =	vor.u32 $0x10, v3;
	v6 =	vadd.s32 $0x11, v3;
	v0 =	vsel vm9, $0xC0A00000, v0  }
0xf: {  	v10 =	vor.u32 $0x20, v3;
	v11 =	vadd.s32 $0x21, v3;
	v0 =	vsel vm8, $0xC0C00000, v0  }
0x10: {  	v34 =	vor.u32 $0x30, v3;
	v35 =	vadd.s32 $0x31, v3;
	v0 =	vsel vm7, $0xC0E00000, v0  }
0x11: {  	v37 =	vor.u32 $0x40, v3;
	v13 =	vadd.s32 $0x41, v3;
	v0 =	vsel vm6, $0xC1000000, v0  }
0x12: {  	v15 =	vor.u32 $0x50, v3;
	v16 =	vadd.s32 $0x51, v3;
	v0 =	vsel vm5, $0xC1100000, v0  }
0x13: {  	v18 =	vor.u32 $0x60, v3;
	v19 =	vadd.s32 $0x61, v3;
	v0 =	vsel vm4, $0xC1200000, v0  }
0x14: {  	v21 =	vor.u32 $0x70, v3;
	v22 =	vadd.s32 $0x71, v3;
	v0 =	vsel vm3, $0xC1300000, v0  }
0x15: {  	v24 =	vor.u32 $0x80, v3;
	v25 =	vadd.s32 $0x81, v3;
	v0 =	vsel vm2, $0xC1400000, v0  }
0x16: {  	v27 =	vor.u32 $0x90, v3;
	v28 =	vadd.s32 $0x91, v3;
	v0 =	vsel vm1, $0xC1500000, v0  }
0x17: {  	v30 =	vor.u32 $0xA0, v3;
	v63 =	vsel vm13, $0xC1880000, v1;
	v0 =	vsel vm0, $0xC1600000, v0  }
0x18: {  	v31 =	vadd.s32 $0xA1, v3;
	v58 =	vsel vm14, $0xC3500000, v57;
	[tilespmem:$0x1FF50] =	vst v0;
	v0 =	vsel vm12, $0xC1900000, v63  }
0x19: {  	[tilespmem:$0x1FF40] =	vst v2;
	v1 =	vsel vm14, $0xC2000000, v5;
	v2 =	vsel vm14, $0xC2400000, v7;
	v0 =	vsel vm11, $0xC1980000, v0  }
0x1a: {  	[tilespmem:$0x1FFC0] =	vst v34;
	v34 =	vadd.s32 $0xB1, v3;
	v1 =	vsel vm13, $0xC2040000, v1;
	v0 =	vsel vm10, $0xC1A00000, v0  }
0x1b: {  	[tilespmem:$0x1FFF0] =	vst v37;
	v37 =	vadd.s32 $0xC1, v3;
	v1 =	vsel vm12, $0xC2080000, v1;
	v0 =	vsel vm9, $0xC1A80000, v0  }
0x1c: {  	v2 =	vsel vm13, $0xC2440000, v2;
	v1 =	vsel vm11, $0xC20C0000, v1;
	v0 =	vsel vm8, $0xC1B00000, v0  }
0x1d: {  	v2 =	vsel vm12, $0xC2480000, v2;
	v1 =	vsel vm10, $0xC2100000, v1;
	v0 =	vsel vm7, $0xC1B80000, v0  }
0x1e: {  	v2 =	vsel vm11, $0xC24C0000, v2;
	v1 =	vsel vm9, $0xC2140000, v1;
	v0 =	vsel vm6, $0xC1C00000, v0  }
0x1f: {  	v2 =	vsel vm10, $0xC2500000, v2;
	v1 =	vsel vm8, $0xC2180000, v1;
	v0 =	vsel vm5, $0xC1C80000, v0  }
0x20: {  	v2 =	vsel vm9, $0xC2540000, v2;
	v1 =	vsel vm7, $0xC21C0000, v1;
	v0 =	vsel vm4, $0xC1D00000, v0  }
0x21: {  	v2 =	vsel vm8, $0xC2580000, v2;
	v1 =	vsel vm6, $0xC2200000, v1;
	v0 =	vsel vm3, $0xC1D80000, v0  }
0x22: {  	v2 =	vsel vm7, $0xC25C0000, v2;
	v1 =	vsel vm5, $0xC2240000, v1;
	v0 =	vsel vm2, $0xC1E00000, v0  }
0x23: {  	v2 =	vsel vm6, $0xC2600000, v2;
	v1 =	vsel vm4, $0xC2280000, v1;
	v0 =	vsel vm1, $0xC1E80000, v0  }
0x24: {  	v9 =	vsel vm5, $0xC2640000, v2;
	v8 =	vsel vm3, $0xC22C0000, v1;
	v0 =	vsel vm0, $0xC1F00000, v0  }
0x25: {  	v2 =	vsel vm14, $0xC2C00000, v39;
	v1 =	vsel vm4, $0xC2680000, v9;
	[tilespmem:$0x1FF80] =	vst v0;
	v0 =	vsel vm2, $0xC2300000, v8  }
0x26: {  	v39 =	vor.u32 $0xD0, v3;
	v1 =	vsel vm3, $0xC26C0000, v1;
	v0 =	vsel vm1, $0xC2340000, v0  }
0x27: {  	v2 =	vsel vm13, $0xC2C20000, v2;
	v32 =	vsel vm2, $0xC2700000, v1;
	v0 =	vsel vm0, $0xC2380000, v0  }
0x28: {  	v2 =	vsel vm12, $0xC2C40000, v2;
	v1 =	vsel vm14, $0xC2800000, v33;
	[tilespmem:$0x1FFB0] =	vst v0;
	v0 =	vsel vm1, $0xC2740000, v32  }
0x29: {  	v2 =	vsel vm11, $0xC2C60000, v2;
	v36 =	vsel vm13, $0xC2820000, v1;
	v0 =	vsel vm0, $0xC2780000, v0  }
0x2a: {  	v2 =	vsel vm10, $0xC2C80000, v2;
	v1 =	vsel vm14, $0xC2A00000, v38;
	[tilespmem:$0x1FFE0] =	vst v0;
	v0 =	vsel vm12, $0xC2840000, v36  }
0x2b: {  	v33 =	vor.u32 $0xB0, v3;
	v1 =	vsel vm13, $0xC2A20000, v1;
	v0 =	vsel vm11, $0xC2860000, v0  }
0x2c: {  	v2 =	vsel vm9, $0xC2CA0000, v2;
	v1 =	vsel vm12, $0xC2A40000, v1;
	v0 =	vsel vm10, $0xC2880000, v0  }
0x2d: {  	v2 =	vsel vm8, $0xC2CC0000, v2;
	v1 =	vsel vm11, $0xC2A60000, v1;
	v0 =	vsel vm9, $0xC28A0000, v0  }
0x2e: {  	v2 =	vsel vm7, $0xC2CE0000, v2;
	v1 =	vsel vm10, $0xC2A80000, v1;
	v0 =	vsel vm8, $0xC28C0000, v0  }
0x2f: {  	v2 =	vsel vm6, $0xC2D00000, v2;
	v1 =	vsel vm9, $0xC2AA0000, v1;
	v0 =	vsel vm7, $0xC28E0000, v0  }
0x30: {  	v41 =	vsel vm5, $0xC2D20000, v2;
	v1 =	vsel vm8, $0xC2AC0000, v1;
	v0 =	vsel vm6, $0xC2900000, v0  }
0x31: {  	v2 =	vsel vm14, $0xC3100000, v46;
	v1 =	vsel vm7, $0xC2AE0000, v1;
	v0 =	vsel vm5, $0xC2920000, v0  }
0x32: {  	v46 =	vadd.s32 $0xF1, v3;
	v1 =	vsel vm6, $0xC2B00000, v1;
	v0 =	vsel vm4, $0xC2940000, v0  }
0x33: {  	v2 =	vsel vm13, $0xC3110000, v2;
	v1 =	vsel vm5, $0xC2B20000, v1;
	v0 =	vsel vm3, $0xC2960000, v0  }
0x34: {  	v2 =	vsel vm12, $0xC3120000, v2;
	v1 =	vsel vm4, $0xC2B40000, v1;
	v0 =	vsel vm2, $0xC2980000, v0  }
0x35: {  	v40 =	vsel vm3, $0xC2B60000, v1;
	v1 =	vsel vm4, $0xC2D40000, v41;
	v0 =	vsel vm1, $0xC29A0000, v0  }
0x36: {  	v1 =	vsel vm3, $0xC2D60000, v1;
	v14 =	vsel vm0, $0xC29C0000, v0;
	v0 =	vsel vm2, $0xC2B80000, v40  }
0x37: {  	v42 =	vsel vm2, $0xC2D80000, v1;
	v1 =	vsel vm14, $0xC2E00000, v43;
	v0 =	vsel vm1, $0xC2BA0000, v0  }
0x38: {  	v44 =	vsel vm13, $0xC2E20000, v1;
	v17 =	vsel vm0, $0xC2BC0000, v0;
	v0 =	vsel vm1, $0xC2DA0000, v42  }
0x39: {  	v1 =	vsel vm14, $0xC3000000, v45;
	v20 =	vsel vm0, $0xC2DC0000, v0;
	v0 =	vsel vm12, $0xC2E40000, v44  }
0x3a: {  	v2 =	vsel vm11, $0xC3130000, v2;
	v1 =	vsel vm13, $0xC3010000, v1;
	v0 =	vsel vm11, $0xC2E60000, v0  }
0x3b: {  	v2 =	vsel vm10, $0xC3140000, v2;
	v1 =	vsel vm12, $0xC3020000, v1;
	v0 =	vsel vm10, $0xC2E80000, v0  }
0x3c: {  	v2 =	vsel vm9, $0xC3150000, v2;
	v1 =	vsel vm11, $0xC3030000, v1;
	v0 =	vsel vm9, $0xC2EA0000, v0  }
0x3d: {  	v2 =	vsel vm8, $0xC3160000, v2;
	v1 =	vsel vm10, $0xC3040000, v1;
	v0 =	vsel vm8, $0xC2EC0000, v0  }
0x3e: {  	v2 =	vsel vm7, $0xC3170000, v2;
	v1 =	vsel vm9, $0xC3050000, v1;
	v0 =	vsel vm7, $0xC2EE0000, v0  }
0x3f: {  	v2 =	vsel vm6, $0xC3180000, v2;
	v1 =	vsel vm8, $0xC3060000, v1;
	v0 =	vsel vm6, $0xC2F00000, v0  }
0x40: {  	v48 =	vsel vm5, $0xC3190000, v2;
	v1 =	vsel vm7, $0xC3070000, v1;
	v0 =	vsel vm5, $0xC2F20000, v0  }
0x41: {  	v2 =	vsel vm14, $0xC3400000, v53;
	v1 =	vsel vm6, $0xC3080000, v1;
	v0 =	vsel vm4, $0xC2F40000, v0  }
0x42: {  	v43 =	vadd.s32 $0xE1, v3;
	v1 =	vsel vm5, $0xC3090000, v1;
	v0 =	vsel vm3, $0xC2F60000, v0  }
0x43: {  	v2 =	vsel vm13, $0xC3410000, v2;
	v1 =	vsel vm4, $0xC30A0000, v1;
	v0 =	vsel vm2, $0xC2F80000, v0  }
0x44: {  	v47 =	vsel vm3, $0xC30B0000, v1;
	v1 =	vsel vm4, $0xC31A0000, v48;
	v0 =	vsel vm1, $0xC2FA0000, v0  }
0x45: {  	v1 =	vsel vm3, $0xC31B0000, v1;
	v23 =	vsel vm0, $0xC2FC0000, v0;
	v0 =	vsel vm2, $0xC30C0000, v47  }
0x46: {  	v49 =	vsel vm2, $0xC31C0000, v1;
	v1 =	vsel vm14, $0xC3200000, v50;
	v0 =	vsel vm1, $0xC30D0000, v0  }
0x47: {  	v51 =	vsel vm13, $0xC3210000, v1;
	v26 =	vsel vm0, $0xC30E0000, v0;
	v0 =	vsel vm1, $0xC31D0000, v49  }
0x48: {  	v1 =	vsel vm14, $0xC3300000, v52;
	v29 =	vsel vm0, $0xC31E0000, v0;
	v0 =	vsel vm12, $0xC3220000, v51  }
0x49: {  	v45 =	vor.u32 $0xF0, v3;
	v1 =	vsel vm13, $0xC3310000, v1;
	v0 =	vsel vm11, $0xC3230000, v0  }
0x4a: {  	v2 =	vsel vm12, $0xC3420000, v2;
	v1 =	vsel vm12, $0xC3320000, v1;
	v0 =	vsel vm10, $0xC3240000, v0  }
0x4b: {  	v2 =	vsel vm11, $0xC3430000, v2;
	v1 =	vsel vm11, $0xC3330000, v1;
	v0 =	vsel vm9, $0xC3250000, v0  }
0x4c: {  	v2 =	vsel vm10, $0xC3440000, v2;
	v1 =	vsel vm10, $0xC3340000, v1;
	v0 =	vsel vm8, $0xC3260000, v0  }
0x4d: {  	v2 =	vsel vm9, $0xC3450000, v2;
	v1 =	vsel vm9, $0xC3350000, v1;
	v0 =	vsel vm7, $0xC3270000, v0  }
0x4e: {  	s3 =	simm.s32 $0x0;
	s9 =	srdreg.scid;
	[tilespmem:$0x1FF60] =	vst v4;
	v36 =	vor.u32 $0xC0, v3;
	v1 =	vsel vm8, $0xC3360000, v1;
	v0 =	vsel vm6, $0xC3280000, v0  }
0x4f: {  	s4 =	stileid.u32;
	[smem:$0x7FF] =	sst s3;
	s3 =	sand.u32 $0x1, s9;
	[tilespmem:$0x1FF70] =	vst v6;
	v2 =	vsel vm8, $0xC3460000, v2;
	v1 =	vsel vm7, $0xC3370000, v1;
	v0 =	vsel vm5, $0xC3290000, v0  }
0x50: {  	s0 =	rddreg [dreg:$0x0];
	s4 =	sshll.u32 s4, $0xA;
	[tilespmem:$0x1FF90] =	vst v10;
	s5 =	sshll.u32 s3, $0x9;
	v2 =	vsel vm7, $0xC3470000, v2;
	v1 =	vsel vm6, $0xC3380000, v1;
	v0 =	vsel vm4, $0xC32A0000, v0  }
0x51: {  	s1 =	rddreg [dreg:$0x1];
	[tilespmem:$0x1FFA0] =	vst v11;
	s5 =	sor.u32 s5, s4;
	v2 =	vsel vm6, $0xC3480000, v2;
	v1 =	vsel vm5, $0xC3390000, v1;
	v0 =	vsel vm3, $0xC32B0000, v0  }
0x52: {  	s2 =	rddreg [dreg:$0x2];
	s1 =	sadd.s32 $0x400, s1;
	[tilespmem:$0x1FFD0] =	vst v35;
	s4 =	sshll.u32 s5, $0x8;
	v55 =	vsel vm5, $0xC3490000, v2;
	v1 =	vsel vm4, $0xC33A0000, v1;
	v0 =	vsel vm2, $0xC32C0000, v0  }
0x53: {  	s11 =	sadd.s32 s0, s4;
	_ =	strace $0x80000047;
	[dreg:$0x4] =	wrdreg s1;
	v54 =	vsel vm3, $0xC33B0000, v1;
	v1 =	vsel vm4, $0xC34A0000, v55;
	v0 =	vsel vm1, $0xC32D0000, v0  }
0x54: {  	s6 =	sadd.s32 $0x10, s0;
	[dreg:$0x6] =	wrdreg s11;
	v1 =	vsel vm3, $0xC34B0000, v1;
	v32 =	vsel vm0, $0xC32E0000, v0;
	v0 =	vsel vm2, $0xC33C0000, v54  }
0x55: {  	s8 =	simm.s32 $0x2;
	s12 =	sadd.s32 s4, s6;
	[dreg:$0x5] =	wrdreg s6;
	v2 =	vsel vm14, $0xC3700000, v60;
	v56 =	vsel vm2, $0xC34C0000, v1;
	v0 =	vsel vm1, $0xC33D0000, v0  }
0x56: {  	s13 =	sadd.s32 $0x20, s0;
	s14 =	sadd.s32 $0x30, s0;
	[dreg:$0x7] =	wrdreg s12;
	v2 =	vsel vm13, $0xC3710000, v2;
	v35 =	vsel vm0, $0xC33E0000, v0;
	v0 =	vsel vm1, $0xC34D0000, v56  }
0x57: {  	s7 =	sadd.s32 $0x40, s0;
	s17 =	sadd.s32 $0x50, s0;
	[dreg:$0x8] =	wrdreg s13;
	v1 =	vsel vm14, $0xC3600000, v59;
	v38 =	vsel vm0, $0xC34E0000, v0;
	v0 =	vsel vm13, $0xC3510000, v58  }
0x58: {  	s18 =	sadd.s32 $0x60, s0;
	s15 =	sadd.s32 s4, s14;
	[dreg:$0x9] =	wrdreg s14;
	v2 =	vsel vm12, $0xC3720000, v2;
	v1 =	vsel vm13, $0xC3610000, v1;
	v0 =	vsel vm12, $0xC3520000, v0  }
0x59: {  	s19 =	sadd.s32 $0x70, s0;
	s22 =	sadd.s32 $0x10, s2;
	[dreg:$0xc] =	wrdreg s15;
	v2 =	vsel vm11, $0xC3730000, v2;
	v1 =	vsel vm12, $0xC3620000, v1;
	v0 =	vsel vm11, $0xC3530000, v0  }
0x5a: {  	s25 =	sadd.s32 $0x20, s2;
	s16 =	sadd.s32 s4, s7;
	[dreg:$0xa] =	wrdreg s7;
	v2 =	vsel vm10, $0xC3740000, v2;
	v1 =	vsel vm11, $0xC3630000, v1;
	v0 =	vsel vm10, $0xC3540000, v0  }
0x5b: {  	s26 =	sadd.s32 $0x30, s2;
	s28 =	sadd.s32 $0x50, s2;
	[dreg:$0xd] =	wrdreg s16;
	v2 =	vsel vm9, $0xC3750000, v2;
	v1 =	vsel vm10, $0xC3640000, v1;
	v0 =	vsel vm9, $0xC3550000, v0  }
0x5c: {  	s29 =	sadd.s32 $0x60, s2;
	s20 =	sadd.s32 s4, s18;
	[dreg:$0xe] =	wrdreg s17;
	v2 =	vsel vm8, $0xC3760000, v2;
	v1 =	vsel vm9, $0xC3650000, v1;
	v0 =	vsel vm8, $0xC3560000, v0  }
0x5d: {  	s30 =	sadd.s32 $0x70, s2;
	s21 =	sadd.s32 s4, s19;
	[dreg:$0x10] =	wrdreg s20;
	v2 =	vsel vm7, $0xC3770000, v2;
	v1 =	vsel vm8, $0xC3660000, v1;
	v0 =	vsel vm7, $0xC3570000, v0  }
0x5e: {  	s9 =	simm.s32 $0x0;
	s10 =	ssub.s32 $0x2, s3;
	[dreg:$0x11] =	wrdreg s21;
	v40 =	vadd.s32 $0xD1, v3;
	v1 =	vsel vm7, $0xC3670000, v1;
	v0 =	vsel vm6, $0xC3580000, v0  }
0x5f: {  	s24 =	smov.u32 s18;
	s23 =	smov.u32 s19;
	[dreg:$0x12] =	wrdreg s22;
	v2 =	vsel vm6, $0xC3780000, v2;
	v1 =	vsel vm6, $0xC3680000, v1;
	v0 =	vsel vm5, $0xC3590000, v0  }
0x60: {  	s3 =	sshrl.u32 s10, $0x1;
	s31 =	sor.u32 $0x10, s5;
	[dreg:$0x13] =	wrdreg s25;
	v2 =	vsel vm5, $0xC3790000, v2;
	v1 =	vsel vm5, $0xC3690000, v1;
	v0 =	vsel vm4, $0xC35A0000, v0  }
0x61: {  	s1 =	ssub.s32 s10, s3;
	s3 =	sadd.s32 s4, s13;
	[dreg:$0x14] =	wrdreg s26;
	v2 =	vsel vm4, $0xC37A0000, v2;
	v1 =	vsel vm4, $0xC36A0000, v1;
	v0 =	vsel vm3, $0xC35B0000, v0  }
0x62: {  	s26 =	sadd.s32 $0x40, s2;
	s22 =	smov.u32 s5;
	s5 =	simm.s32 $0x400;
	v62 =	vsel vm3, $0xC37B0000, v2;
	v1 =	vsel vm3, $0xC36B0000, v1;
	v0 =	vsel vm2, $0xC35C0000, v0  }
0x63: {  	s25 =	simm.s32 $0x1;
	[dreg:$0xb] =	wrdreg s3;
	s3 =	sadd.s32 s4, s17;
	v61 =	vsel vm2, $0xC36C0000, v1;
	v1 =	vsel vm2, $0xC37C0000, v62;
	v0 =	vsel vm1, $0xC35D0000, v0  }
0x64: {  	s1 =	smax.u32 s1, $0x1;
	s4 =	simm.s32 $0x80;
	[dreg:$0xf] =	wrdreg s3;
	v63 =	vsel vm1, $0xC37D0000, v1;
	v41 =	vsel vm0, $0xC35E0000, v0;
	v0 =	vsel vm1, $0xC36D0000, v61  }
0x65: {  	[dreg:$0x15] =	wrdreg s1;
	s1 =	simm.s32 $0x180;
	s3 =	simm.s32 $0x300;
	v42 =	vor.u32 $0xE0, v3;
	v47 =	vsel vm0, $0xC37E0000, v63;
	v44 =	vsel vm0, $0xC36E0000, v0  }
.LBB2_1:
0x66: {  	[dreg:$0x16] =	wrdreg s9  }
0x67: {  	s6 =	simm.s32 $0x0;
	s7 =	rddreg [dreg:$0x4];
	s19 =	simm.s32 $0x5  }
0x68: {  	[tilespmem:s6], [sflag:$0x5] =	stream.linear.gather [hbm4b:s7+s6], $0x180, $0x38;
	[tilespmem:$0x10480] =	vst v63  }
0x69: {  	_ =	swait.ge [sflag:s19], $0x180  }
0x6a: {  	v1 =	vld [tilespmem:$0x1FF40];
	_ =	sdelay $0x1  }
0x6b: {  	v0 =	vlaneseq.u32;
	_ =	sdelay $0x2  }
0x6c: {  	[sflag:s19] =	ssyncset.done $0x0  }
0x6d: {  	[sflag:s19] =	ssyncadd.s32 $0xFFFFFE80  }
0x6e: {  	v0 =	vld.idx.msk [tilespmem:v0+s6+$0x0], $0xffff  }
0x6f: {  	v1 =	vld.idx.msk [tilespmem:v1+s6+$0x0], $0xffff;
	_ =	sdelay $0x1  }
0x70: {  	v2 =	vld [tilespmem:$0x1FF50];
	_ =	sdelay $0x1  }
0x71: {  	v6 =	vld [tilespmem:$0x1FF60]  }
0x72: {  	v7 =	vld [tilespmem:$0x1FF70];
	v1 =	vsub.f32 v1, v0;
	_ =	sdelay $0x1  }
0x73: {  	v2 =	vmul.f32 v2, v1;
	_ =	sdelay $0x1  }
0x74: {  	v0 =	vadd.f32 v2, v0  }
0x75: {  	[tilespmem:$0x300] =	vst v1  }
0x76: {  	[tilespmem:$0x180] =	vst v0  }
0x77: {  	v0 =	vld.idx.msk [tilespmem:v6+s6+$0x0], $0xffff  }
0x78: {  	v1 =	vld.idx.msk [tilespmem:v7+s6+$0x0], $0xffff;
	_ =	sdelay $0x1  }
0x79: {  	v8 =	vld [tilespmem:$0x1FF80];
	_ =	sdelay $0x1  }
0x7a: {  	v9 =	vld [tilespmem:$0x1FF90]  }
0x7b: {  	v10 =	vld [tilespmem:$0x1FFA0];
	v1 =	vsub.f32 v1, v0;
	_ =	sdelay $0x1  }
0x7c: {  	v2 =	vmul.f32 v8, v1;
	_ =	sdelay $0x1  }
0x7d: {  	v0 =	vadd.f32 v2, v0  }
0x7e: {  	[tilespmem:$0x310] =	vst v1  }
0x7f: {  	[tilespmem:$0x190] =	vst v0  }
0x80: {  	v0 =	vld.idx.msk [tilespmem:v9+s6+$0x0], $0xffff  }
0x81: {  	v1 =	vld.idx.msk [tilespmem:v10+s6+$0x0], $0xffff;
	_ =	sdelay $0x1  }
0x82: {  	v11 =	vld [tilespmem:$0x1FFB0];
	_ =	sdelay $0x1  }
0x83: {  	v48 =	vld [tilespmem:$0x1FFC0]  }
0x84: {  	v49 =	vld [tilespmem:$0x1FFD0];
	v1 =	vsub.f32 v1, v0;
	_ =	sdelay $0x1  }
0x85: {  	v2 =	vmul.f32 v11, v1;
	_ =	sdelay $0x1  }
0x86: {  	v0 =	vadd.f32 v2, v0  }
0x87: {  	[tilespmem:$0x320] =	vst v1  }
0x88: {  	[tilespmem:$0x1A0] =	vst v0  }
0x89: {  	v0 =	vld.idx.msk [tilespmem:v48+s6+$0x0], $0xffff  }
0x8a: {  	v1 =	vld.idx.msk [tilespmem:v49+s6+$0x0], $0xffff;
	_ =	sdelay $0x1  }
0x8b: {  	v50 =	vld [tilespmem:$0x1FFE0];
	_ =	sdelay $0x1  }
0x8c: {  	v51 =	vld [tilespmem:$0x1FFF0]  }
0x8d: {  	v1 =	vsub.f32 v1, v0;
	_ =	sdelay $0x1  }
0x8e: {  	v2 =	vmul.f32 v50, v1;
	_ =	sdelay $0x1  }
0x8f: {  	v0 =	vadd.f32 v2, v0  }
0x90: {  	[tilespmem:$0x330] =	vst v1  }
0x91: {  	[tilespmem:$0x1B0] =	vst v0  }
0x92: {  	v0 =	vld.idx.msk [tilespmem:v51+s6+$0x0], $0xffff  }
0x93: {  	v1 =	vld.idx.msk [tilespmem:v13+s6+$0x0], $0xffff;
	_ =	sdelay $0x4  }
0x94: {  	v1 =	vsub.f32 v1, v0;
	_ =	sdelay $0x1  }
0x95: {  	v52 =	vmul.f32 v14, v1;
	_ =	sdelay $0x1  }
0x96: {  	v0 =	vadd.f32 v52, v0  }
0x97: {  	[tilespmem:$0x340] =	vst v1  }
0x98: {  	[tilespmem:$0x1C0] =	vst v0  }
0x99: {  	v0 =	vld.idx.msk [tilespmem:v15+s6+$0x0], $0xffff  }
0x9a: {  	v1 =	vld.idx.msk [tilespmem:v16+s6+$0x0], $0xffff;
	_ =	sdelay $0x4  }
0x9b: {  	v1 =	vsub.f32 v1, v0;
	_ =	sdelay $0x1  }
0x9c: {  	v53 =	vmul.f32 v17, v1;
	_ =	sdelay $0x1  }
0x9d: {  	v0 =	vadd.f32 v53, v0  }
0x9e: {  	[tilespmem:$0x350] =	vst v1  }
0x9f: {  	[tilespmem:$0x1D0] =	vst v0  }
0xa0: {  	v0 =	vld.idx.msk [tilespmem:v18+s6+$0x0], $0xffff  }
0xa1: {  	v1 =	vld.idx.msk [tilespmem:v19+s6+$0x0], $0xffff;
	_ =	sdelay $0x4  }
0xa2: {  	v1 =	vsub.f32 v1, v0;
	_ =	sdelay $0x1  }
0xa3: {  	v54 =	vmul.f32 v20, v1;
	_ =	sdelay $0x1  }
0xa4: {  	v0 =	vadd.f32 v54, v0  }
0xa5: {  	[tilespmem:$0x360] =	vst v1  }
0xa6: {  	[tilespmem:$0x1E0] =	vst v0  }
0xa7: {  	v0 =	vld.idx.msk [tilespmem:v21+s6+$0x0], $0xffff  }
0xa8: {  	v1 =	vld.idx.msk [tilespmem:v22+s6+$0x0], $0xffff;
	_ =	sdelay $0x4  }
0xa9: {  	v1 =	vsub.f32 v1, v0;
	_ =	sdelay $0x1  }
0xaa: {  	v55 =	vmul.f32 v23, v1;
	_ =	sdelay $0x1  }
0xab: {  	v0 =	vadd.f32 v55, v0  }
0xac: {  	[tilespmem:$0x370] =	vst v1  }
0xad: {  	[tilespmem:$0x1F0] =	vst v0  }
0xae: {  	v0 =	vld.idx.msk [tilespmem:v24+s6+$0x0], $0xffff  }
0xaf: {  	v1 =	vld.idx.msk [tilespmem:v25+s6+$0x0], $0xffff;
	_ =	sdelay $0x4  }
0xb0: {  	v1 =	vsub.f32 v1, v0;
	_ =	sdelay $0x1  }
0xb1: {  	v56 =	vmul.f32 v26, v1;
	_ =	sdelay $0x1  }
0xb2: {  	v0 =	vadd.f32 v56, v0  }
0xb3: {  	[tilespmem:$0x380] =	vst v1  }
0xb4: {  	[tilespmem:$0x200] =	vst v0  }
0xb5: {  	v0 =	vld.idx.msk [tilespmem:v27+s6+$0x0], $0xffff  }
0xb6: {  	v1 =	vld.idx.msk [tilespmem:v28+s6+$0x0], $0xffff;
	_ =	sdelay $0x4  }
0xb7: {  	v1 =	vsub.f32 v1, v0;
	_ =	sdelay $0x1  }
0xb8: {  	v57 =	vmul.f32 v29, v1;
	_ =	sdelay $0x1  }
0xb9: {  	v0 =	vadd.f32 v57, v0  }
0xba: {  	[tilespmem:$0x390] =	vst v1  }
0xbb: {  	[tilespmem:$0x210] =	vst v0  }
0xbc: {  	v0 =	vld.idx.msk [tilespmem:v30+s6+$0x0], $0xffff  }
0xbd: {  	v1 =	vld.idx.msk [tilespmem:v31+s6+$0x0], $0xffff;
	_ =	sdelay $0x4  }
0xbe: {  	v1 =	vsub.f32 v1, v0;
	_ =	sdelay $0x1  }
0xbf: {  	v58 =	vmul.f32 v32, v1;
	_ =	sdelay $0x1  }
0xc0: {  	v0 =	vadd.f32 v58, v0  }
0xc1: {  	[tilespmem:$0x3A0] =	vst v1  }
0xc2: {  	[tilespmem:$0x220] =	vst v0  }
0xc3: {  	v0 =	vld.idx.msk [tilespmem:v33+s6+$0x0], $0xffff  }
0xc4: {  	v1 =	vld.idx.msk [tilespmem:v34+s6+$0x0], $0xffff;
	_ =	sdelay $0x4  }
0xc5: {  	v1 =	vsub.f32 v1, v0;
	_ =	sdelay $0x1  }
0xc6: {  	v59 =	vmul.f32 v35, v1;
	_ =	sdelay $0x1  }
0xc7: {  	v0 =	vadd.f32 v59, v0  }
0xc8: {  	[tilespmem:$0x3B0] =	vst v1  }
0xc9: {  	[tilespmem:$0x230] =	vst v0  }
0xca: {  	v0 =	vld.idx.msk [tilespmem:v36+s6+$0x0], $0xffff  }
0xcb: {  	v1 =	vld.idx.msk [tilespmem:v37+s6+$0x0], $0xffff;
	_ =	sdelay $0x4  }
0xcc: {  	v1 =	vsub.f32 v1, v0;
	_ =	sdelay $0x1  }
0xcd: {  	v60 =	vmul.f32 v38, v1;
	_ =	sdelay $0x1  }
0xce: {  	v0 =	vadd.f32 v60, v0  }
0xcf: {  	[tilespmem:$0x3C0] =	vst v1  }
0xd0: {  	[tilespmem:$0x240] =	vst v0  }
0xd1: {  	v0 =	vld.idx.msk [tilespmem:v39+s6+$0x0], $0xffff  }
0xd2: {  	v1 =	vld.idx.msk [tilespmem:v40+s6+$0x0], $0xffff;
	_ =	sdelay $0x4  }
0xd3: {  	v1 =	vsub.f32 v1, v0;
	_ =	sdelay $0x1  }
0xd4: {  	v61 =	vmul.f32 v41, v1;
	_ =	sdelay $0x1  }
0xd5: {  	v0 =	vadd.f32 v61, v0  }
0xd6: {  	[tilespmem:$0x3D0] =	vst v1  }
0xd7: {  	[tilespmem:$0x250] =	vst v0  }
0xd8: {  	v0 =	vld.idx.msk [tilespmem:v42+s6+$0x0], $0xffff  }
0xd9: {  	v1 =	vld.idx.msk [tilespmem:v43+s6+$0x0], $0xffff;
	_ =	sdelay $0x4  }
0xda: {  	v1 =	vsub.f32 v1, v0;
	_ =	sdelay $0x1  }
0xdb: {  	v62 =	vmul.f32 v44, v1;
	_ =	sdelay $0x1  }
0xdc: {  	v0 =	vadd.f32 v62, v0  }
0xdd: {  	[tilespmem:$0x3E0] =	vst v1  }
0xde: {  	[tilespmem:$0x260] =	vst v0  }
0xdf: {  	v0 =	vld.idx.msk [tilespmem:v45+s6+$0x0], $0xffff  }
0xe0: {  	v1 =	vld.idx.msk [tilespmem:v46+s6+$0x0], $0xffff;
	_ =	sdelay $0x4  }
0xe1: {  	v1 =	vsub.f32 v1, v0;
	_ =	sdelay $0x1  }
0xe2: {  	v63 =	vmul.f32 v47, v1;
	_ =	sdelay $0x1  }
0xe3: {  	v0 =	vadd.f32 v63, v0  }
0xe4: {  	[tilespmem:$0x3F0] =	vst v1  }
0xe5: {  	s21 =	simm.s32 $0x480;
	s20 =	rddreg [dreg:$0x6];
	[tilespmem:$0x270] =	vst v0  }
0xe6: {  	[tilespmem:s21], [sflag:$0x1] =	stream.strided.gather [hbm4b:s20+s4], $0x800, s5, s4, $0x38;
	[tilespmem:$0x10480] =	vst v63  }
0xe7: {  	s9 =	simm.s32 $0xC80;
	s7 =	rddreg [dreg:$0x7]  }
0xe8: {  	[tilespmem:s9], [sflag:$0x1] =	stream.strided.gather [hbm4b:s7+s4], $0x800, s5, s4, $0x38;
	[tilespmem:$0x10480] =	vst v63  }
0xe9: {  	s11 =	simm.s32 $0x1480;
	s10 =	rddreg [dreg:$0xb]  }
0xea: {  	[tilespmem:s11], [sflag:$0x1] =	stream.strided.gather [hbm4b:s10+s4], $0x800, s5, s4, $0x38;
	[tilespmem:$0x10480] =	vst v63  }
0xeb: {  	s13 =	simm.s32 $0x1C80;
	s12 =	rddreg [dreg:$0xc]  }
0xec: {  	[tilespmem:s13], [sflag:$0x1] =	stream.strided.gather [hbm4b:s12+s4], $0x800, s5, s4, $0x38;
	[tilespmem:$0x10480] =	vst v63  }
0xed: {  	s15 =	simm.s32 $0x2480;
	s14 =	rddreg [dreg:$0xd]  }
0xee: {  	[tilespmem:s15], [sflag:$0x1] =	stream.strided.gather [hbm4b:s14+s4], $0x800, s5, s4, $0x38;
	[tilespmem:$0x10480] =	vst v63  }
0xef: {  	s17 =	simm.s32 $0x2C80;
	s16 =	rddreg [dreg:$0xf]  }
0xf0: {  	[tilespmem:s17], [sflag:$0x1] =	stream.strided.gather [hbm4b:s16+s4], $0x800, s5, s4, $0x38;
	[tilespmem:$0x10480] =	vst v63  }
0xf1: {  	s18 =	rddreg [dreg:$0x10];
	s19 =	simm.s32 $0x3480  }
0xf2: {  	[tilespmem:s19], [sflag:$0x1] =	stream.strided.gather [hbm4b:s18+s4], $0x800, s5, s4, $0x38;
	[tilespmem:$0x10480] =	vst v63  }
0xf3: {  	s20 =	rddreg [dreg:$0x11];
	s21 =	simm.s32 $0x3C80;
	s13 =	simm.s32 $0x0  }
0xf4: {  	[tilespmem:s21], [sflag:$0x1] =	stream.strided.gather [hbm4b:s20+s4], $0x800, s5, s4, $0x38;
	[tilespmem:$0x10480] =	vst v63  }
.LBB2_2:
0xf5: {  	s10 =	sshll.u32 s13, $0x4  }
0xf6: {  	s6 =	sor.u32 s10, s22  }
0xf7: {  	s11 =	sshll.u32 s6, $0x8  }
0xf8: {  	s14 =	sor.u32 $0x800, s11  }
0xf9: {  	s7 =	simm.s32 $0x4480;
	s15 =	sor.u32 $0x810, s11;
	s21 =	sadd.s32 s0, s14  }
0xfa: {  	[tilespmem:s7], [sflag:$0x2] =	stream.strided.gather [hbm4b:s21+s4], $0x800, s5, s4, $0x38;
	[tilespmem:$0x10480] =	vst v63  }
0xfb: {  	s12 =	simm.s32 $0x4C80;
	s19 =	sor.u32 $0x820, s11;
	s9 =	sadd.s32 s0, s15  }
0xfc: {  	[tilespmem:s12], [sflag:$0x2] =	stream.strided.gather [hbm4b:s9+s4], $0x800, s5, s4, $0x38;
	[tilespmem:$0x10480] =	vst v63  }
0xfd: {  	s17 =	simm.s32 $0x5480;
	s20 =	sor.u32 $0x830, s11;
	s16 =	sadd.s32 s0, s19  }
0xfe: {  	[tilespmem:s17], [sflag:$0x2] =	stream.strided.gather [hbm4b:s16+s4], $0x800, s5, s4, $0x38;
	[tilespmem:$0x10480] =	vst v63  }
0xff: {  	s18 =	sadd.s32 s0, s20;
	s21 =	simm.s32 $0x5C80  }
0x100: {  	[tilespmem:s21], [sflag:$0x2] =	stream.strided.gather [hbm4b:s18+s4], $0x800, s5, s4, $0x38;
	[tilespmem:$0x10480] =	vst v63  }
0x101: {  	s21 =	sor.u32 $0x840, s11  }
0x102: {  	s9 =	simm.s32 $0x6480;
	s7 =	sadd.s32 s0, s21  }
0x103: {  	[tilespmem:s9], [sflag:$0x2] =	stream.strided.gather [hbm4b:s7+s4], $0x800, s5, s4, $0x38;
	[tilespmem:$0x10480] =	vst v63  }
0x104: {  	s9 =	sor.u32 $0x850, s11  }
0x105: {  	s6 =	sor.u32 $0x860, s11;
	s16 =	simm.s32 $0x6C80;
	s12 =	sadd.s32 s0, s9  }
0x106: {  	[tilespmem:s16], [sflag:$0x2] =	stream.strided.gather [hbm4b:s12+s4], $0x800, s5, s4, $0x38;
	[tilespmem:$0x10480] =	vst v63  }
0x107: {  	s17 =	sadd.s32 s0, s6;
	s7 =	sor.u32 $0x870, s11;
	s12 =	simm.s32 $0x7480  }
0x108: {  	[tilespmem:s12], [sflag:$0x2] =	stream.strided.gather [hbm4b:s17+s4], $0x800, s5, s4, $0x38;
	[tilespmem:$0x10480] =	vst v63  }
0x109: {  	s18 =	sadd.s32 s0, s7;
	s16 =	simm.s32 $0x7C80  }
0x10a: {  	[tilespmem:s16], [sflag:$0x2] =	stream.strided.gather [hbm4b:s18+s4], $0x800, s5, s4, $0x38;
	[tilespmem:$0x10480] =	vst v63  }
0x10b: {  	_ =	swait.ge [sflag:s25], $0x800  }
0x10c: {  	[sflag:s25] =	ssyncset.done $0x0  }
0x10d: {  	[sflag:s25] =	ssyncadd.s32 $0xFFFFF800  }
0x10e: {  	_ =	swait.ge [sflag:s25], $0x800  }
0x10f: {  	[sflag:s25] =	ssyncset.done $0x0  }
0x110: {  	[sflag:s25] =	ssyncadd.s32 $0xFFFFF800  }
0x111: {  	_ =	swait.ge [sflag:s25], $0x800  }
0x112: {  	[sflag:s25] =	ssyncset.done $0x0  }
0x113: {  	[sflag:s25] =	ssyncadd.s32 $0xFFFFF800  }
0x114: {  	_ =	swait.ge [sflag:s25], $0x800  }
0x115: {  	[sflag:s25] =	ssyncset.done $0x0  }
0x116: {  	[sflag:s25] =	ssyncadd.s32 $0xFFFFF800  }
0x117: {  	_ =	swait.ge [sflag:s25], $0x800  }
0x118: {  	[sflag:s25] =	ssyncset.done $0x0  }
0x119: {  	[sflag:s25] =	ssyncadd.s32 $0xFFFFF800  }
0x11a: {  	_ =	swait.ge [sflag:s25], $0x800  }
0x11b: {  	[sflag:s25] =	ssyncset.done $0x0  }
0x11c: {  	[sflag:s25] =	ssyncadd.s32 $0xFFFFF800  }
0x11d: {  	_ =	swait.ge [sflag:s25], $0x800  }
0x11e: {  	[sflag:s25] =	ssyncset.done $0x0  }
0x11f: {  	[sflag:s25] =	ssyncadd.s32 $0xFFFFF800  }
0x120: {  	_ =	swait.ge [sflag:s25], $0x800  }
0x121: {  	p0 =	seq.s32 s13, $0x0;
	[sflag:s25] =	ssyncset.done $0x0  }
0x122: {  	s12 =	simm.s32 @!p0 $0x3;
	[sflag:s25] =	ssyncadd.s32 $0xFFFFF800  }
0x123: {  	_ =	swait.ge @!p0 [sflag:s12], $0x800  }
0x124: {  	[sflag:s12] =	ssyncset.done @!p0 $0x0  }
0x125: {  	[sflag:s12] =	ssyncadd.s32 @!p0 $0xFFFFF800  }
0x126: {  	_ =	swait.ge @!p0 [sflag:s12], $0x800  }
0x127: {  	[sflag:s12] =	ssyncset.done @!p0 $0x0  }
0x128: {  	[sflag:s12] =	ssyncadd.s32 @!p0 $0xFFFFF800  }
0x129: {  	_ =	swait.ge @!p0 [sflag:s12], $0x800  }
0x12a: {  	[sflag:s12] =	ssyncset.done @!p0 $0x0  }
0x12b: {  	[sflag:s12] =	ssyncadd.s32 @!p0 $0xFFFFF800  }
0x12c: {  	_ =	swait.ge @!p0 [sflag:s12], $0x800  }
0x12d: {  	[sflag:s12] =	ssyncset.done @!p0 $0x0  }
0x12e: {  	[sflag:s12] =	ssyncadd.s32 @!p0 $0xFFFFF800  }
0x12f: {  	_ =	swait.ge @!p0 [sflag:s12], $0x800  }
0x130: {  	[sflag:s12] =	ssyncset.done @!p0 $0x0  }
0x131: {  	[sflag:s12] =	ssyncadd.s32 @!p0 $0xFFFFF800  }
0x132: {  	_ =	swait.ge @!p0 [sflag:s12], $0x800  }
0x133: {  	[sflag:s12] =	ssyncset.done @!p0 $0x0  }
0x134: {  	[sflag:s12] =	ssyncadd.s32 @!p0 $0xFFFFF800  }
0x135: {  	_ =	swait.ge @!p0 [sflag:s12], $0x800  }
0x136: {  	[sflag:s12] =	ssyncset.done @!p0 $0x0  }
0x137: {  	[sflag:s12] =	ssyncadd.s32 @!p0 $0xFFFFF800  }
0x138: {  	_ =	swait.ge @!p0 [sflag:s12], $0x800  }
0x139: {  	[sflag:s12] =	ssyncset.done @!p0 $0x0  }
0x13a: {  	s16 =	simm.s32 $0x4A0;
	[sflag:s12] =	ssyncadd.s32 @!p0 $0xFFFFF800  }
0x13b: {  	v0 =	vld [tilespmem:s16+$0x10]  }
0x13c: {  	v1 =	vld [tilespmem:s16+$0xFFFFFFE0]  }
0x13d: {  	v2 =	vld [tilespmem:s16+$0xFFFFFFF0]  }
0x13e: {  	s17 =	simm.s32 $0x4E0;
	v3 =	vld [tilespmem:s16+$0x0]  }
0x13f: {  	v5 =	vld [tilespmem:s17+$0x10]  }
0x140: {  	v6 =	vld [tilespmem:s17+$0xFFFFFFF0]  }
0x141: {  	v50 =	vld [tilespmem:s17+$0xFFFFFFE0]  }
0x142: {  	v10 =	vld [tilespmem:s17+$0x0];
	_ =	sdelay $0x1  }
0x143: {  	v0 =	vmul.f32 $1.600000000e+01, v0;
	v1 =	vmul.f32 $1.600000000e+01, v1  }
0x144: {  	v2 =	vmul.f32 $1.600000000e+01, v2;
	v3 =	vmul.f32 $1.600000000e+01, v3  }
0x145: {  	v5 =	vmul.f32 $1.600000000e+01, v5;
	v6 =	vmul.f32 $1.600000000e+01, v6;
	v0 =	vadd.f32 $1.280000000e+02, v0  }
0x146: {  	v50 =	vmul.f32 $1.600000000e+01, v50;
	v9 =	vmul.f32 $1.600000000e+01, v10  }
0x147: {  	v1 =	vadd.f32 $1.280000000e+02, v1;
	v2 =	vadd.f32 $1.280000000e+02, v2;
	v0 =	vmax.f32 v0, $0.0e+00  }
0x148: {  	v3 =	vadd.f32 $1.280000000e+02, v3;
	v5 =	vadd.f32 $1.280000000e+02, v5;
	v0 =	vmin.f32 v0, $2.559999850e+02  }
0x149: {  	v6 =	vadd.f32 $1.280000000e+02, v6;
	v1 =	vmax.f32 v1, $0.0e+00;
	v4 =	vtrunc.f32 v0  }
0x14a: {  	v2 =	vmax.f32 v2, $0.0e+00;
	v1 =	vmin.f32 v1, $2.559999850e+02;
	v4 =	vcvt.f32.s32 v4  }
0x14b: {  	s18 =	simm.s32 $0x520;
	v3 =	vmax.f32 v3, $0.0e+00;
	v2 =	vmin.f32 v2, $2.559999850e+02;
	v48 =	vtrunc.f32 v1  }
0x14c: {  	v58 =	vld [tilespmem:s18+$0x10];
	v3 =	vmin.f32 v3, $2.559999850e+02;
	v49 =	vtrunc.f32 v2;
	v52 =	vcvt.f32.s32 v48  }
0x14d: {  	v7 =	vld [tilespmem:s18+$0x0];
	v51 =	vtrunc.f32 v3;
	v55 =	vcvt.f32.s32 v49  }
0x14e: {  	v8 =	vld [tilespmem:s18+$0xFFFFFFE0];
	v5 =	vmax.f32 v5, $0.0e+00;
	v6 =	vmax.f32 v6, $0.0e+00;
	v56 =	vcvt.f32.s32 v51  }
0x14f: {  	v50 =	vadd.f32 $1.280000000e+02, v50;
	v48 =	vmin.f32 v5, $2.559999850e+02;
	v51 =	vmin.f32 v6, $2.559999850e+02;
	v6 =	vld [tilespmem:s18+$0xFFFFFFF0]  }
0x150: {  	v10 =	vtrunc.f32 v48;
	v11 =	vld.idx.msk [tilespmem:v4+s3+$0x0], $0xffff  }
0x151: {  	v53 =	vadd.f32 $1.280000000e+02, v9;
	v50 =	vmax.f32 v50, $0.0e+00;
	v63 =	vcvt.f32.s32 v10;
	v4 =	vld.idx.msk [tilespmem:v4+s1+$0x0], $0xffff  }
0x152: {  	v50 =	vmin.f32 v50, $2.559999850e+02;
	v57 =	vld.idx.msk [tilespmem:v52+s3+$0x0], $0xffff  }
0x153: {  	v53 =	vmax.f32 v53, $0.0e+00;
	v54 =	vtrunc.f32 v50;
	v60 =	vtrunc.f32 v51;
	v5 =	vld.idx.msk [tilespmem:v55+s3+$0x0], $0xffff  }
0x154: {  	v49 =	vmin.f32 v53, $2.559999850e+02;
	v61 =	vcvt.f32.s32 v54;
	v60 =	vcvt.f32.s32 v60;
	v59 =	vld.idx.msk [tilespmem:v56+s3+$0x0], $0xffff  }
0x155: {  	v53 =	vld.idx.msk [tilespmem:v52+s1+$0x0], $0xffff;
	v0 =	vmul.f32 v0, v11;
	v11 =	vtrunc.f32 v49  }
0x156: {  	v58 =	vmul.f32 $1.600000000e+01, v58;
	v52 =	vld.idx.msk [tilespmem:v55+s1+$0x0], $0xffff;
	v54 =	vcvt.f32.s32 v11  }
0x157: {  	v62 =	vld.idx.msk [tilespmem:v63+s3+$0x0], $0xffff;
	v4 =	vadd.f32 v0, v4;
	v0 =	vmul.f32 $1.600000000e+01, v6  }
0x158: {  	v57 =	vmul.f32 v1, v57;
	v1 =	vmul.f32 $1.600000000e+01, v7;
	v6 =	vadd.f32 $1.280000000e+02, v58;
	v58 =	vld.idx.msk [tilespmem:v56+s1+$0x0], $0xffff  }
0x159: {  	v56 =	vmul.f32 v2, v5;
	v5 =	vmul.f32 $1.600000000e+01, v8;
	v2 =	vld.idx.msk [tilespmem:v63+s1+$0x0], $0xffff;
	v0 =	vadd.f32 $1.280000000e+02, v0  }
0x15a: {  	v55 =	vmul.f32 v3, v59;
	v1 =	vadd.f32 $1.280000000e+02, v1;
	v63 =	vld.idx.msk [tilespmem:v61+s3+$0x0], $0xffff;
	v3 =	vmax.f32 v6, $0.0e+00  }
0x15b: {  	s12 =	simm.s32 $0x84A0;
	v5 =	vadd.f32 $1.280000000e+02, v5;
	v3 =	vmin.f32 v3, $2.559999850e+02;
	v6 =	vmax.f32 v0, $0.0e+00;
	v0 =	vld.idx.msk [tilespmem:v60+s3+$0x0], $0xffff  }
0x15c: {  	s17 =	simm.s32 $0x8;
	s16 =	simm.s32 $0x84A0;
	s18 =	simm.s32 $0x560;
	[tilespmem:s12+$0x10] =	vst v4;
	v4 =	vmax.f32 v1, $0.0e+00;
	v59 =	vmin.f32 v6, $2.559999850e+02;
	v6 =	vtrunc.f32 v3;
	v1 =	vld.idx.msk [tilespmem:v54+s3+$0x0], $0xffff  }
.LBB2_3:
0x15d: {  	v7 =	vld [tilespmem:s18+$0x10];
	s17 =	sadd.s32 $0x4, s17;
	v5 =	vmax.f32 v5, $0.0e+00;
	v6 =	vcvt.f32.s32 v6;
	v8 =	vmul.f32 v48, v62;
	v48 =	vmovc v3  }
0x15e: {  	v62 =	vtrunc.f32 v59;
	v4 =	vmin.f32 v4, $2.559999850e+02;
	v3 =	vld [tilespmem:s18+$0xFFFFFFF0];
	p1 =	slt.u32 s17, $0x3FC;
	v5 =	vmin.f32 v5, $2.559999850e+02  }
0x15f: {  	v11 =	vtrunc.f32 v4;
	v9 =	vld [tilespmem:s18+$0x0];
	v10 =	vtrunc.f32 v5;
	v2 =	vadd.f32 v8, v2  }
0x160: {  	s12 =	sadd.s32 $0x40, s12;
	v12 =	vcvt.f32.s32 v62;
	v62 =	vadd.f32 v57, v53;
	v8 =	vld [tilespmem:s18+$0xFFFFFFE0];
	v10 =	vcvt.f32.s32 v10  }
0x161: {  	v11 =	vcvt.f32.s32 v11;
	v57 =	vmul.f32 v50, v63;
	v53 =	vld.idx.msk [tilespmem:v61+s1+$0x0], $0xffff;
	[tilespmem:s12+$0x10] =	vst v2;
	v2 =	vadd.f32 v56, v52  }
0x162: {  	v56 =	vmul.f32 v51, v0;
	v0 =	vadd.f32 v55, v58;
	v7 =	vmul.f32 $1.600000000e+01, v7;
	v52 =	vld.idx.msk [tilespmem:v60+s1+$0x0], $0xffff;
	[tilespmem:s16+$0xFFFFFFE0] =	vst v62  }
0x163: {  	v50 =	vmovc v5;
	v55 =	vmul.f32 v49, v1;
	v49 =	vmov v4;
	v3 =	vmul.f32 $1.600000000e+01, v3;
	v62 =	vld.idx.msk [tilespmem:v6+s3+$0x0], $0xffff;
	[tilespmem:s16+$0xFFFFFFF0] =	vst v2  }
.Ltmp0:
0x164: {  	v61 =	vmovc v10;
	v60 =	vmovc v12;
	v1 =	vmul.f32 $1.600000000e+01, v9;
	v4 =	vadd.f32 $1.280000000e+02, v7;
	v58 =	vld.idx.msk [tilespmem:v54+s1+$0x0], $0xffff;
	[tilespmem:s16+$0x0] =	vst v0;
	v54 =	vmov v11;
	s16 =	smov.u32 s12;
	(pc) =	sbr.rel @p1 .LBB2_3-.Ltmp0, $4  }
0x165: {  	v51 =	vmov v59;
	v0 =	vmul.f32 $1.600000000e+01, v8;
	v3 =	vadd.f32 $1.280000000e+02, v3;
	v2 =	vld.idx.msk [tilespmem:v6+s1+$0x0], $0xffff  }
0x166: {  	v1 =	vadd.f32 $1.280000000e+02, v1;
	v4 =	vmax.f32 v4, $0.0e+00;
	v63 =	vld.idx.msk [tilespmem:v10+s3+$0x0], $0xffff  }
0x167: {  	v5 =	vadd.f32 $1.280000000e+02, v0;
	v6 =	vmax.f32 v3, $0.0e+00;
	v3 =	vmin.f32 v4, $2.559999850e+02;
	v0 =	vld.idx.msk [tilespmem:v12+s3+$0x0], $0xffff  }
0x168: {  	s18 =	sadd.s32 $0x40, s18;
	v59 =	vmin.f32 v6, $2.559999850e+02;
	v4 =	vmax.f32 v1, $0.0e+00;
	v6 =	vtrunc.f32 v3;
	v1 =	vld.idx.msk [tilespmem:v11+s3+$0x0], $0xffff  }
0x169: {  	v6 =	vcvt.f32.s32 v6  }
0x16a: {  	v5 =	vmax.f32 v5, $0.0e+00  }
0x16b: {  	v8 =	vtrunc.f32 v59;
	v5 =	vmin.f32 v5, $2.559999850e+02  }
0x16c: {  	v4 =	vmin.f32 v4, $2.559999850e+02;
	v8 =	vcvt.f32.s32 v8;
	v7 =	vtrunc.f32 v5  }
0x16d: {  	v10 =	vld.idx.msk [tilespmem:v61+s1+$0x0], $0xffff;
	v9 =	vtrunc.f32 v4;
	v7 =	vcvt.f32.s32 v7  }
0x16e: {  	v11 =	vld.idx.msk [tilespmem:v60+s1+$0x0], $0xffff;
	v9 =	vcvt.f32.s32 v9  }
0x16f: {  	v12 =	vld.idx.msk [tilespmem:v6+s3+$0x0], $0xffff  }
0x170: {  	v48 =	vmul.f32 v48, v62;
	v54 =	vld.idx.msk [tilespmem:v54+s1+$0x0], $0xffff  }
0x171: {  	v6 =	vld.idx.msk [tilespmem:v6+s1+$0x0], $0xffff  }
0x172: {  	v2 =	vadd.f32 v48, v2;
	v62 =	vld.idx.msk [tilespmem:v8+s3+$0x0], $0xffff  }
0x173: {  	v53 =	vadd.f32 v57, v53;
	s12 =	sadd.s32 $0x40, s12;
	v0 =	vmul.f32 v51, v0;
	v61 =	vld.idx.msk [tilespmem:v7+s3+$0x0], $0xffff  }
0x174: {  	[tilespmem:s12+$0x10] =	vst v2;
	v2 =	vadd.f32 v56, v52;
	v56 =	vld.idx.msk [tilespmem:v9+s3+$0x0], $0xffff;
	v3 =	vmul.f32 v3, v12  }
0x175: {  	v58 =	vadd.f32 v55, v58;
	[tilespmem:s16+$0xFFFFFFE0] =	vst v53;
	v1 =	vmul.f32 v49, v1;
	v7 =	vld.idx.msk [tilespmem:v7+s1+$0x0], $0xffff  }
0x176: {  	v0 =	vadd.f32 v0, v11;
	[tilespmem:s16+$0xFFFFFFF0] =	vst v2;
	v2 =	vadd.f32 v3, v6;
	v3 =	vld.idx.msk [tilespmem:v8+s1+$0x0], $0xffff  }
0x177: {  	[tilespmem:s16+$0x0] =	vst v58;
	v12 =	vmul.f32 v50, v63;
	v8 =	vld.idx.msk [tilespmem:v9+s1+$0x0], $0xffff  }
0x178: {  	s18 =	sadd.s32 $0x40, s12;
	v1 =	vadd.f32 v1, v54;
	[tilespmem:s12+$0xFFFFFFF0] =	vst v0;
	v5 =	vmul.f32 v5, v61  }
0x179: {  	v6 =	vadd.f32 v12, v10;
	[tilespmem:s18+$0x10] =	vst v2;
	v2 =	vmul.f32 v59, v62  }
0x17a: {  	[tilespmem:s12+$0x0] =	vst v1;
	v4 =	vmul.f32 v4, v56;
	v0 =	vadd.f32 v5, v7  }
0x17b: {  	[tilespmem:s12+$0xFFFFFFE0] =	vst v6;
	v1 =	vadd.f32 v2, v3  }
0x17c: {  	[tilespmem:s18+$0xFFFFFFE0] =	vst v0;
	v0 =	vadd.f32 v4, v8  }
0x17d: {  	[tilespmem:s18+$0xFFFFFFF0] =	vst v1  }
0x17e: {  	s17 =	sadd.s32 s2, s11;
	[tilespmem:s18+$0x0] =	vst v0;
	s18 =	simm.s32 $0x8480  }
0x17f: {  	[hbm4b:s17+s4] =	stream.strided.scatter [tilespmem:s18], [sflag:$0x3], $0x800, s5, s4, $0x38;
	[tilespmem:$0x10480] =	vst v63  }
0x180: {  	s17 =	rddreg [dreg:$0x12]  }
0x181: {  	s18 =	simm.s32 $0x8C80;
	s12 =	sadd.s32 s11, s17;
	s17 =	rddreg [dreg:$0x13]  }
0x182: {  	[hbm4b:s12+s4] =	stream.strided.scatter [tilespmem:s18], [sflag:$0x3], $0x800, s5, s4, $0x38;
	[tilespmem:$0x10480] =	vst v63  }
0x183: {  	s12 =	sadd.s32 s11, s17;
	s18 =	simm.s32 $0x9480;
	s17 =	rddreg [dreg:$0x14]  }
0x184: {  	[hbm4b:s12+s4] =	stream.strided.scatter [tilespmem:s18], [sflag:$0x3], $0x800, s5, s4, $0x38;
	[tilespmem:$0x10480] =	vst v63  }
0x185: {  	s12 =	sadd.s32 s11, s17;
	s18 =	simm.s32 $0x9C80  }
0x186: {  	[hbm4b:s12+s4] =	stream.strided.scatter [tilespmem:s18], [sflag:$0x3], $0x800, s5, s4, $0x38;
	[tilespmem:$0x10480] =	vst v63  }
0x187: {  	p1 =	seq.s32 s13, $0x1F;
	s17 =	sadd.s32 s11, s26;
	s18 =	simm.s32 $0xA480  }
0x188: {  	[hbm4b:s17+s4] =	stream.strided.scatter [tilespmem:s18], [sflag:$0x3], $0x800, s5, s4, $0x38;
	[tilespmem:$0x10480] =	vst v63  }
0x189: {  	s10 =	sadd.s32 @!p1 s10, s31;
	s17 =	sadd.s32 s11, s28;
	s18 =	simm.s32 $0xAC80  }
0x18a: {  	[hbm4b:s17+s4] =	stream.strided.scatter [tilespmem:s18], [sflag:$0x3], $0x800, s5, s4, $0x38;
	[tilespmem:$0x10480] =	vst v63  }
0x18b: {  	s10 =	sshll.u32 @!p1 s10, $0x8;
	s17 =	sadd.s32 s11, s29;
	s18 =	simm.s32 $0xB480  }
0x18c: {  	[hbm4b:s17+s4] =	stream.strided.scatter [tilespmem:s18], [sflag:$0x3], $0x800, s5, s4, $0x38;
	[tilespmem:$0x10480] =	vst v63  }
0x18d: {  	s16 =	simm.s32 @!p1 $0x400;
	s17 =	sadd.s32 s11, s30;
	s18 =	simm.s32 $0xBC80  }
0x18e: {  	[hbm4b:s17+s4] =	stream.strided.scatter [tilespmem:s18], [sflag:$0x3], $0x800, s5, s4, $0x38;
	[tilespmem:$0x10480] =	vst v63  }
0x18f: {  	s12 =	simm.s32 @!p1 $0x80;
	s11 =	sadd.s32 @!p1 s0, s10;
	s17 =	simm.s32 @!p1 $0x480  }
0x190: {  	[tilespmem:s17], [sflag:$0x1] =	stream.strided.gather @!p1 [hbm4b:s11+s12], $0x800, s16, s12, $0x38;
	[tilespmem:$0x10480] =	vst v63  }
0x191: {  	s11 =	rddreg [dreg:$0x5]  }
0x192: {  	s17 =	simm.s32 @!p1 $0xC80;
	s11 =	sadd.s32 @!p1 s10, s11  }
0x193: {  	[tilespmem:s17], [sflag:$0x1] =	stream.strided.gather @!p1 [hbm4b:s11+s12], $0x800, s16, s12, $0x38;
	[tilespmem:$0x10480] =	vst v63  }
0x194: {  	s11 =	rddreg [dreg:$0x8]  }
0x195: {  	s17 =	simm.s32 @!p1 $0x1480;
	s11 =	sadd.s32 @!p1 s10, s11  }
0x196: {  	[tilespmem:s17], [sflag:$0x1] =	stream.strided.gather @!p1 [hbm4b:s11+s12], $0x800, s16, s12, $0x38;
	[tilespmem:$0x10480] =	vst v63  }
0x197: {  	s11 =	rddreg [dreg:$0x9]  }
0x198: {  	s17 =	simm.s32 @!p1 $0x1C80;
	s11 =	sadd.s32 @!p1 s10, s11  }
0x199: {  	[tilespmem:s17], [sflag:$0x1] =	stream.strided.gather @!p1 [hbm4b:s11+s12], $0x800, s16, s12, $0x38;
	[tilespmem:$0x10480] =	vst v63  }
0x19a: {  	s11 =	rddreg [dreg:$0xa]  }
0x19b: {  	s17 =	simm.s32 @!p1 $0x2480;
	s11 =	sadd.s32 @!p1 s10, s11  }
0x19c: {  	[tilespmem:s17], [sflag:$0x1] =	stream.strided.gather @!p1 [hbm4b:s11+s12], $0x800, s16, s12, $0x38;
	[tilespmem:$0x10480] =	vst v63  }
0x19d: {  	s11 =	rddreg [dreg:$0xe]  }
0x19e: {  	s17 =	simm.s32 @!p1 $0x2C80;
	s11 =	sadd.s32 @!p1 s10, s11  }
0x19f: {  	[tilespmem:s17], [sflag:$0x1] =	stream.strided.gather @!p1 [hbm4b:s11+s12], $0x800, s16, s12, $0x38;
	[tilespmem:$0x10480] =	vst v63  }
0x1a0: {  	s11 =	sadd.s32 @!p1 s10, s24;
	s17 =	simm.s32 @!p1 $0x3480  }
0x1a1: {  	[tilespmem:s17], [sflag:$0x1] =	stream.strided.gather @!p1 [hbm4b:s11+s12], $0x800, s16, s12, $0x38;
	[tilespmem:$0x10480] =	vst v63  }
0x1a2: {  	s10 =	sadd.s32 @!p1 s10, s23;
	s11 =	simm.s32 @!p1 $0x3C80  }
0x1a3: {  	[tilespmem:s11], [sflag:$0x1] =	stream.strided.gather @!p1 [hbm4b:s10+s12], $0x800, s16, s12, $0x38;
	[tilespmem:$0x10480] =	vst v63  }
0x1a4: {  	_ =	swait.ge [sflag:s8], $0x800  }
0x1a5: {  	[sflag:s8] =	ssyncset.done $0x0  }
0x1a6: {  	[sflag:s8] =	ssyncadd.s32 $0xFFFFF800  }
0x1a7: {  	_ =	swait.ge [sflag:s8], $0x800  }
0x1a8: {  	[sflag:s8] =	ssyncset.done $0x0  }
0x1a9: {  	[sflag:s8] =	ssyncadd.s32 $0xFFFFF800  }
0x1aa: {  	_ =	swait.ge [sflag:s8], $0x800  }
0x1ab: {  	[sflag:s8] =	ssyncset.done $0x0  }
0x1ac: {  	[sflag:s8] =	ssyncadd.s32 $0xFFFFF800  }
0x1ad: {  	_ =	swait.ge [sflag:s8], $0x800  }
0x1ae: {  	[sflag:s8] =	ssyncset.done $0x0  }
0x1af: {  	[sflag:s8] =	ssyncadd.s32 $0xFFFFF800  }
0x1b0: {  	_ =	swait.ge [sflag:s8], $0x800  }
0x1b1: {  	[sflag:s8] =	ssyncset.done $0x0  }
0x1b2: {  	[sflag:s8] =	ssyncadd.s32 $0xFFFFF800  }
0x1b3: {  	_ =	swait.ge [sflag:s8], $0x800  }
0x1b4: {  	[sflag:s8] =	ssyncset.done $0x0  }
0x1b5: {  	[sflag:s8] =	ssyncadd.s32 $0xFFFFF800  }
0x1b6: {  	_ =	swait.ge [sflag:s8], $0x800  }
0x1b7: {  	[sflag:s8] =	ssyncset.done $0x0  }
0x1b8: {  	[sflag:s8] =	ssyncadd.s32 $0xFFFFF800  }
0x1b9: {  	_ =	swait.ge [sflag:s8], $0x800  }
0x1ba: {  	[sflag:s8] =	ssyncset.done $0x0  }
0x1bb: {  	s10 =	simm.s32 @!p0 $0x4;
	[sflag:s8] =	ssyncadd.s32 $0xFFFFF800  }
0x1bc: {  	_ =	swait.ge @!p0 [sflag:s10], $0x800  }
0x1bd: {  	[sflag:s10] =	ssyncset.done @!p0 $0x0  }
0x1be: {  	[sflag:s10] =	ssyncadd.s32 @!p0 $0xFFFFF800  }
0x1bf: {  	_ =	swait.ge @!p0 [sflag:s10], $0x800  }
0x1c0: {  	[sflag:s10] =	ssyncset.done @!p0 $0x0  }
0x1c1: {  	[sflag:s10] =	ssyncadd.s32 @!p0 $0xFFFFF800  }
0x1c2: {  	_ =	swait.ge @!p0 [sflag:s10], $0x800  }
0x1c3: {  	[sflag:s10] =	ssyncset.done @!p0 $0x0  }
0x1c4: {  	[sflag:s10] =	ssyncadd.s32 @!p0 $0xFFFFF800  }
0x1c5: {  	_ =	swait.ge @!p0 [sflag:s10], $0x800  }
0x1c6: {  	[sflag:s10] =	ssyncset.done @!p0 $0x0  }
0x1c7: {  	[sflag:s10] =	ssyncadd.s32 @!p0 $0xFFFFF800  }
0x1c8: {  	_ =	swait.ge @!p0 [sflag:s10], $0x800  }
0x1c9: {  	[sflag:s10] =	ssyncset.done @!p0 $0x0  }
0x1ca: {  	[sflag:s10] =	ssyncadd.s32 @!p0 $0xFFFFF800  }
0x1cb: {  	_ =	swait.ge @!p0 [sflag:s10], $0x800  }
0x1cc: {  	[sflag:s10] =	ssyncset.done @!p0 $0x0  }
0x1cd: {  	[sflag:s10] =	ssyncadd.s32 @!p0 $0xFFFFF800  }
0x1ce: {  	_ =	swait.ge @!p0 [sflag:s10], $0x800  }
0x1cf: {  	[sflag:s10] =	ssyncset.done @!p0 $0x0  }
0x1d0: {  	[sflag:s10] =	ssyncadd.s32 @!p0 $0xFFFFF800  }
0x1d1: {  	_ =	swait.ge @!p0 [sflag:s10], $0x800  }
0x1d2: {  	[sflag:s10] =	ssyncset.done @!p0 $0x0  }
0x1d3: {  	s16 =	simm.s32 $0x44A0;
	[sflag:s10] =	ssyncadd.s32 @!p0 $0xFFFFF800  }
0x1d4: {  	v0 =	vld [tilespmem:s16+$0x10]  }
0x1d5: {  	v1 =	vld [tilespmem:s16+$0xFFFFFFE0]  }
0x1d6: {  	v2 =	vld [tilespmem:s16+$0xFFFFFFF0]  }
0x1d7: {  	s17 =	simm.s32 $0x44E0;
	v3 =	vld [tilespmem:s16+$0x0]  }
0x1d8: {  	v5 =	vld [tilespmem:s17+$0x10]  }
0x1d9: {  	v6 =	vld [tilespmem:s17+$0xFFFFFFF0]  }
0x1da: {  	v60 =	vld [tilespmem:s17+$0xFFFFFFE0]  }
0x1db: {  	v61 =	vld [tilespmem:s17+$0x0]  }
0x1dc: {  	v0 =	vmul.f32 $1.600000000e+01, v0  }
0x1dd: {  	v1 =	vmul.f32 $1.600000000e+01, v1  }
0x1de: {  	v2 =	vmul.f32 $1.600000000e+01, v2;
	v3 =	vmul.f32 $1.600000000e+01, v3;
	v0 =	vadd.f32 $1.280000000e+02, v0  }
0x1df: {  	v5 =	vmul.f32 $1.600000000e+01, v5;
	v6 =	vmul.f32 $1.600000000e+01, v6  }
0x1e0: {  	v9 =	vmul.f32 $1.600000000e+01, v60;
	v10 =	vmul.f32 $1.600000000e+01, v61;
	v0 =	vmax.f32 v0, $0.0e+00  }
0x1e1: {  	v1 =	vadd.f32 $1.280000000e+02, v1;
	v2 =	vadd.f32 $1.280000000e+02, v2;
	v0 =	vmin.f32 v0, $2.559999850e+02  }
0x1e2: {  	v3 =	vadd.f32 $1.280000000e+02, v3;
	v5 =	vadd.f32 $1.280000000e+02, v5;
	v4 =	vtrunc.f32 v0  }
0x1e3: {  	v6 =	vadd.f32 $1.280000000e+02, v6;
	v1 =	vmax.f32 v1, $0.0e+00;
	v4 =	vcvt.f32.s32 v4  }
0x1e4: {  	v9 =	vadd.f32 $1.280000000e+02, v9;
	v10 =	vadd.f32 $1.280000000e+02, v10;
	v1 =	vmin.f32 v1, $2.559999850e+02  }
0x1e5: {  	s18 =	simm.s32 $0x4520;
	v2 =	vmax.f32 v2, $0.0e+00;
	v3 =	vmax.f32 v3, $0.0e+00;
	v7 =	vtrunc.f32 v1  }
0x1e6: {  	v52 =	vld [tilespmem:s18+$0x10];
	v6 =	vmax.f32 v6, $0.0e+00;
	v2 =	vmin.f32 v2, $2.559999850e+02;
	v7 =	vcvt.f32.s32 v7  }
0x1e7: {  	v57 =	vmax.f32 v10, $0.0e+00;
	v10 =	vld [tilespmem:s18+$0x0];
	v3 =	vmin.f32 v3, $2.559999850e+02;
	v8 =	vtrunc.f32 v2  }
0x1e8: {  	v51 =	vmin.f32 v6, $2.559999850e+02;
	v6 =	vld [tilespmem:s18+$0xFFFFFFF0];
	v62 =	vtrunc.f32 v3;
	v8 =	vcvt.f32.s32 v8  }
0x1e9: {  	v5 =	vmax.f32 v5, $0.0e+00;
	v9 =	vmax.f32 v9, $0.0e+00;
	v11 =	vcvt.f32.s32 v62;
	v12 =	vld.idx.msk [tilespmem:v4+s3+$0x0], $0xffff  }
0x1ea: {  	v48 =	vmin.f32 v5, $2.559999850e+02;
	v50 =	vmin.f32 v9, $2.559999850e+02;
	v9 =	vld [tilespmem:s18+$0xFFFFFFE0]  }
0x1eb: {  	v63 =	vtrunc.f32 v48;
	v4 =	vld.idx.msk [tilespmem:v4+s1+$0x0], $0xffff  }
0x1ec: {  	v58 =	vtrunc.f32 v51;
	v62 =	vcvt.f32.s32 v63;
	v55 =	vld.idx.msk [tilespmem:v7+s3+$0x0], $0xffff  }
0x1ed: {  	v60 =	vcvt.f32.s32 v58;
	v53 =	vld.idx.msk [tilespmem:v7+s1+$0x0], $0xffff;
	v7 =	vmul.f32 $1.600000000e+01, v52  }
0x1ee: {  	v49 =	vmin.f32 v57, $2.559999850e+02;
	v5 =	vld.idx.msk [tilespmem:v8+s3+$0x0], $0xffff;
	v0 =	vmul.f32 v0, v12;
	v12 =	vtrunc.f32 v50  }
0x1ef: {  	v59 =	vld.idx.msk [tilespmem:v11+s3+$0x0], $0xffff;
	v61 =	vcvt.f32.s32 v12;
	v12 =	vtrunc.f32 v49  }
0x1f0: {  	v52 =	vld.idx.msk [tilespmem:v8+s1+$0x0], $0xffff;
	v54 =	vcvt.f32.s32 v12  }
0x1f1: {  	v6 =	vmul.f32 $1.600000000e+01, v6;
	v58 =	vld.idx.msk [tilespmem:v11+s1+$0x0], $0xffff;
	v7 =	vadd.f32 $1.280000000e+02, v7  }
0x1f2: {  	v57 =	vmul.f32 v1, v55;
	v1 =	vmul.f32 $1.600000000e+01, v10;
	v4 =	vadd.f32 v0, v4;
	v0 =	vld.idx.msk [tilespmem:v62+s3+$0x0], $0xffff  }
0x1f3: {  	v6 =	vadd.f32 $1.280000000e+02, v6;
	v63 =	vld.idx.msk [tilespmem:v60+s3+$0x0], $0xffff;
	v56 =	vmul.f32 v2, v5;
	v5 =	vmul.f32 $1.600000000e+01, v9  }
0x1f4: {  	v2 =	vld.idx.msk [tilespmem:v62+s1+$0x0], $0xffff;
	v55 =	vmul.f32 v3, v59;
	v3 =	vmax.f32 v7, $0.0e+00;
	v1 =	vadd.f32 $1.280000000e+02, v1  }
0x1f5: {  	s10 =	simm.s32 $0xC4A0;
	v6 =	vmax.f32 v6, $0.0e+00;
	v3 =	vmin.f32 v3, $2.559999850e+02;
	v5 =	vadd.f32 $1.280000000e+02, v5;
	v62 =	vld.idx.msk [tilespmem:v61+s3+$0x0], $0xffff  }
0x1f6: {  	s12 =	simm.s32 $0x8;
	s11 =	simm.s32 $0xC4A0;
	s16 =	simm.s32 $0x4560;
	v59 =	vmin.f32 v6, $2.559999850e+02;
	v6 =	vtrunc.f32 v3;
	[tilespmem:s10+$0x10] =	vst v4;
	v4 =	vmax.f32 v1, $0.0e+00;
	v1 =	vld.idx.msk [tilespmem:v54+s3+$0x0], $0xffff  }
.LBB2_5:
0x1f7: {  	v7 =	vld [tilespmem:s16+$0x10];
	s12 =	sadd.s32 $0x4, s12;
	v5 =	vmax.f32 v5, $0.0e+00;
	v6 =	vcvt.f32.s32 v6;
	v0 =	vmul.f32 v48, v0;
	v48 =	vmovc v3  }
0x1f8: {  	v8 =	vtrunc.f32 v59;
	v4 =	vmin.f32 v4, $2.559999850e+02;
	v3 =	vld [tilespmem:s16+$0xFFFFFFF0];
	p0 =	slt.u32 s12, $0x3FC;
	v5 =	vmin.f32 v5, $2.559999850e+02  }
0x1f9: {  	v11 =	vtrunc.f32 v4;
	v9 =	vld [tilespmem:s16+$0x0];
	v10 =	vtrunc.f32 v5;
	v0 =	vadd.f32 v0, v2  }
0x1fa: {  	v12 =	vadd.f32 v57, v53;
	s10 =	sadd.s32 $0x40, s10;
	v8 =	vcvt.f32.s32 v8;
	v2 =	vld [tilespmem:s16+$0xFFFFFFE0];
	v10 =	vcvt.f32.s32 v10  }
0x1fb: {  	v11 =	vcvt.f32.s32 v11;
	v57 =	vmul.f32 v50, v62;
	v62 =	vadd.f32 v56, v52;
	v53 =	vld.idx.msk [tilespmem:v61+s1+$0x0], $0xffff;
	[tilespmem:s10+$0x10] =	vst v0  }
0x1fc: {  	v56 =	vmul.f32 v51, v63;
	v7 =	vmul.f32 $1.600000000e+01, v7;
	v52 =	vld.idx.msk [tilespmem:v60+s1+$0x0], $0xffff;
	[tilespmem:s11+$0xFFFFFFE0] =	vst v12;
	v12 =	vadd.f32 v55, v58  }
0x1fd: {  	v50 =	vmovc v5;
	v55 =	vmul.f32 v49, v1;
	v49 =	vmov v4;
	v3 =	vmul.f32 $1.600000000e+01, v3;
	v0 =	vld.idx.msk [tilespmem:v6+s3+$0x0], $0xffff;
	[tilespmem:s11+$0xFFFFFFF0] =	vst v62  }
.Ltmp1:
0x1fe: {  	v61 =	vmovc v10;
	v60 =	vmovc v8;
	v1 =	vmul.f32 $1.600000000e+01, v9;
	v4 =	vadd.f32 $1.280000000e+02, v7;
	v58 =	vld.idx.msk [tilespmem:v54+s1+$0x0], $0xffff;
	[tilespmem:s11+$0x0] =	vst v12;
	v54 =	vmov v11;
	s11 =	smov.u32 s10;
	(pc) =	sbr.rel @p0 .LBB2_5-.Ltmp1, $4  }
0x1ff: {  	v51 =	vmov v59;
	v5 =	vmul.f32 $1.600000000e+01, v2;
	v3 =	vadd.f32 $1.280000000e+02, v3;
	v2 =	vld.idx.msk [tilespmem:v6+s1+$0x0], $0xffff  }
0x200: {  	v1 =	vadd.f32 $1.280000000e+02, v1;
	v4 =	vmax.f32 v4, $0.0e+00;
	v62 =	vld.idx.msk [tilespmem:v10+s3+$0x0], $0xffff  }
0x201: {  	v5 =	vadd.f32 $1.280000000e+02, v5;
	v6 =	vmax.f32 v3, $0.0e+00;
	v3 =	vmin.f32 v4, $2.559999850e+02;
	v63 =	vld.idx.msk [tilespmem:v8+s3+$0x0], $0xffff  }
0x202: {  	s16 =	sadd.s32 $0x40, s16;
	v59 =	vmin.f32 v6, $2.559999850e+02;
	v4 =	vmax.f32 v1, $0.0e+00;
	v6 =	vtrunc.f32 v3;
	v1 =	vld.idx.msk [tilespmem:v11+s3+$0x0], $0xffff  }
0x203: {  	_ = 	snop  }
0x204: {  	v6 =	vcvt.f32.s32 v6  }
0x205: {  	v5 =	vmax.f32 v5, $0.0e+00;
	v8 =	vtrunc.f32 v59;
	v4 =	vmin.f32 v4, $2.559999850e+02  }
0x206: {  	v5 =	vmin.f32 v5, $2.559999850e+02;
	v9 =	vtrunc.f32 v4;
	v8 =	vcvt.f32.s32 v8  }
0x207: {  	v10 =	vld.idx.msk [tilespmem:v61+s1+$0x0], $0xffff;
	v7 =	vtrunc.f32 v5;
	v9 =	vcvt.f32.s32 v9  }
0x208: {  	v11 =	vld.idx.msk [tilespmem:v60+s1+$0x0], $0xffff;
	v7 =	vcvt.f32.s32 v7  }
0x209: {  	v0 =	vmul.f32 v48, v0;
	v48 =	vld.idx.msk [tilespmem:v54+s1+$0x0], $0xffff  }
0x20a: {  	v12 =	vld.idx.msk [tilespmem:v6+s3+$0x0], $0xffff  }
0x20b: {  	v53 =	vadd.f32 v57, v53;
	v6 =	vld.idx.msk [tilespmem:v6+s1+$0x0], $0xffff  }
0x20c: {  	v60 =	vadd.f32 v56, v52;
	v54 =	vld.idx.msk [tilespmem:v8+s3+$0x0], $0xffff  }
0x20d: {  	v0 =	vadd.f32 v0, v2;
	[tilespmem:s11+$0xFFFFFFE0] =	vst v53;
	v1 =	vmul.f32 v49, v1;
	v61 =	vld.idx.msk [tilespmem:v9+s3+$0x0], $0xffff  }
0x20e: {  	s10 =	sadd.s32 $0x40, s10;
	[tilespmem:s11+$0xFFFFFFF0] =	vst v60;
	v2 =	vld.idx.msk [tilespmem:v7+s3+$0x0], $0xffff  }
0x20f: {  	v51 =	vmul.f32 v51, v63;
	[tilespmem:s10+$0x10] =	vst v0;
	v1 =	vadd.f32 v1, v48;
	v57 =	vld.idx.msk [tilespmem:v9+s1+$0x0], $0xffff  }
0x210: {  	v7 =	vld.idx.msk [tilespmem:v7+s1+$0x0], $0xffff;
	v3 =	vmul.f32 v3, v12;
	v12 =	vmul.f32 v50, v62;
	v62 =	vadd.f32 v55, v58  }
0x211: {  	[tilespmem:s10+$0x0] =	vst v1;
	v55 =	vld.idx.msk [tilespmem:v8+s1+$0x0], $0xffff;
	v58 =	vadd.f32 v51, v11  }
0x212: {  	v53 =	vadd.f32 v3, v6;
	[tilespmem:s11+$0x0] =	vst v62;
	v4 =	vmul.f32 v4, v61  }
0x213: {  	s12 =	sadd.s32 $0x40, s10;
	v56 =	vadd.f32 v12, v10;
	[tilespmem:s10+$0xFFFFFFF0] =	vst v58;
	v2 =	vmul.f32 v5, v2  }
0x214: {  	v60 =	vmul.f32 v59, v54;
	[tilespmem:s12+$0x10] =	vst v53;
	v63 =	vadd.f32 v4, v57  }
0x215: {  	[tilespmem:s10+$0xFFFFFFE0] =	vst v56;
	v61 =	vadd.f32 v2, v7  }
0x216: {  	v62 =	vadd.f32 v60, v55;
	[tilespmem:s12+$0x0] =	vst v63  }
0x217: {  	[tilespmem:s12+$0xFFFFFFE0] =	vst v61  }
0x218: {  	s14 =	sadd.s32 s2, s14;
	s16 =	simm.s32 $0xC480;
	[tilespmem:s12+$0xFFFFFFF0] =	vst v62  }
0x219: {  	[hbm4b:s14+s4] =	stream.strided.scatter [tilespmem:s16], [sflag:$0x4], $0x800, s5, s4, $0x38;
	[tilespmem:$0x10480] =	vst v63  }
0x21a: {  	s17 =	sadd.s32 s2, s15;
	s18 =	simm.s32 $0xCC80  }
0x21b: {  	[hbm4b:s17+s4] =	stream.strided.scatter [tilespmem:s18], [sflag:$0x4], $0x800, s5, s4, $0x38;
	[tilespmem:$0x10480] =	vst v63  }
0x21c: {  	s11 =	sadd.s32 s2, s19;
	s12 =	simm.s32 $0xD480  }
0x21d: {  	[hbm4b:s11+s4] =	stream.strided.scatter [tilespmem:s12], [sflag:$0x4], $0x800, s5, s4, $0x38;
	[tilespmem:$0x10480] =	vst v63  }
0x21e: {  	s15 =	simm.s32 $0xDC80;
	s14 =	sadd.s32 s2, s20  }
0x21f: {  	[hbm4b:s14+s4] =	stream.strided.scatter [tilespmem:s15], [sflag:$0x4], $0x800, s5, s4, $0x38;
	[tilespmem:$0x10480] =	vst v63  }
0x220: {  	s13 =	sadd.s32 $0x1, s13;
	s16 =	sadd.s32 s2, s21;
	s17 =	simm.s32 $0xE480  }
0x221: {  	[hbm4b:s16+s4] =	stream.strided.scatter [tilespmem:s17], [sflag:$0x4], $0x800, s5, s4, $0x38;
	[tilespmem:$0x10480] =	vst v63  }
0x222: {  	s9 =	sadd.s32 s2, s9;
	p0 =	sne.s32 s13, $0x20;
	s18 =	simm.s32 $0xEC80  }
0x223: {  	[hbm4b:s9+s4] =	stream.strided.scatter [tilespmem:s18], [sflag:$0x4], $0x800, s5, s4, $0x38;
	[tilespmem:$0x10480] =	vst v63  }
.Ltmp2:
0x224: {  	_ = 	snop;
	(pc) =	sbr.rel @p0 .LBB2_2-.Ltmp2, $4  }
0x225: {  	s6 =	sadd.s32 s2, s6;
	s19 =	simm.s32 $0xF480  }
0x226: {  	[hbm4b:s6+s4] =	stream.strided.scatter [tilespmem:s19], [sflag:$0x4], $0x800, s5, s4, $0x38;
	[tilespmem:$0x10480] =	vst v63  }
0x227: {  	s20 =	sadd.s32 s2, s7;
	s21 =	simm.s32 $0xFC80  }
0x228: {  	[hbm4b:s20+s4] =	stream.strided.scatter [tilespmem:s21], [sflag:$0x4], $0x800, s5, s4, $0x38;
	[tilespmem:$0x10480] =	vst v63  }
0x229: {  	s6 =	simm.s32 $0x3  }
0x22a: {  	_ =	swait.ge [sflag:s6], $0x800  }
0x22b: {  	[sflag:s6] =	ssyncset.done $0x0  }
0x22c: {  	[sflag:s6] =	ssyncadd.s32 $0xFFFFF800  }
0x22d: {  	_ =	swait.ge [sflag:s6], $0x800  }
0x22e: {  	[sflag:s6] =	ssyncset.done $0x0  }
0x22f: {  	[sflag:s6] =	ssyncadd.s32 $0xFFFFF800  }
0x230: {  	_ =	swait.ge [sflag:s6], $0x800  }
0x231: {  	[sflag:s6] =	ssyncset.done $0x0  }
0x232: {  	[sflag:s6] =	ssyncadd.s32 $0xFFFFF800  }
0x233: {  	_ =	swait.ge [sflag:s6], $0x800  }
0x234: {  	[sflag:s6] =	ssyncset.done $0x0  }
0x235: {  	[sflag:s6] =	ssyncadd.s32 $0xFFFFF800  }
0x236: {  	_ =	swait.ge [sflag:s6], $0x800  }
0x237: {  	[sflag:s6] =	ssyncset.done $0x0  }
0x238: {  	[sflag:s6] =	ssyncadd.s32 $0xFFFFF800  }
0x239: {  	_ =	swait.ge [sflag:s6], $0x800  }
0x23a: {  	[sflag:s6] =	ssyncset.done $0x0  }
0x23b: {  	[sflag:s6] =	ssyncadd.s32 $0xFFFFF800  }
0x23c: {  	_ =	swait.ge [sflag:s6], $0x800  }
0x23d: {  	[sflag:s6] =	ssyncset.done $0x0  }
0x23e: {  	[sflag:s6] =	ssyncadd.s32 $0xFFFFF800  }
0x23f: {  	_ =	swait.ge [sflag:s6], $0x800  }
0x240: {  	[sflag:s6] =	ssyncset.done $0x0  }
0x241: {  	s7 =	simm.s32 $0x4;
	[sflag:s6] =	ssyncadd.s32 $0xFFFFF800  }
0x242: {  	_ =	swait.ge [sflag:s7], $0x800  }
0x243: {  	[sflag:s7] =	ssyncset.done $0x0  }
0x244: {  	[sflag:s7] =	ssyncadd.s32 $0xFFFFF800  }
0x245: {  	_ =	swait.ge [sflag:s7], $0x800  }
0x246: {  	[sflag:s7] =	ssyncset.done $0x0  }
0x247: {  	[sflag:s7] =	ssyncadd.s32 $0xFFFFF800  }
0x248: {  	_ =	swait.ge [sflag:s7], $0x800  }
0x249: {  	[sflag:s7] =	ssyncset.done $0x0  }
0x24a: {  	[sflag:s7] =	ssyncadd.s32 $0xFFFFF800  }
0x24b: {  	_ =	swait.ge [sflag:s7], $0x800  }
0x24c: {  	[sflag:s7] =	ssyncset.done $0x0  }
0x24d: {  	[sflag:s7] =	ssyncadd.s32 $0xFFFFF800  }
0x24e: {  	_ =	swait.ge [sflag:s7], $0x800  }
0x24f: {  	[sflag:s7] =	ssyncset.done $0x0  }
0x250: {  	[sflag:s7] =	ssyncadd.s32 $0xFFFFF800  }
0x251: {  	_ =	swait.ge [sflag:s7], $0x800  }
0x252: {  	[sflag:s7] =	ssyncset.done $0x0  }
0x253: {  	[sflag:s7] =	ssyncadd.s32 $0xFFFFF800  }
0x254: {  	_ =	swait.ge [sflag:s7], $0x800  }
0x255: {  	[sflag:s7] =	ssyncset.done $0x0  }
0x256: {  	[sflag:s7] =	ssyncadd.s32 $0xFFFFF800  }
0x257: {  	_ =	swait.ge [sflag:s7], $0x800  }
0x258: {  	s9 =	rddreg [dreg:$0x16]  }
0x259: {  	s21 =	rddreg [dreg:$0x15];
	s9 =	sadd.s32 $0x1, s9  }
0x25a: {  	p0 =	sne.s32 s9, s21  }
.Ltmp3:
0x25b: {  	_ = 	snop;
	(pc) =	sbr.rel @p0 .LBB2_1-.Ltmp3, $3  }
0x25c: {  	_ =	sdelay $0x1  }
0x25d: {  	[sflag:s7] =	ssyncset.done $0x0  }
0x25e: {  	[sflag:s7] =	ssyncadd.s32 $0xFFFFF800  }
0x25f: {  	_ =	sfence.sel $0x180000  }
0x260: {  	[bflag:$0x0] =	sbarrier.arrive $0xFFFF  }
0x261: {  	_ =	strace $0x90000047  }
0x262: {  	s0 =	stileid.u32;
	[bflag:$0x2] =	sbarrier.arrive $0xFFFF  }
0x263: {  	p0 =	sne.s32 s0, $0x0;
	s0 =	rddreg [dreg:$0x3]  }
0x264: {  	s0 =	sadd.s32 @!p0 $0x100000, s0  }
0x265: {  	[sflag:s0] =	ssyncadd.tile.s32 @!p0 $0x1;
	_ =	shalt  }
.Lfunc_end2:
_tile_overlayer_lowered:
.L_overlay_start_2:
0x266: {  	(tag) =	ssettag $0x2  }
0x267: {  	s0 =	rddreg [dreg:$0x0];
	s2 =	stileid.u32  }
0x268: {  	s1 =	rddreg [dreg:$0x1];
	p0 =	sne.s32 s2, $0x0  }
0x269: {  	s3 =	rddreg [dreg:$0x2];
	[bflag:$0x3] =	sbarrier.arrive $0xFFFF;
	s2 =	simm.s32 @!p0 $0x1C05  }
0x26a: {  	[timem:s3], [sflag:s2] =	dma.local @!p0 [hbm:s0], s1  }
0x26b: {  	s0 =	simm.s32 @!p0 $0x5  }
0x26c: {  	_ =	swait.ge @!p0 [sflag:s0], s1  }
0x26d: {  	s1 =	ssub.s32 @!p0 $0x0, s1;
	[sflag:s0] =	ssyncset.done @!p0 $0x0  }
0x26e: {  	[sflag:s0] =	ssyncadd.s32 @!p0 s1  }
0x26f: {  	[bflag:$0x3] =	sbarrier.arrive $0xFFFF  }
0x270: {  	_ =	shalt  }

</sc_bundles>
